<compile_context>
chip_gen: v7x
topology: tpu7x:2x2x1
jax: 0.10.2.dev20260603
libtpu: 0.0.44.dev20260713+nightly
codegen_flags: <defaults>
</compile_context>

<pallas_src>
import functools
import jax
import jax.numpy as jnp
from jax import lax
from jax.experimental import pallas as pl
from jax.experimental.pallas import tpu as pltpu
from jax.experimental.pallas import tpu_sc as plsc

N = 10000
N_PAD = 10240
E = 160000
E_PAD = 163840
IN_CH = 256
HID = 512
OUT_CH = 256
EPS = 1e-5

_NC = 2
_NS = 16
_ROWS_PER_SUB = N_PAD // _NS
_EDGES_PER_SUB = E_PAD // _NS
_EB = 128
_NB = _EDGES_PER_SUB // _EB


def _sc_mesh():
    return plsc.VectorSubcoreMesh(core_axis_name="c", subcore_axis_name="s")


def _sc_degree(dst2d, zeros128, ones128):
    half = _NB // 2

    @functools.partial(
        pl.kernel,
        out_type=jax.ShapeDtypeStruct((_NC, N_PAD, 128), jnp.float32),
        mesh=_sc_mesh(),
        scratch_types=[
            pltpu.VMEM_SHARED((N_PAD, 128), jnp.float32),
            pltpu.VMEM((_EB, 128), jnp.float32),
            pltpu.VMEM((half, _EB), jnp.int32),
            pltpu.SemaphoreType.DMA,
        ],
    )
    def k(dst_hbm, z_hbm, ones_hbm, out_hbm, acc, ones_v, didx2, ssem):
        cid = lax.axis_index("c")
        sid = lax.axis_index("s")
        pltpu.sync_copy(ones_hbm, ones_v)
        pltpu.sync_copy(dst_hbm.at[pl.ds((cid * _NS + sid) * half, half)],
                        didx2)
        pltpu.sync_copy(z_hbm, acc.at[pl.ds(sid * _ROWS_PER_SUB, _ROWS_PER_SUB)])
        plsc.subcore_barrier()

        @pl.loop(0, half, step=8)
        def _(b):
            cps = [pltpu.async_copy(ones_v, acc.at[didx2.at[b + j]], ssem,
                                    add=True) for j in range(8)]
            for cp in cps:
                cp.wait()

        plsc.subcore_barrier()
        s = pl.ds(sid * _ROWS_PER_SUB, _ROWS_PER_SUB)
        pltpu.sync_copy(acc.at[s], out_hbm.at[cid].at[s])

    return k(dst2d, zeros128, ones128)


def _split_gather(table, sidx, bufs, j, sem):
    pltpu.async_copy(table.at[sidx.at[j]], bufs.at[j], sem)


def _sc_segsum(hs_c, src2d, dst2d, zeros128, n_chunks):
    per_core = n_chunks // _NC

    @functools.partial(
        pl.kernel,
        out_type=jax.ShapeDtypeStruct((n_chunks, N_PAD, 128), jnp.float32),
        mesh=_sc_mesh(),
        scratch_types=[
            pltpu.VMEM_SHARED((N_PAD, 128), jnp.float32),
            pltpu.VMEM((2, _EB, 128), jnp.float32),
            pltpu.VMEM((_NB, _EB), jnp.int32),
            pltpu.VMEM((2, _EB), jnp.int32),
            [pltpu.SemaphoreType.DMA] * 2,
            [pltpu.SemaphoreType.DMA] * 2,
            [pltpu.SemaphoreType.DMA] * 2,
        ],
    )
    def k(hs_hbm, src_hbm, dst_hbm, z_hbm, out_hbm, acc, bufs, didx2, sidx,
          gsems, ssems, isems):
        cid = lax.axis_index("c")
        sid = lax.axis_index("s")
        rows = pl.ds(sid * _ROWS_PER_SUB, _ROWS_PER_SUB)
        ib = sid * _NB
        pltpu.sync_copy(dst_hbm.at[pl.ds(ib, _NB)], didx2)
        for ci in range(per_core):
            chunk = cid * per_core + ci
            pltpu.sync_copy(z_hbm, acc.at[rows])
            for j in range(2):
                pltpu.sync_copy(src_hbm.at[ib + j], sidx.at[j])
                _split_gather(hs_hbm.at[chunk], sidx, bufs, j, gsems[j])
            plsc.subcore_barrier()

            @pl.loop(0, _NB, step=2)
            def _(b):
                scs, lds = [], []
                for j in range(2):
                    pltpu.make_async_copy(hs_hbm.at[chunk].at[sidx.at[j]],
                                          bufs.at[j], gsems[j]).wait()
                    lds.append(pltpu.async_copy(src_hbm.at[ib + b + 2 + j],
                                                sidx.at[j], isems[j]))
                    scs.append(pltpu.async_copy(
                        bufs.at[j], acc.at[didx2.at[b + j]], ssems[j],
                        add=True))
                for j in range(2):
                    scs[j].wait()
                    lds[j].wait()

                    @pl.when(b + 2 + j < _NB)
                    def _():
                        _split_gather(hs_hbm.at[chunk], sidx, bufs, j,
                                      gsems[j])

            plsc.subcore_barrier()
            pltpu.sync_copy(acc.at[rows], out_hbm.at[chunk].at[rows])

    return k(hs_c, src2d, dst2d, zeros128)


_RB = 1280
_RG = N_PAD // _RB


def _tc_a_body(x_ref, deg_ref, o_ref):
    dinv = lax.rsqrt(deg_ref[0, :, 0:1] + deg_ref[1, :, 0:1] + 1.0)
    o_ref[0] = x_ref[...] * dinv


def _tc_a(x_p, deg16):
    return pl.pallas_call(
        _tc_a_body,
        grid=(_RG, IN_CH // 128),
        in_specs=[
            pl.BlockSpec((_RB, 128), lambda i, j: (i, j)),
            pl.BlockSpec((_NC, _RB, 128), lambda i, j: (0, i, 0)),
        ],
        out_specs=pl.BlockSpec((1, _RB, 128), lambda i, j: (j, i, 0)),
        out_shape=jax.ShapeDtypeStruct((IN_CH // 128, N_PAD, 128), jnp.float32),
    )(x_p, deg16)


def _tc_b_body(sx_ref, xs_ref, deg_ref, w1_ref, b_ref, g_ref, be_ref, w2_ref,
               o_ref):
    dinv = lax.rsqrt(deg_ref[0, :, 0:1] + deg_ref[1, :, 0:1] + 1.0)
    u = (sx_ref[...] + xs_ref[...]) * dinv[None]
    t = jnp.dot(u[0], w1_ref[:128], preferred_element_type=jnp.float32)
    t = t + jnp.dot(u[1], w1_ref[128:], preferred_element_type=jnp.float32)
    t = t + b_ref[...]
    mu = jnp.mean(t, axis=-1, keepdims=True)
    var = jnp.mean((t - mu) ** 2, axis=-1, keepdims=True)
    tn = (t - mu) * lax.rsqrt(var + EPS) * g_ref[...] + be_ref[...]
    tn = jnp.maximum(tn, 0.0)
    h2 = jnp.dot(tn, w2_ref[...], preferred_element_type=jnp.float32)
    row = lax.broadcasted_iota(jnp.int32, (_RB, 1), 0) + pl.program_id(0) * _RB
    hs2 = h2 * dinv * (row < N).astype(jnp.float32)
    o_ref[0] = hs2[:, :128]
    o_ref[1] = hs2[:, 128:]


def _tc_b(sxc, xsc, deg16, W1, b1, g1, be1, W2):
    ci = IN_CH // 128
    c2 = OUT_CH // 128
    return pl.pallas_call(
        _tc_b_body,
        grid=(_RG,),
        in_specs=[
            pl.BlockSpec((ci, _RB, 128), lambda i: (0, i, 0)),
            pl.BlockSpec((ci, _RB, 128), lambda i: (0, i, 0)),
            pl.BlockSpec((_NC, _RB, 128), lambda i: (0, i, 0)),
            pl.BlockSpec((IN_CH, HID), lambda i: (0, 0)),
            pl.BlockSpec((1, HID), lambda i: (0, 0)),
            pl.BlockSpec((1, HID), lambda i: (0, 0)),
            pl.BlockSpec((1, HID), lambda i: (0, 0)),
            pl.BlockSpec((HID, OUT_CH), lambda i: (0, 0)),
        ],
        out_specs=pl.BlockSpec((c2, _RB, 128), lambda i: (0, i, 0)),
        out_shape=jax.ShapeDtypeStruct((c2, N_PAD, 128), jnp.float32),
    )(sxc, xsc, deg16, W1, b1.reshape(1, HID), g1.reshape(1, HID),
      be1.reshape(1, HID), W2)


def _tc_c_body(agg_ref, hs_ref, deg_ref, b_ref, g_ref, be_ref, o_ref):
    dinv = lax.rsqrt(deg_ref[0, :, 0:1] + deg_ref[1, :, 0:1] + 1.0)
    t = (agg_ref[...] + hs_ref[...]) * dinv[None] + b_ref[...][:, None, :]
    mu = jnp.mean(t, axis=(0, 2))[None, :, None]
    var = jnp.mean((t - mu) ** 2, axis=(0, 2))[None, :, None]
    tn = (t - mu) * lax.rsqrt(var + EPS)
    tn = jnp.maximum(tn * g_ref[...][:, None, :] + be_ref[...][:, None, :], 0.0)
    o_ref[...] = jnp.concatenate([tn[0], tn[1]], axis=1)


def _tc_c(agg2c, hs2c, deg16, b2, g2, be2):
    c2 = OUT_CH // 128
    return pl.pallas_call(
        _tc_c_body,
        grid=(_RG,),
        in_specs=[
            pl.BlockSpec((c2, _RB, 128), lambda i: (0, i, 0)),
            pl.BlockSpec((c2, _RB, 128), lambda i: (0, i, 0)),
            pl.BlockSpec((_NC, _RB, 128), lambda i: (0, i, 0)),
            pl.BlockSpec((c2, 128), lambda i: (0, 0)),
            pl.BlockSpec((c2, 128), lambda i: (0, 0)),
            pl.BlockSpec((c2, 128), lambda i: (0, 0)),
        ],
        out_specs=pl.BlockSpec((_RB, OUT_CH), lambda i: (i, 0)),
        out_shape=jax.ShapeDtypeStruct((N_PAD, OUT_CH), jnp.float32),
    )(agg2c, hs2c, deg16, b2.reshape(c2, 128), g2.reshape(c2, 128),
      be2.reshape(c2, 128))


def kernel(x, edge_index, W1, b1, g1, be1, W2, b2, g2, be2):
    ei = edge_index.astype(jnp.int32)
    pad = jnp.full((E_PAD - E,), N, jnp.int32)
    src2d = jnp.pad(jnp.concatenate([ei[0], pad]).reshape(E_PAD // _EB, _EB),
                    ((0, 2), (0, 0)))
    dst2d = jnp.concatenate([ei[1], pad]).reshape(E_PAD // _EB, _EB)
    x_p = jnp.pad(x, ((0, N_PAD - N), (0, 0)))
    zeros128 = jnp.zeros((_ROWS_PER_SUB, 128), jnp.float32)
    ones128 = jnp.ones((_EB, 128), jnp.float32)

    deg16 = _sc_degree(dst2d, zeros128, ones128)
    xsc = _tc_a(x_p, deg16)
    sxc = _sc_segsum(xsc, src2d, dst2d, zeros128, IN_CH // 128)
    hs2c = _tc_b(sxc, xsc, deg16, W1, b1, g1, be1, W2)
    agg2c = _sc_segsum(hs2c, src2d, dst2d, zeros128, OUT_CH // 128)
    out_p = _tc_c(agg2c, hs2c, deg16, b2, g2, be2)
    return out_p[:N]

# --- scband reference (transcript-rebuilt; emitter-appended) ---
"""Pipeline reference for scband-encoder-20100446945621 (READ-ONLY COPY).

The authoritative reference and input builder live on the scoring server;
editing this copy changes nothing except your own understanding.
"""

import jax, jax.numpy as jnp
import numpy as np

N_NODES = 10000
N_EDGES = 160000
IN_CH = 256
OUT_CH = 256
HID = 2 * OUT_CH  # 512
EPS = 1e-5


def setup_inputs(seed: int = 0) -> dict:
    key = jax.random.key(seed)
    ks = jax.random.split(key, 8)
    x = jax.random.normal(ks[0], (N_NODES, IN_CH), dtype=jnp.float32)
    edge_index = jax.random.randint(ks[1], (2, N_EDGES), 0, N_NODES, dtype=jnp.int64)
    # GCNConv layer 1: in -> 2*out, layer 2: 2*out -> out (Glorot-ish init)
    W1 = jax.random.normal(ks[2], (IN_CH, HID), dtype=jnp.float32) * (1.0 / np.sqrt(IN_CH))
    b1 = jnp.zeros((HID,), dtype=jnp.float32)
    W2 = jax.random.normal(ks[3], (HID, OUT_CH), dtype=jnp.float32) * (1.0 / np.sqrt(HID))
    b2 = jnp.zeros((OUT_CH,), dtype=jnp.float32)
    # LayerNorm params
    g1 = jnp.ones((HID,), dtype=jnp.float32)
    be1 = jnp.zeros((HID,), dtype=jnp.float32)
    g2 = jnp.ones((OUT_CH,), dtype=jnp.float32)
    be2 = jnp.zeros((OUT_CH,), dtype=jnp.float32)
    return {"x": x, "edge_index": edge_index, "W1": W1, "b1": b1, "g1": g1,
            "be1": be1, "W2": W2, "b2": b2, "g2": g2, "be2": be2}


def _gcn_conv(x, W, b, src, dst, n_nodes):
    # linear transform
    h = x @ W
    # add self loops
    loop = jnp.arange(n_nodes, dtype=src.dtype)
    src2 = jnp.concatenate([src, loop])
    dst2 = jnp.concatenate([dst, loop])
    # symmetric normalization
    deg = jax.ops.segment_sum(jnp.ones_like(dst2, dtype=h.dtype), dst2, num_segments=n_nodes)
    dinv = jnp.where(deg > 0, jax.lax.rsqrt(jnp.maximum(deg, 1.0)), 0.0)
    norm = dinv[src2] * dinv[dst2]
    # gather messages, scale, scatter-add to destination
    msg = jnp.take(h, src2, axis=0) * norm[:, None]
    out = jax.ops.segment_sum(msg, dst2, num_segments=n_nodes)
    return out + b


def _layer_norm(x, gamma, beta):
    mu = jnp.mean(x, axis=-1, keepdims=True)
    var = jnp.mean((x - mu) ** 2, axis=-1, keepdims=True)
    return (x - mu) * jax.lax.rsqrt(var + EPS) * gamma + beta


def reference(x, edge_index, W1, b1, g1, be1, W2, b2, g2, be2):
    src = edge_index[0]
    dst = edge_index[1]
    n = x.shape[0]
    # dropout is identity in eval mode (training=False)
    h = _gcn_conv(x, W1, b1, src, dst, n)
    h = _layer_norm(h, g1, be1)
    h = jax.nn.relu(h)
    h = _gcn_conv(h, W2, b2, src, dst, n)
    h = _layer_norm(h, g2, be2)
    return jax.nn.relu(h)

if __name__ == "__main__":
    import jax
    _d = setup_inputs()
    print(jax.jit(kernel)(*tuple(_d.values())))

</pallas_src>

<mosaic_0001>
#map = affine_map<(d0, d1) -> (0, 0)>
#map1 = affine_map<(d0, d1) -> (0, 0, 0)>
module attributes {stable_mosaic.version = 14 : i64} {
  func.func @k(%arg0: i32, %arg1: i32, %arg2: memref<1280x128xi32, #tpu.memory_space<hbm>>, %arg3: memref<640x128xf32, #tpu.memory_space<hbm>>, %arg4: memref<128x128xf32, #tpu.memory_space<hbm>>, %arg5: memref<2x10240x128xf32, #tpu.memory_space<hbm>>, %arg6: memref<10240x128xf32, #tpu.memory_space<vmem_shared>>, %arg7: memref<128x128xf32, #tpu.memory_space<vmem>>, %arg8: memref<40x128xi32, #tpu.memory_space<vmem>>, %arg9: memref<!tpu.dma_semaphore, #tpu.memory_space<semaphore_mem>>) attributes {dimension_semantics = [#tpu.dimension_semantics<core_parallel>, #tpu.dimension_semantics<subcore_parallel>], iteration_bounds = array<i64: 2, 16>, scalar_prefetch = 0 : i64, scratch_operands = 4 : i64, tpu.core_type = #tpu.core_type<sc_vector_subcore>, window_params = [{transform_indices = #map}, {transform_indices = #map}, {transform_indices = #map}, {transform_indices = #map1}]} {
    "tpu.region"() ({
      %run_scoped3A = tpu.sem_alloc : memref<!tpu.dma_semaphore, #tpu.memory_space<semaphore_mem>>
      tpu.enqueue_dma source(%arg4 : memref<128x128xf32, #tpu.memory_space<hbm>>) target(%arg7 : memref<128x128xf32, #tpu.memory_space<vmem>>) target_semaphore(%run_scoped3A : memref<!tpu.dma_semaphore, #tpu.memory_space<semaphore_mem>>)
      tpu.wait_dma2 semaphore(%run_scoped3A : memref<!tpu.dma_semaphore, #tpu.memory_space<semaphore_mem>>) src(%arg4 : memref<128x128xf32, #tpu.memory_space<hbm>>) dst(%arg7 : memref<128x128xf32, #tpu.memory_space<vmem>>)
      tpu.yield
    }) : () -> ()
    %mul3A = arith.constant 16 : i32
    %mul3A_0 = arith.muli %arg0, %mul3A : i32
    %add3A = arith.addi %mul3A_0, %arg1 : i32
    %mul3A_1 = arith.constant 40 : i32
    %mul3A_2 = arith.muli %add3A, %mul3A_1 : i32
    "tpu.region"() ({
      %run_scoped3A = tpu.sem_alloc : memref<!tpu.dma_semaphore, #tpu.memory_space<semaphore_mem>>
      %dma_start3A = arith.constant 0 : i32
      %dma_start3A_12 = tpu.memref_slice %arg2[%mul3A_2, %dma_start3A] : memref<1280x128xi32, #tpu.memory_space<hbm>> -> memref<40x128xi32, #tpu.memory_space<hbm>>
      %dma_start3A_13 = arith.constant 0 : i32
      %dma_start3A_14 = tpu.memref_slice %arg2[%mul3A_2, %dma_start3A_13] : memref<1280x128xi32, #tpu.memory_space<hbm>> -> memref<40x128xi32, #tpu.memory_space<hbm>>
      tpu.enqueue_dma source(%dma_start3A_14 : memref<40x128xi32, #tpu.memory_space<hbm>>) target(%arg8 : memref<40x128xi32, #tpu.memory_space<vmem>>) target_semaphore(%run_scoped3A : memref<!tpu.dma_semaphore, #tpu.memory_space<semaphore_mem>>)
      %dma_wait3A = arith.constant 0 : i32
      %dma_wait3A_15 = tpu.memref_slice %arg2[%mul3A_2, %dma_wait3A] : memref<1280x128xi32, #tpu.memory_space<hbm>> -> memref<40x128xi32, #tpu.memory_space<hbm>>
      %dma_wait3A_16 = arith.constant 0 : i32
      %dma_wait3A_17 = tpu.memref_slice %arg2[%mul3A_2, %dma_wait3A_16] : memref<1280x128xi32, #tpu.memory_space<hbm>> -> memref<40x128xi32, #tpu.memory_space<hbm>>
      tpu.wait_dma2 semaphore(%run_scoped3A : memref<!tpu.dma_semaphore, #tpu.memory_space<semaphore_mem>>) src(%dma_wait3A_17 : memref<40x128xi32, #tpu.memory_space<hbm>>) dst(%arg8 : memref<40x128xi32, #tpu.memory_space<vmem>>)
      tpu.yield
    }) : () -> ()
    %mul3A_3 = arith.constant 640 : i32
    %mul3A_4 = arith.muli %arg1, %mul3A_3 : i32
    "tpu.region"() ({
      %run_scoped3A = tpu.sem_alloc : memref<!tpu.dma_semaphore, #tpu.memory_space<semaphore_mem>>
      %dma_start3A = arith.constant 0 : i32
      %dma_start3A_12 = tpu.memref_slice %arg6[%mul3A_4, %dma_start3A] : memref<10240x128xf32, #tpu.memory_space<vmem_shared>> -> memref<640x128xf32, #tpu.memory_space<vmem_shared>>
      tpu.enqueue_dma source(%arg3 : memref<640x128xf32, #tpu.memory_space<hbm>>) target(%dma_start3A_12 : memref<640x128xf32, #tpu.memory_space<vmem_shared>>) target_semaphore(%run_scoped3A : memref<!tpu.dma_semaphore, #tpu.memory_space<semaphore_mem>>)
      %dma_wait3A = arith.constant 0 : i32
      %dma_wait3A_13 = tpu.memref_slice %arg6[%mul3A_4, %dma_wait3A] : memref<10240x128xf32, #tpu.memory_space<vmem_shared>> -> memref<640x128xf32, #tpu.memory_space<vmem_shared>>
      tpu.wait_dma2 semaphore(%run_scoped3A : memref<!tpu.dma_semaphore, #tpu.memory_space<semaphore_mem>>) src(%arg3 : memref<640x128xf32, #tpu.memory_space<hbm>>) dst(%dma_wait3A_13 : memref<640x128xf32, #tpu.memory_space<vmem_shared>>)
      tpu.yield
    }) : () -> ()
    %barrier3A = arith.constant 0 : index
    tpu.barrier barrier_id(%barrier3A)
    %scan3A = arith.constant 0 : i32
    %scan3A_5 = arith.constant 5 : i32
    %scan3A_6 = arith.addi %scan3A, %scan3A_5 : i32
    %scan3A_7 = arith.constant 1 : i32
    scf.for %scan3A_12 = %scan3A to %scan3A_6 step %scan3A_7  : i32 {
      %mul3A_13 = arith.constant 8 : i32
      %mul3A_14 = arith.muli %scan3A_12, %mul3A_13 : i32
      %add3A_15 = arith.constant 0 : i32
      %add3A_16 = arith.addi %add3A_15, %mul3A_14 : i32
      %add3A_17 = arith.constant 0 : i32
      %add3A_18 = arith.addi %add3A_16, %add3A_17 : i32
      %dma_start3A = arith.constant 0 : i32
      %dma_start3A_19 = tpu.memref_slice %arg8[%add3A_18, %dma_start3A] : memref<40x128xi32, #tpu.memory_space<vmem>> -> memref<1x128xi32, #tpu.memory_space<vmem>>
      %dma_start3A_20 = tpu.memref_squeeze %dma_start3A_19 : memref<1x128xi32, #tpu.memory_space<vmem>> -> memref<128xi32, #tpu.memory_space<vmem>>
      %dma_start3A_21 = arith.constant 0 : i32
      %dma_start3A_22 = arith.constant 0 : i32
      %dma_start3A_23 = tpu.memref_slice %arg6[%dma_start3A_21, %dma_start3A_22] : memref<10240x128xf32, #tpu.memory_space<vmem_shared>> -> memref<10240x128xf32, #tpu.memory_space<vmem_shared>>
      tpu.enqueue_indirect_dma source(%arg7 : memref<128x128xf32, #tpu.memory_space<vmem>>) target(%dma_start3A_23 : memref<10240x128xf32, #tpu.memory_space<vmem_shared>>) offsets(%dma_start3A_20 : memref<128xi32, #tpu.memory_space<vmem>>) semaphore(%arg9 : memref<!tpu.dma_semaphore, #tpu.memory_space<semaphore_mem>>) {add = true}
      %add3A_24 = arith.constant 1 : i32
      %add3A_25 = arith.addi %add3A_16, %add3A_24 : i32
      %dma_start3A_26 = arith.constant 0 : i32
      %dma_start3A_27 = tpu.memref_slice %arg8[%add3A_25, %dma_start3A_26] : memref<40x128xi32, #tpu.memory_space<vmem>> -> memref<1x128xi32, #tpu.memory_space<vmem>>
      %dma_start3A_28 = tpu.memref_squeeze %dma_start3A_27 : memref<1x128xi32, #tpu.memory_space<vmem>> -> memref<128xi32, #tpu.memory_space<vmem>>
      %dma_start3A_29 = arith.constant 0 : i32
      %dma_start3A_30 = arith.constant 0 : i32
      %dma_start3A_31 = tpu.memref_slice %arg6[%dma_start3A_29, %dma_start3A_30] : memref<10240x128xf32, #tpu.memory_space<vmem_shared>> -> memref<10240x128xf32, #tpu.memory_space<vmem_shared>>
      tpu.enqueue_indirect_dma source(%arg7 : memref<128x128xf32, #tpu.memory_space<vmem>>) target(%dma_start3A_31 : memref<10240x128xf32, #tpu.memory_space<vmem_shared>>) offsets(%dma_start3A_28 : memref<128xi32, #tpu.memory_space<vmem>>) semaphore(%arg9 : memref<!tpu.dma_semaphore, #tpu.memory_space<semaphore_mem>>) {add = true}
      %add3A_32 = arith.constant 2 : i32
      %add3A_33 = arith.addi %add3A_16, %add3A_32 : i32
      %dma_start3A_34 = arith.constant 0 : i32
      %dma_start3A_35 = tpu.memref_slice %arg8[%add3A_33, %dma_start3A_34] : memref<40x128xi32, #tpu.memory_space<vmem>> -> memref<1x128xi32, #tpu.memory_space<vmem>>
      %dma_start3A_36 = tpu.memref_squeeze %dma_start3A_35 : memref<1x128xi32, #tpu.memory_space<vmem>> -> memref<128xi32, #tpu.memory_space<vmem>>
      %dma_start3A_37 = arith.constant 0 : i32
      %dma_start3A_38 = arith.constant 0 : i32
      %dma_start3A_39 = tpu.memref_slice %arg6[%dma_start3A_37, %dma_start3A_38] : memref<10240x128xf32, #tpu.memory_space<vmem_shared>> -> memref<10240x128xf32, #tpu.memory_space<vmem_shared>>
      tpu.enqueue_indirect_dma source(%arg7 : memref<128x128xf32, #tpu.memory_space<vmem>>) target(%dma_start3A_39 : memref<10240x128xf32, #tpu.memory_space<vmem_shared>>) offsets(%dma_start3A_36 : memref<128xi32, #tpu.memory_space<vmem>>) semaphore(%arg9 : memref<!tpu.dma_semaphore, #tpu.memory_space<semaphore_mem>>) {add = true}
      %add3A_40 = arith.constant 3 : i32
      %add3A_41 = arith.addi %add3A_16, %add3A_40 : i32
      %dma_start3A_42 = arith.constant 0 : i32
      %dma_start3A_43 = tpu.memref_slice %arg8[%add3A_41, %dma_start3A_42] : memref<40x128xi32, #tpu.memory_space<vmem>> -> memref<1x128xi32, #tpu.memory_space<vmem>>
      %dma_start3A_44 = tpu.memref_squeeze %dma_start3A_43 : memref<1x128xi32, #tpu.memory_space<vmem>> -> memref<128xi32, #tpu.memory_space<vmem>>
      %dma_start3A_45 = arith.constant 0 : i32
      %dma_start3A_46 = arith.constant 0 : i32
      %dma_start3A_47 = tpu.memref_slice %arg6[%dma_start3A_45, %dma_start3A_46] : memref<10240x128xf32, #tpu.memory_space<vmem_shared>> -> memref<10240x128xf32, #tpu.memory_space<vmem_shared>>
      tpu.enqueue_indirect_dma source(%arg7 : memref<128x128xf32, #tpu.memory_space<vmem>>) target(%dma_start3A_47 : memref<10240x128xf32, #tpu.memory_space<vmem_shared>>) offsets(%dma_start3A_44 : memref<128xi32, #tpu.memory_space<vmem>>) semaphore(%arg9 : memref<!tpu.dma_semaphore, #tpu.memory_space<semaphore_mem>>) {add = true}
      %add3A_48 = arith.constant 4 : i32
      %add3A_49 = arith.addi %add3A_16, %add3A_48 : i32
      %dma_start3A_50 = arith.constant 0 : i32
      %dma_start3A_51 = tpu.memref_slice %arg8[%add3A_49, %dma_start3A_50] : memref<40x128xi32, #tpu.memory_space<vmem>> -> memref<1x128xi32, #tpu.memory_space<vmem>>
      %dma_start3A_52 = tpu.memref_squeeze %dma_start3A_51 : memref<1x128xi32, #tpu.memory_space<vmem>> -> memref<128xi32, #tpu.memory_space<vmem>>
      %dma_start3A_53 = arith.constant 0 : i32
      %dma_start3A_54 = arith.constant 0 : i32
      %dma_start3A_55 = tpu.memref_slice %arg6[%dma_start3A_53, %dma_start3A_54] : memref<10240x128xf32, #tpu.memory_space<vmem_shared>> -> memref<10240x128xf32, #tpu.memory_space<vmem_shared>>
      tpu.enqueue_indirect_dma source(%arg7 : memref<128x128xf32, #tpu.memory_space<vmem>>) target(%dma_start3A_55 : memref<10240x128xf32, #tpu.memory_space<vmem_shared>>) offsets(%dma_start3A_52 : memref<128xi32, #tpu.memory_space<vmem>>) semaphore(%arg9 : memref<!tpu.dma_semaphore, #tpu.memory_space<semaphore_mem>>) {add = true}
      %add3A_56 = arith.constant 5 : i32
      %add3A_57 = arith.addi %add3A_16, %add3A_56 : i32
      %dma_start3A_58 = arith.constant 0 : i32
      %dma_start3A_59 = tpu.memref_slice %arg8[%add3A_57, %dma_start3A_58] : memref<40x128xi32, #tpu.memory_space<vmem>> -> memref<1x128xi32, #tpu.memory_space<vmem>>
      %dma_start3A_60 = tpu.memref_squeeze %dma_start3A_59 : memref<1x128xi32, #tpu.memory_space<vmem>> -> memref<128xi32, #tpu.memory_space<vmem>>
      %dma_start3A_61 = arith.constant 0 : i32
      %dma_start3A_62 = arith.constant 0 : i32
      %dma_start3A_63 = tpu.memref_slice %arg6[%dma_start3A_61, %dma_start3A_62] : memref<10240x128xf32, #tpu.memory_space<vmem_shared>> -> memref<10240x128xf32, #tpu.memory_space<vmem_shared>>
      tpu.enqueue_indirect_dma source(%arg7 : memref<128x128xf32, #tpu.memory_space<vmem>>) target(%dma_start3A_63 : memref<10240x128xf32, #tpu.memory_space<vmem_shared>>) offsets(%dma_start3A_60 : memref<128xi32, #tpu.memory_space<vmem>>) semaphore(%arg9 : memref<!tpu.dma_semaphore, #tpu.memory_space<semaphore_mem>>) {add = true}
      %add3A_64 = arith.constant 6 : i32
      %add3A_65 = arith.addi %add3A_16, %add3A_64 : i32
      %dma_start3A_66 = arith.constant 0 : i32
      %dma_start3A_67 = tpu.memref_slice %arg8[%add3A_65, %dma_start3A_66] : memref<40x128xi32, #tpu.memory_space<vmem>> -> memref<1x128xi32, #tpu.memory_space<vmem>>
      %dma_start3A_68 = tpu.memref_squeeze %dma_start3A_67 : memref<1x128xi32, #tpu.memory_space<vmem>> -> memref<128xi32, #tpu.memory_space<vmem>>
      %dma_start3A_69 = arith.constant 0 : i32
      %dma_start3A_70 = arith.constant 0 : i32
      %dma_start3A_71 = tpu.memref_slice %arg6[%dma_start3A_69, %dma_start3A_70] : memref<10240x128xf32, #tpu.memory_space<vmem_shared>> -> memref<10240x128xf32, #tpu.memory_space<vmem_shared>>
      tpu.enqueue_indirect_dma source(%arg7 : memref<128x128xf32, #tpu.memory_space<vmem>>) target(%dma_start3A_71 : memref<10240x128xf32, #tpu.memory_space<vmem_shared>>) offsets(%dma_start3A_68 : memref<128xi32, #tpu.memory_space<vmem>>) semaphore(%arg9 : memref<!tpu.dma_semaphore, #tpu.memory_space<semaphore_mem>>) {add = true}
      %add3A_72 = arith.constant 7 : i32
      %add3A_73 = arith.addi %add3A_16, %add3A_72 : i32
      %dma_start3A_74 = arith.constant 0 : i32
      %dma_start3A_75 = tpu.memref_slice %arg8[%add3A_73, %dma_start3A_74] : memref<40x128xi32, #tpu.memory_space<vmem>> -> memref<1x128xi32, #tpu.memory_space<vmem>>
      %dma_start3A_76 = tpu.memref_squeeze %dma_start3A_75 : memref<1x128xi32, #tpu.memory_space<vmem>> -> memref<128xi32, #tpu.memory_space<vmem>>
      %dma_start3A_77 = arith.constant 0 : i32
      %dma_start3A_78 = arith.constant 0 : i32
      %dma_start3A_79 = tpu.memref_slice %arg6[%dma_start3A_77, %dma_start3A_78] : memref<10240x128xf32, #tpu.memory_space<vmem_shared>> -> memref<10240x128xf32, #tpu.memory_space<vmem_shared>>
      tpu.enqueue_indirect_dma source(%arg7 : memref<128x128xf32, #tpu.memory_space<vmem>>) target(%dma_start3A_79 : memref<10240x128xf32, #tpu.memory_space<vmem_shared>>) offsets(%dma_start3A_76 : memref<128xi32, #tpu.memory_space<vmem>>) semaphore(%arg9 : memref<!tpu.dma_semaphore, #tpu.memory_space<semaphore_mem>>) {add = true}
      %dma_wait3A = arith.constant 0 : i32
      %dma_wait3A_80 = tpu.memref_slice %arg8[%add3A_18, %dma_wait3A] : memref<40x128xi32, #tpu.memory_space<vmem>> -> memref<1x128xi32, #tpu.memory_space<vmem>>
      %dma_wait3A_81 = tpu.memref_squeeze %dma_wait3A_80 : memref<1x128xi32, #tpu.memory_space<vmem>> -> memref<128xi32, #tpu.memory_space<vmem>>
      %dma_wait3A_82 = arith.constant 0 : i32
      %dma_wait3A_83 = arith.constant 0 : i32
      %dma_wait3A_84 = tpu.memref_slice %arg6[%dma_wait3A_82, %dma_wait3A_83] : memref<10240x128xf32, #tpu.memory_space<vmem_shared>> -> memref<10240x128xf32, #tpu.memory_space<vmem_shared>>
      tpu.wait_indirect_dma semaphore(%arg9 : memref<!tpu.dma_semaphore, #tpu.memory_space<semaphore_mem>>) src(%arg7 : memref<128x128xf32, #tpu.memory_space<vmem>>) dst(%dma_wait3A_84 : memref<10240x128xf32, #tpu.memory_space<vmem_shared>>)
      %dma_wait3A_85 = arith.constant 0 : i32
      %dma_wait3A_86 = tpu.memref_slice %arg8[%add3A_25, %dma_wait3A_85] : memref<40x128xi32, #tpu.memory_space<vmem>> -> memref<1x128xi32, #tpu.memory_space<vmem>>
      %dma_wait3A_87 = tpu.memref_squeeze %dma_wait3A_86 : memref<1x128xi32, #tpu.memory_space<vmem>> -> memref<128xi32, #tpu.memory_space<vmem>>
      %dma_wait3A_88 = arith.constant 0 : i32
      %dma_wait3A_89 = arith.constant 0 : i32
      %dma_wait3A_90 = tpu.memref_slice %arg6[%dma_wait3A_88, %dma_wait3A_89] : memref<10240x128xf32, #tpu.memory_space<vmem_shared>> -> memref<10240x128xf32, #tpu.memory_space<vmem_shared>>
      tpu.wait_indirect_dma semaphore(%arg9 : memref<!tpu.dma_semaphore, #tpu.memory_space<semaphore_mem>>) src(%arg7 : memref<128x128xf32, #tpu.memory_space<vmem>>) dst(%dma_wait3A_90 : memref<10240x128xf32, #tpu.memory_space<vmem_shared>>)
      %dma_wait3A_91 = arith.constant 0 : i32
      %dma_wait3A_92 = tpu.memref_slice %arg8[%add3A_33, %dma_wait3A_91] : memref<40x128xi32, #tpu.memory_space<vmem>> -> memref<1x128xi32, #tpu.memory_space<vmem>>
      %dma_wait3A_93 = tpu.memref_squeeze %dma_wait3A_92 : memref<1x128xi32, #tpu.memory_space<vmem>> -> memref<128xi32, #tpu.memory_space<vmem>>
      %dma_wait3A_94 = arith.constant 0 : i32
      %dma_wait3A_95 = arith.constant 0 : i32
      %dma_wait3A_96 = tpu.memref_slice %arg6[%dma_wait3A_94, %dma_wait3A_95] : memref<10240x128xf32, #tpu.memory_space<vmem_shared>> -> memref<10240x128xf32, #tpu.memory_space<vmem_shared>>
      tpu.wait_indirect_dma semaphore(%arg9 : memref<!tpu.dma_semaphore, #tpu.memory_space<semaphore_mem>>) src(%arg7 : memref<128x128xf32, #tpu.memory_space<vmem>>) dst(%dma_wait3A_96 : memref<10240x128xf32, #tpu.memory_space<vmem_shared>>)
      %dma_wait3A_97 = arith.constant 0 : i32
      %dma_wait3A_98 = tpu.memref_slice %arg8[%add3A_41, %dma_wait3A_97] : memref<40x128xi32, #tpu.memory_space<vmem>> -> memref<1x128xi32, #tpu.memory_space<vmem>>
      %dma_wait3A_99 = tpu.memref_squeeze %dma_wait3A_98 : memref<1x128xi32, #tpu.memory_space<vmem>> -> memref<128xi32, #tpu.memory_space<vmem>>
      %dma_wait3A_100 = arith.constant 0 : i32
      %dma_wait3A_101 = arith.constant 0 : i32
      %dma_wait3A_102 = tpu.memref_slice %arg6[%dma_wait3A_100, %dma_wait3A_101] : memref<10240x128xf32, #tpu.memory_space<vmem_shared>> -> memref<10240x128xf32, #tpu.memory_space<vmem_shared>>
      tpu.wait_indirect_dma semaphore(%arg9 : memref<!tpu.dma_semaphore, #tpu.memory_space<semaphore_mem>>) src(%arg7 : memref<128x128xf32, #tpu.memory_space<vmem>>) dst(%dma_wait3A_102 : memref<10240x128xf32, #tpu.memory_space<vmem_shared>>)
      %dma_wait3A_103 = arith.constant 0 : i32
      %dma_wait3A_104 = tpu.memref_slice %arg8[%add3A_49, %dma_wait3A_103] : memref<40x128xi32, #tpu.memory_space<vmem>> -> memref<1x128xi32, #tpu.memory_space<vmem>>
      %dma_wait3A_105 = tpu.memref_squeeze %dma_wait3A_104 : memref<1x128xi32, #tpu.memory_space<vmem>> -> memref<128xi32, #tpu.memory_space<vmem>>
      %dma_wait3A_106 = arith.constant 0 : i32
      %dma_wait3A_107 = arith.constant 0 : i32
      %dma_wait3A_108 = tpu.memref_slice %arg6[%dma_wait3A_106, %dma_wait3A_107] : memref<10240x128xf32, #tpu.memory_space<vmem_shared>> -> memref<10240x128xf32, #tpu.memory_space<vmem_shared>>
      tpu.wait_indirect_dma semaphore(%arg9 : memref<!tpu.dma_semaphore, #tpu.memory_space<semaphore_mem>>) src(%arg7 : memref<128x128xf32, #tpu.memory_space<vmem>>) dst(%dma_wait3A_108 : memref<10240x128xf32, #tpu.memory_space<vmem_shared>>)
      %dma_wait3A_109 = arith.constant 0 : i32
      %dma_wait3A_110 = tpu.memref_slice %arg8[%add3A_57, %dma_wait3A_109] : memref<40x128xi32, #tpu.memory_space<vmem>> -> memref<1x128xi32, #tpu.memory_space<vmem>>
      %dma_wait3A_111 = tpu.memref_squeeze %dma_wait3A_110 : memref<1x128xi32, #tpu.memory_space<vmem>> -> memref<128xi32, #tpu.memory_space<vmem>>
      %dma_wait3A_112 = arith.constant 0 : i32
      %dma_wait3A_113 = arith.constant 0 : i32
      %dma_wait3A_114 = tpu.memref_slice %arg6[%dma_wait3A_112, %dma_wait3A_113] : memref<10240x128xf32, #tpu.memory_space<vmem_shared>> -> memref<10240x128xf32, #tpu.memory_space<vmem_shared>>
      tpu.wait_indirect_dma semaphore(%arg9 : memref<!tpu.dma_semaphore, #tpu.memory_space<semaphore_mem>>) src(%arg7 : memref<128x128xf32, #tpu.memory_space<vmem>>) dst(%dma_wait3A_114 : memref<10240x128xf32, #tpu.memory_space<vmem_shared>>)
      %dma_wait3A_115 = arith.constant 0 : i32
      %dma_wait3A_116 = tpu.memref_slice %arg8[%add3A_65, %dma_wait3A_115] : memref<40x128xi32, #tpu.memory_space<vmem>> -> memref<1x128xi32, #tpu.memory_space<vmem>>
      %dma_wait3A_117 = tpu.memref_squeeze %dma_wait3A_116 : memref<1x128xi32, #tpu.memory_space<vmem>> -> memref<128xi32, #tpu.memory_space<vmem>>
      %dma_wait3A_118 = arith.constant 0 : i32
      %dma_wait3A_119 = arith.constant 0 : i32
      %dma_wait3A_120 = tpu.memref_slice %arg6[%dma_wait3A_118, %dma_wait3A_119] : memref<10240x128xf32, #tpu.memory_space<vmem_shared>> -> memref<10240x128xf32, #tpu.memory_space<vmem_shared>>
      tpu.wait_indirect_dma semaphore(%arg9 : memref<!tpu.dma_semaphore, #tpu.memory_space<semaphore_mem>>) src(%arg7 : memref<128x128xf32, #tpu.memory_space<vmem>>) dst(%dma_wait3A_120 : memref<10240x128xf32, #tpu.memory_space<vmem_shared>>)
      %dma_wait3A_121 = arith.constant 0 : i32
      %dma_wait3A_122 = tpu.memref_slice %arg8[%add3A_73, %dma_wait3A_121] : memref<40x128xi32, #tpu.memory_space<vmem>> -> memref<1x128xi32, #tpu.memory_space<vmem>>
      %dma_wait3A_123 = tpu.memref_squeeze %dma_wait3A_122 : memref<1x128xi32, #tpu.memory_space<vmem>> -> memref<128xi32, #tpu.memory_space<vmem>>
      %dma_wait3A_124 = arith.constant 0 : i32
      %dma_wait3A_125 = arith.constant 0 : i32
      %dma_wait3A_126 = tpu.memref_slice %arg6[%dma_wait3A_124, %dma_wait3A_125] : memref<10240x128xf32, #tpu.memory_space<vmem_shared>> -> memref<10240x128xf32, #tpu.memory_space<vmem_shared>>
      tpu.wait_indirect_dma semaphore(%arg9 : memref<!tpu.dma_semaphore, #tpu.memory_space<semaphore_mem>>) src(%arg7 : memref<128x128xf32, #tpu.memory_space<vmem>>) dst(%dma_wait3A_126 : memref<10240x128xf32, #tpu.memory_space<vmem_shared>>)
    }
    %scan3A_8 = arith.constant 5 : i32
    %barrier3A_9 = arith.constant 0 : index
    tpu.barrier barrier_id(%barrier3A_9)
    %mul3A_10 = arith.constant 640 : i32
    %mul3A_11 = arith.muli %arg1, %mul3A_10 : i32
    "tpu.region"() ({
      %run_scoped3A = tpu.sem_alloc : memref<!tpu.dma_semaphore, #tpu.memory_space<semaphore_mem>>
      %dma_start3A = arith.constant 0 : i32
      %dma_start3A_12 = arith.constant 0 : i32
      %dma_start3A_13 = tpu.memref_slice %arg5[%arg0, %dma_start3A, %dma_start3A_12] : memref<2x10240x128xf32, #tpu.memory_space<hbm>> -> memref<1x10240x128xf32, #tpu.memory_space<hbm>>
      %dma_start3A_14 = tpu.memref_squeeze %dma_start3A_13 : memref<1x10240x128xf32, #tpu.memory_space<hbm>> -> memref<10240x128xf32, #tpu.memory_space<hbm>>
      %dma_start3A_15 = arith.constant 0 : i32
      %dma_start3A_16 = tpu.memref_slice %dma_start3A_14[%mul3A_11, %dma_start3A_15] : memref<10240x128xf32, #tpu.memory_space<hbm>> -> memref<640x128xf32, #tpu.memory_space<hbm>>
      %dma_start3A_17 = arith.constant 0 : i32
      %dma_start3A_18 = tpu.memref_slice %arg6[%mul3A_11, %dma_start3A_17] : memref<10240x128xf32, #tpu.memory_space<vmem_shared>> -> memref<640x128xf32, #tpu.memory_space<vmem_shared>>
      tpu.enqueue_dma source(%dma_start3A_18 : memref<640x128xf32, #tpu.memory_space<vmem_shared>>) target(%dma_start3A_16 : memref<640x128xf32, #tpu.memory_space<hbm>>) target_semaphore(%run_scoped3A : memref<!tpu.dma_semaphore, #tpu.memory_space<semaphore_mem>>)
      %dma_wait3A = arith.constant 0 : i32
      %dma_wait3A_19 = arith.constant 0 : i32
      %dma_wait3A_20 = tpu.memref_slice %arg5[%arg0, %dma_wait3A, %dma_wait3A_19] : memref<2x10240x128xf32, #tpu.memory_space<hbm>> -> memref<1x10240x128xf32, #tpu.memory_space<hbm>>
      %dma_wait3A_21 = tpu.memref_squeeze %dma_wait3A_20 : memref<1x10240x128xf32, #tpu.memory_space<hbm>> -> memref<10240x128xf32, #tpu.memory_space<hbm>>
      %dma_wait3A_22 = arith.constant 0 : i32
      %dma_wait3A_23 = tpu.memref_slice %dma_wait3A_21[%mul3A_11, %dma_wait3A_22] : memref<10240x128xf32, #tpu.memory_space<hbm>> -> memref<640x128xf32, #tpu.memory_space<hbm>>
      %dma_wait3A_24 = arith.constant 0 : i32
      %dma_wait3A_25 = tpu.memref_slice %arg6[%mul3A_11, %dma_wait3A_24] : memref<10240x128xf32, #tpu.memory_space<vmem_shared>> -> memref<640x128xf32, #tpu.memory_space<vmem_shared>>
      tpu.wait_dma2 semaphore(%run_scoped3A : memref<!tpu.dma_semaphore, #tpu.memory_space<semaphore_mem>>) src(%dma_wait3A_25 : memref<640x128xf32, #tpu.memory_space<vmem_shared>>) dst(%dma_wait3A_23 : memref<640x128xf32, #tpu.memory_space<hbm>>)
      tpu.yield
    }) : () -> ()
    return
  }
}

#map = affine_map<(d0, d1) -> (0, 0, 0)>
#map1 = affine_map<(d0, d1) -> (0, 0)>
module attributes {stable_mosaic.version = 14 : i64} {
  func.func @k(%arg0: i32, %arg1: i32, %arg2: memref<2x10240x128xf32, #tpu.memory_space<hbm>>, %arg3: memref<1282x128xi32, #tpu.memory_space<hbm>>, %arg4: memref<1280x128xi32, #tpu.memory_space<hbm>>, %arg5: memref<640x128xf32, #tpu.memory_space<hbm>>, %arg6: memref<2x10240x128xf32, #tpu.memory_space<hbm>>, %arg7: memref<10240x128xf32, #tpu.memory_space<vmem_shared>>, %arg8: memref<2x128x128xf32, #tpu.memory_space<vmem>>, %arg9: memref<80x128xi32, #tpu.memory_space<vmem>>, %arg10: memref<2x128xi32, #tpu.memory_space<vmem>>, %arg11: memref<!tpu.dma_semaphore, #tpu.memory_space<semaphore_mem>>, %arg12: memref<!tpu.dma_semaphore, #tpu.memory_space<semaphore_mem>>, %arg13: memref<!tpu.dma_semaphore, #tpu.memory_space<semaphore_mem>>, %arg14: memref<!tpu.dma_semaphore, #tpu.memory_space<semaphore_mem>>, %arg15: memref<!tpu.dma_semaphore, #tpu.memory_space<semaphore_mem>>, %arg16: memref<!tpu.dma_semaphore, #tpu.memory_space<semaphore_mem>>) attributes {dimension_semantics = [#tpu.dimension_semantics<core_parallel>, #tpu.dimension_semantics<subcore_parallel>], iteration_bounds = array<i64: 2, 16>, scalar_prefetch = 0 : i64, scratch_operands = 10 : i64, tpu.core_type = #tpu.core_type<sc_vector_subcore>, window_params = [{transform_indices = #map}, {transform_indices = #map1}, {transform_indices = #map1}, {transform_indices = #map1}, {transform_indices = #map}]} {
    %mul3A = arith.constant 640 : i32
    %mul3A_0 = arith.muli %arg1, %mul3A : i32
    %mul3A_1 = arith.constant 80 : i32
    %mul3A_2 = arith.muli %arg1, %mul3A_1 : i32
    "tpu.region"() ({
      %run_scoped3A_47 = tpu.sem_alloc : memref<!tpu.dma_semaphore, #tpu.memory_space<semaphore_mem>>
      %dma_start3A_48 = arith.constant 0 : i32
      %dma_start3A_49 = tpu.memref_slice %arg4[%mul3A_2, %dma_start3A_48] : memref<1280x128xi32, #tpu.memory_space<hbm>> -> memref<80x128xi32, #tpu.memory_space<hbm>>
      %dma_start3A_50 = arith.constant 0 : i32
      %dma_start3A_51 = tpu.memref_slice %arg4[%mul3A_2, %dma_start3A_50] : memref<1280x128xi32, #tpu.memory_space<hbm>> -> memref<80x128xi32, #tpu.memory_space<hbm>>
      tpu.enqueue_dma source(%dma_start3A_51 : memref<80x128xi32, #tpu.memory_space<hbm>>) target(%arg9 : memref<80x128xi32, #tpu.memory_space<vmem>>) target_semaphore(%run_scoped3A_47 : memref<!tpu.dma_semaphore, #tpu.memory_space<semaphore_mem>>)
      %dma_wait3A = arith.constant 0 : i32
      %dma_wait3A_52 = tpu.memref_slice %arg4[%mul3A_2, %dma_wait3A] : memref<1280x128xi32, #tpu.memory_space<hbm>> -> memref<80x128xi32, #tpu.memory_space<hbm>>
      %dma_wait3A_53 = arith.constant 0 : i32
      %dma_wait3A_54 = tpu.memref_slice %arg4[%mul3A_2, %dma_wait3A_53] : memref<1280x128xi32, #tpu.memory_space<hbm>> -> memref<80x128xi32, #tpu.memory_space<hbm>>
      tpu.wait_dma2 semaphore(%run_scoped3A_47 : memref<!tpu.dma_semaphore, #tpu.memory_space<semaphore_mem>>) src(%dma_wait3A_54 : memref<80x128xi32, #tpu.memory_space<hbm>>) dst(%arg9 : memref<80x128xi32, #tpu.memory_space<vmem>>)
      tpu.yield
    }) : () -> ()
    %mul3A_3 = arith.constant 1 : i32
    %mul3A_4 = arith.muli %arg0, %mul3A_3 : i32
    %add3A = arith.constant 0 : i32
    %add3A_5 = arith.addi %mul3A_4, %add3A : i32
    "tpu.region"() ({
      %run_scoped3A_47 = tpu.sem_alloc : memref<!tpu.dma_semaphore, #tpu.memory_space<semaphore_mem>>
      %dma_start3A_48 = arith.constant 0 : i32
      %dma_start3A_49 = tpu.memref_slice %arg7[%mul3A_0, %dma_start3A_48] : memref<10240x128xf32, #tpu.memory_space<vmem_shared>> -> memref<640x128xf32, #tpu.memory_space<vmem_shared>>
      tpu.enqueue_dma source(%arg5 : memref<640x128xf32, #tpu.memory_space<hbm>>) target(%dma_start3A_49 : memref<640x128xf32, #tpu.memory_space<vmem_shared>>) target_semaphore(%run_scoped3A_47 : memref<!tpu.dma_semaphore, #tpu.memory_space<semaphore_mem>>)
      %dma_wait3A = arith.constant 0 : i32
      %dma_wait3A_50 = tpu.memref_slice %arg7[%mul3A_0, %dma_wait3A] : memref<10240x128xf32, #tpu.memory_space<vmem_shared>> -> memref<640x128xf32, #tpu.memory_space<vmem_shared>>
      tpu.wait_dma2 semaphore(%run_scoped3A_47 : memref<!tpu.dma_semaphore, #tpu.memory_space<semaphore_mem>>) src(%arg5 : memref<640x128xf32, #tpu.memory_space<hbm>>) dst(%dma_wait3A_50 : memref<640x128xf32, #tpu.memory_space<vmem_shared>>)
      tpu.yield
    }) : () -> ()
    %add3A_6 = arith.constant 0 : i32
    %add3A_7 = arith.addi %mul3A_2, %add3A_6 : i32
    %run_scoped3A = arith.constant 0 : i32
    "tpu.region"() ({
      %run_scoped3A_47 = tpu.sem_alloc : memref<!tpu.dma_semaphore, #tpu.memory_space<semaphore_mem>>
      %dma_start3A_48 = arith.constant 0 : i32
      %dma_start3A_49 = tpu.memref_slice %arg10[%run_scoped3A, %dma_start3A_48] : memref<2x128xi32, #tpu.memory_space<vmem>> -> memref<1x128xi32, #tpu.memory_space<vmem>>
      %dma_start3A_50 = tpu.memref_squeeze %dma_start3A_49 : memref<1x128xi32, #tpu.memory_space<vmem>> -> memref<128xi32, #tpu.memory_space<vmem>>
      %dma_start3A_51 = arith.constant 0 : i32
      %dma_start3A_52 = tpu.memref_slice %arg3[%add3A_7, %dma_start3A_51] : memref<1282x128xi32, #tpu.memory_space<hbm>> -> memref<1x128xi32, #tpu.memory_space<hbm>>
      %dma_start3A_53 = tpu.memref_squeeze %dma_start3A_52 : memref<1x128xi32, #tpu.memory_space<hbm>> -> memref<128xi32, #tpu.memory_space<hbm>>
      %dma_start3A_54 = arith.constant 0 : i32
      %dma_start3A_55 = tpu.memref_slice %arg10[%run_scoped3A, %dma_start3A_54] : memref<2x128xi32, #tpu.memory_space<vmem>> -> memref<1x128xi32, #tpu.memory_space<vmem>>
      %dma_start3A_56 = tpu.memref_squeeze %dma_start3A_55 : memref<1x128xi32, #tpu.memory_space<vmem>> -> memref<128xi32, #tpu.memory_space<vmem>>
      %dma_start3A_57 = arith.constant 0 : i32
      %dma_start3A_58 = tpu.memref_slice %arg3[%add3A_7, %dma_start3A_57] : memref<1282x128xi32, #tpu.memory_space<hbm>> -> memref<1x128xi32, #tpu.memory_space<hbm>>
      %dma_start3A_59 = tpu.memref_squeeze %dma_start3A_58 : memref<1x128xi32, #tpu.memory_space<hbm>> -> memref<128xi32, #tpu.memory_space<hbm>>
      tpu.enqueue_dma source(%dma_start3A_59 : memref<128xi32, #tpu.memory_space<hbm>>) target(%dma_start3A_56 : memref<128xi32, #tpu.memory_space<vmem>>) target_semaphore(%run_scoped3A_47 : memref<!tpu.dma_semaphore, #tpu.memory_space<semaphore_mem>>)
      %dma_wait3A = arith.constant 0 : i32
      %dma_wait3A_60 = tpu.memref_slice %arg10[%run_scoped3A, %dma_wait3A] : memref<2x128xi32, #tpu.memory_space<vmem>> -> memref<1x128xi32, #tpu.memory_space<vmem>>
      %dma_wait3A_61 = tpu.memref_squeeze %dma_wait3A_60 : memref<1x128xi32, #tpu.memory_space<vmem>> -> memref<128xi32, #tpu.memory_space<vmem>>
      %dma_wait3A_62 = arith.constant 0 : i32
      %dma_wait3A_63 = tpu.memref_slice %arg3[%add3A_7, %dma_wait3A_62] : memref<1282x128xi32, #tpu.memory_space<hbm>> -> memref<1x128xi32, #tpu.memory_space<hbm>>
      %dma_wait3A_64 = tpu.memref_squeeze %dma_wait3A_63 : memref<1x128xi32, #tpu.memory_space<hbm>> -> memref<128xi32, #tpu.memory_space<hbm>>
      %dma_wait3A_65 = arith.constant 0 : i32
      %dma_wait3A_66 = tpu.memref_slice %arg10[%run_scoped3A, %dma_wait3A_65] : memref<2x128xi32, #tpu.memory_space<vmem>> -> memref<1x128xi32, #tpu.memory_space<vmem>>
      %dma_wait3A_67 = tpu.memref_squeeze %dma_wait3A_66 : memref<1x128xi32, #tpu.memory_space<vmem>> -> memref<128xi32, #tpu.memory_space<vmem>>
      %dma_wait3A_68 = arith.constant 0 : i32
      %dma_wait3A_69 = tpu.memref_slice %arg3[%add3A_7, %dma_wait3A_68] : memref<1282x128xi32, #tpu.memory_space<hbm>> -> memref<1x128xi32, #tpu.memory_space<hbm>>
      %dma_wait3A_70 = tpu.memref_squeeze %dma_wait3A_69 : memref<1x128xi32, #tpu.memory_space<hbm>> -> memref<128xi32, #tpu.memory_space<hbm>>
      tpu.wait_dma2 semaphore(%run_scoped3A_47 : memref<!tpu.dma_semaphore, #tpu.memory_space<semaphore_mem>>) src(%dma_wait3A_70 : memref<128xi32, #tpu.memory_space<hbm>>) dst(%dma_wait3A_67 : memref<128xi32, #tpu.memory_space<vmem>>)
      tpu.yield
    }) : () -> ()
    %dma_start3A = arith.constant 0 : i32
    %dma_start3A_8 = arith.constant 0 : i32
    %dma_start3A_9 = arith.constant 0 : i32
    %dma_start3A_10 = arith.constant 0 : i32
    %dma_start3A_11 = tpu.memref_slice %arg8[%dma_start3A_8, %dma_start3A_9, %dma_start3A_10] : memref<2x128x128xf32, #tpu.memory_space<vmem>> -> memref<1x128x128xf32, #tpu.memory_space<vmem>>
    %dma_start3A_12 = tpu.memref_squeeze %dma_start3A_11 : memref<1x128x128xf32, #tpu.memory_space<vmem>> -> memref<128x128xf32, #tpu.memory_space<vmem>>
    %dma_start3A_13 = arith.constant 0 : i32
    %dma_start3A_14 = tpu.memref_slice %arg10[%dma_start3A, %dma_start3A_13] : memref<2x128xi32, #tpu.memory_space<vmem>> -> memref<1x128xi32, #tpu.memory_space<vmem>>
    %dma_start3A_15 = tpu.memref_squeeze %dma_start3A_14 : memref<1x128xi32, #tpu.memory_space<vmem>> -> memref<128xi32, #tpu.memory_space<vmem>>
    %dma_start3A_16 = arith.constant 0 : i32
    %dma_start3A_17 = arith.constant 0 : i32
    %dma_start3A_18 = tpu.memref_slice %arg2[%add3A_5, %dma_start3A_16, %dma_start3A_17] : memref<2x10240x128xf32, #tpu.memory_space<hbm>> -> memref<1x10240x128xf32, #tpu.memory_space<hbm>>
    %dma_start3A_19 = tpu.memref_squeeze %dma_start3A_18 : memref<1x10240x128xf32, #tpu.memory_space<hbm>> -> memref<10240x128xf32, #tpu.memory_space<hbm>>
    %dma_start3A_20 = arith.constant 0 : i32
    %dma_start3A_21 = arith.constant 0 : i32
    %dma_start3A_22 = tpu.memref_slice %dma_start3A_19[%dma_start3A_20, %dma_start3A_21] : memref<10240x128xf32, #tpu.memory_space<hbm>> -> memref<10240x128xf32, #tpu.memory_space<hbm>>
    tpu.enqueue_indirect_dma source(%dma_start3A_22 : memref<10240x128xf32, #tpu.memory_space<hbm>>) target(%dma_start3A_12 : memref<128x128xf32, #tpu.memory_space<vmem>>) offsets(%dma_start3A_15 : memref<128xi32, #tpu.memory_space<vmem>>) semaphore(%arg11 : memref<!tpu.dma_semaphore, #tpu.memory_space<semaphore_mem>>)
    %add3A_23 = arith.constant 1 : i32
    %add3A_24 = arith.addi %mul3A_2, %add3A_23 : i32
    %run_scoped3A_25 = arith.constant 1 : i32
    "tpu.region"() ({
      %run_scoped3A_47 = tpu.sem_alloc : memref<!tpu.dma_semaphore, #tpu.memory_space<semaphore_mem>>
      %dma_start3A_48 = arith.constant 0 : i32
      %dma_start3A_49 = tpu.memref_slice %arg10[%run_scoped3A_25, %dma_start3A_48] : memref<2x128xi32, #tpu.memory_space<vmem>> -> memref<1x128xi32, #tpu.memory_space<vmem>>
      %dma_start3A_50 = tpu.memref_squeeze %dma_start3A_49 : memref<1x128xi32, #tpu.memory_space<vmem>> -> memref<128xi32, #tpu.memory_space<vmem>>
      %dma_start3A_51 = arith.constant 0 : i32
      %dma_start3A_52 = tpu.memref_slice %arg3[%add3A_24, %dma_start3A_51] : memref<1282x128xi32, #tpu.memory_space<hbm>> -> memref<1x128xi32, #tpu.memory_space<hbm>>
      %dma_start3A_53 = tpu.memref_squeeze %dma_start3A_52 : memref<1x128xi32, #tpu.memory_space<hbm>> -> memref<128xi32, #tpu.memory_space<hbm>>
      %dma_start3A_54 = arith.constant 0 : i32
      %dma_start3A_55 = tpu.memref_slice %arg10[%run_scoped3A_25, %dma_start3A_54] : memref<2x128xi32, #tpu.memory_space<vmem>> -> memref<1x128xi32, #tpu.memory_space<vmem>>
      %dma_start3A_56 = tpu.memref_squeeze %dma_start3A_55 : memref<1x128xi32, #tpu.memory_space<vmem>> -> memref<128xi32, #tpu.memory_space<vmem>>
      %dma_start3A_57 = arith.constant 0 : i32
      %dma_start3A_58 = tpu.memref_slice %arg3[%add3A_24, %dma_start3A_57] : memref<1282x128xi32, #tpu.memory_space<hbm>> -> memref<1x128xi32, #tpu.memory_space<hbm>>
      %dma_start3A_59 = tpu.memref_squeeze %dma_start3A_58 : memref<1x128xi32, #tpu.memory_space<hbm>> -> memref<128xi32, #tpu.memory_space<hbm>>
      tpu.enqueue_dma source(%dma_start3A_59 : memref<128xi32, #tpu.memory_space<hbm>>) target(%dma_start3A_56 : memref<128xi32, #tpu.memory_space<vmem>>) target_semaphore(%run_scoped3A_47 : memref<!tpu.dma_semaphore, #tpu.memory_space<semaphore_mem>>)
      %dma_wait3A = arith.constant 0 : i32
      %dma_wait3A_60 = tpu.memref_slice %arg10[%run_scoped3A_25, %dma_wait3A] : memref<2x128xi32, #tpu.memory_space<vmem>> -> memref<1x128xi32, #tpu.memory_space<vmem>>
      %dma_wait3A_61 = tpu.memref_squeeze %dma_wait3A_60 : memref<1x128xi32, #tpu.memory_space<vmem>> -> memref<128xi32, #tpu.memory_space<vmem>>
      %dma_wait3A_62 = arith.constant 0 : i32
      %dma_wait3A_63 = tpu.memref_slice %arg3[%add3A_24, %dma_wait3A_62] : memref<1282x128xi32, #tpu.memory_space<hbm>> -> memref<1x128xi32, #tpu.memory_space<hbm>>
      %dma_wait3A_64 = tpu.memref_squeeze %dma_wait3A_63 : memref<1x128xi32, #tpu.memory_space<hbm>> -> memref<128xi32, #tpu.memory_space<hbm>>
      %dma_wait3A_65 = arith.constant 0 : i32
      %dma_wait3A_66 = tpu.memref_slice %arg10[%run_scoped3A_25, %dma_wait3A_65] : memref<2x128xi32, #tpu.memory_space<vmem>> -> memref<1x128xi32, #tpu.memory_space<vmem>>
      %dma_wait3A_67 = tpu.memref_squeeze %dma_wait3A_66 : memref<1x128xi32, #tpu.memory_space<vmem>> -> memref<128xi32, #tpu.memory_space<vmem>>
      %dma_wait3A_68 = arith.constant 0 : i32
      %dma_wait3A_69 = tpu.memref_slice %arg3[%add3A_24, %dma_wait3A_68] : memref<1282x128xi32, #tpu.memory_space<hbm>> -> memref<1x128xi32, #tpu.memory_space<hbm>>
      %dma_wait3A_70 = tpu.memref_squeeze %dma_wait3A_69 : memref<1x128xi32, #tpu.memory_space<hbm>> -> memref<128xi32, #tpu.memory_space<hbm>>
      tpu.wait_dma2 semaphore(%run_scoped3A_47 : memref<!tpu.dma_semaphore, #tpu.memory_space<semaphore_mem>>) src(%dma_wait3A_70 : memref<128xi32, #tpu.memory_space<hbm>>) dst(%dma_wait3A_67 : memref<128xi32, #tpu.memory_space<vmem>>)
      tpu.yield
    }) : () -> ()
    %dma_start3A_26 = arith.constant 1 : i32
    %dma_start3A_27 = arith.constant 1 : i32
    %dma_start3A_28 = arith.constant 0 : i32
    %dma_start3A_29 = arith.constant 0 : i32
    %dma_start3A_30 = tpu.memref_slice %arg8[%dma_start3A_27, %dma_start3A_28, %dma_start3A_29] : memref<2x128x128xf32, #tpu.memory_space<vmem>> -> memref<1x128x128xf32, #tpu.memory_space<vmem>>
    %dma_start3A_31 = tpu.memref_squeeze %dma_start3A_30 : memref<1x128x128xf32, #tpu.memory_space<vmem>> -> memref<128x128xf32, #tpu.memory_space<vmem>>
    %dma_start3A_32 = arith.constant 0 : i32
    %dma_start3A_33 = tpu.memref_slice %arg10[%dma_start3A_26, %dma_start3A_32] : memref<2x128xi32, #tpu.memory_space<vmem>> -> memref<1x128xi32, #tpu.memory_space<vmem>>
    %dma_start3A_34 = tpu.memref_squeeze %dma_start3A_33 : memref<1x128xi32, #tpu.memory_space<vmem>> -> memref<128xi32, #tpu.memory_space<vmem>>
    %dma_start3A_35 = arith.constant 0 : i32
    %dma_start3A_36 = arith.constant 0 : i32
    %dma_start3A_37 = tpu.memref_slice %arg2[%add3A_5, %dma_start3A_35, %dma_start3A_36] : memref<2x10240x128xf32, #tpu.memory_space<hbm>> -> memref<1x10240x128xf32, #tpu.memory_space<hbm>>
    %dma_start3A_38 = tpu.memref_squeeze %dma_start3A_37 : memref<1x10240x128xf32, #tpu.memory_space<hbm>> -> memref<10240x128xf32, #tpu.memory_space<hbm>>
    %dma_start3A_39 = arith.constant 0 : i32
    %dma_start3A_40 = arith.constant 0 : i32
    %dma_start3A_41 = tpu.memref_slice %dma_start3A_38[%dma_start3A_39, %dma_start3A_40] : memref<10240x128xf32, #tpu.memory_space<hbm>> -> memref<10240x128xf32, #tpu.memory_space<hbm>>
    tpu.enqueue_indirect_dma source(%dma_start3A_41 : memref<10240x128xf32, #tpu.memory_space<hbm>>) target(%dma_start3A_31 : memref<128x128xf32, #tpu.memory_space<vmem>>) offsets(%dma_start3A_34 : memref<128xi32, #tpu.memory_space<vmem>>) semaphore(%arg12 : memref<!tpu.dma_semaphore, #tpu.memory_space<semaphore_mem>>)
    %barrier3A = arith.constant 0 : index
    tpu.barrier barrier_id(%barrier3A)
    %scan3A = arith.constant 0 : i32
    %scan3A_42 = arith.constant 40 : i32
    %scan3A_43 = arith.addi %scan3A, %scan3A_42 : i32
    %scan3A_44 = arith.constant 1 : i32
    scf.for %scan3A_47 = %scan3A to %scan3A_43 step %scan3A_44  : i32 {
      %mul3A_48 = arith.constant 2 : i32
      %mul3A_49 = arith.muli %scan3A_47, %mul3A_48 : i32
      %add3A_50 = arith.constant 0 : i32
      %add3A_51 = arith.addi %add3A_50, %mul3A_49 : i32
      %dma_wait3A = arith.constant 0 : i32
      %dma_wait3A_52 = arith.constant 0 : i32
      %dma_wait3A_53 = arith.constant 0 : i32
      %dma_wait3A_54 = arith.constant 0 : i32
      %dma_wait3A_55 = tpu.memref_slice %arg8[%dma_wait3A_52, %dma_wait3A_53, %dma_wait3A_54] : memref<2x128x128xf32, #tpu.memory_space<vmem>> -> memref<1x128x128xf32, #tpu.memory_space<vmem>>
      %dma_wait3A_56 = tpu.memref_squeeze %dma_wait3A_55 : memref<1x128x128xf32, #tpu.memory_space<vmem>> -> memref<128x128xf32, #tpu.memory_space<vmem>>
      %dma_wait3A_57 = arith.constant 0 : i32
      %dma_wait3A_58 = tpu.memref_slice %arg10[%dma_wait3A, %dma_wait3A_57] : memref<2x128xi32, #tpu.memory_space<vmem>> -> memref<1x128xi32, #tpu.memory_space<vmem>>
      %dma_wait3A_59 = tpu.memref_squeeze %dma_wait3A_58 : memref<1x128xi32, #tpu.memory_space<vmem>> -> memref<128xi32, #tpu.memory_space<vmem>>
      %dma_wait3A_60 = arith.constant 0 : i32
      %dma_wait3A_61 = arith.constant 0 : i32
      %dma_wait3A_62 = tpu.memref_slice %arg2[%add3A_5, %dma_wait3A_60, %dma_wait3A_61] : memref<2x10240x128xf32, #tpu.memory_space<hbm>> -> memref<1x10240x128xf32, #tpu.memory_space<hbm>>
      %dma_wait3A_63 = tpu.memref_squeeze %dma_wait3A_62 : memref<1x10240x128xf32, #tpu.memory_space<hbm>> -> memref<10240x128xf32, #tpu.memory_space<hbm>>
      %dma_wait3A_64 = arith.constant 0 : i32
      %dma_wait3A_65 = arith.constant 0 : i32
      %dma_wait3A_66 = tpu.memref_slice %dma_wait3A_63[%dma_wait3A_64, %dma_wait3A_65] : memref<10240x128xf32, #tpu.memory_space<hbm>> -> memref<10240x128xf32, #tpu.memory_space<hbm>>
      tpu.wait_indirect_dma semaphore(%arg11 : memref<!tpu.dma_semaphore, #tpu.memory_space<semaphore_mem>>) src(%dma_wait3A_66 : memref<10240x128xf32, #tpu.memory_space<hbm>>) dst(%dma_wait3A_56 : memref<128x128xf32, #tpu.memory_space<vmem>>)
      %add3A_67 = arith.addi %mul3A_2, %add3A_51 : i32
      %add3A_68 = arith.constant 2 : i32
      %add3A_69 = arith.addi %add3A_67, %add3A_68 : i32
      %add3A_70 = arith.constant 0 : i32
      %add3A_71 = arith.addi %add3A_69, %add3A_70 : i32
      %dma_start3A_72 = arith.constant 0 : i32
      %dma_start3A_73 = arith.constant 0 : i32
      %dma_start3A_74 = tpu.memref_slice %arg10[%dma_start3A_72, %dma_start3A_73] : memref<2x128xi32, #tpu.memory_space<vmem>> -> memref<1x128xi32, #tpu.memory_space<vmem>>
      %dma_start3A_75 = tpu.memref_squeeze %dma_start3A_74 : memref<1x128xi32, #tpu.memory_space<vmem>> -> memref<128xi32, #tpu.memory_space<vmem>>
      %dma_start3A_76 = arith.constant 0 : i32
      %dma_start3A_77 = tpu.memref_slice %arg3[%add3A_71, %dma_start3A_76] : memref<1282x128xi32, #tpu.memory_space<hbm>> -> memref<1x128xi32, #tpu.memory_space<hbm>>
      %dma_start3A_78 = tpu.memref_squeeze %dma_start3A_77 : memref<1x128xi32, #tpu.memory_space<hbm>> -> memref<128xi32, #tpu.memory_space<hbm>>
      %dma_start3A_79 = arith.constant 0 : i32
      %dma_start3A_80 = tpu.memref_slice %arg10[%dma_start3A_72, %dma_start3A_79] : memref<2x128xi32, #tpu.memory_space<vmem>> -> memref<1x128xi32, #tpu.memory_space<vmem>>
      %dma_start3A_81 = tpu.memref_squeeze %dma_start3A_80 : memref<1x128xi32, #tpu.memory_space<vmem>> -> memref<128xi32, #tpu.memory_space<vmem>>
      %dma_start3A_82 = arith.constant 0 : i32
      %dma_start3A_83 = tpu.memref_slice %arg3[%add3A_71, %dma_start3A_82] : memref<1282x128xi32, #tpu.memory_space<hbm>> -> memref<1x128xi32, #tpu.memory_space<hbm>>
      %dma_start3A_84 = tpu.memref_squeeze %dma_start3A_83 : memref<1x128xi32, #tpu.memory_space<hbm>> -> memref<128xi32, #tpu.memory_space<hbm>>
      tpu.enqueue_dma source(%dma_start3A_84 : memref<128xi32, #tpu.memory_space<hbm>>) target(%dma_start3A_81 : memref<128xi32, #tpu.memory_space<vmem>>) target_semaphore(%arg15 : memref<!tpu.dma_semaphore, #tpu.memory_space<semaphore_mem>>)
      %add3A_85 = arith.constant 0 : i32
      %add3A_86 = arith.addi %add3A_51, %add3A_85 : i32
      %dma_start3A_87 = arith.constant 0 : i32
      %dma_start3A_88 = arith.constant 0 : i32
      %dma_start3A_89 = arith.constant 0 : i32
      %dma_start3A_90 = tpu.memref_slice %arg8[%dma_start3A_87, %dma_start3A_88, %dma_start3A_89] : memref<2x128x128xf32, #tpu.memory_space<vmem>> -> memref<1x128x128xf32, #tpu.memory_space<vmem>>
      %dma_start3A_91 = tpu.memref_squeeze %dma_start3A_90 : memref<1x128x128xf32, #tpu.memory_space<vmem>> -> memref<128x128xf32, #tpu.memory_space<vmem>>
      %dma_start3A_92 = arith.constant 0 : i32
      %dma_start3A_93 = tpu.memref_slice %arg9[%add3A_86, %dma_start3A_92] : memref<80x128xi32, #tpu.memory_space<vmem>> -> memref<1x128xi32, #tpu.memory_space<vmem>>
      %dma_start3A_94 = tpu.memref_squeeze %dma_start3A_93 : memref<1x128xi32, #tpu.memory_space<vmem>> -> memref<128xi32, #tpu.memory_space<vmem>>
      %dma_start3A_95 = arith.constant 0 : i32
      %dma_start3A_96 = arith.constant 0 : i32
      %dma_start3A_97 = tpu.memref_slice %arg7[%dma_start3A_95, %dma_start3A_96] : memref<10240x128xf32, #tpu.memory_space<vmem_shared>> -> memref<10240x128xf32, #tpu.memory_space<vmem_shared>>
      tpu.enqueue_indirect_dma source(%dma_start3A_91 : memref<128x128xf32, #tpu.memory_space<vmem>>) target(%dma_start3A_97 : memref<10240x128xf32, #tpu.memory_space<vmem_shared>>) offsets(%dma_start3A_94 : memref<128xi32, #tpu.memory_space<vmem>>) semaphore(%arg13 : memref<!tpu.dma_semaphore, #tpu.memory_space<semaphore_mem>>) {add = true}
      %dma_wait3A_98 = arith.constant 1 : i32
      %dma_wait3A_99 = arith.constant 1 : i32
      %dma_wait3A_100 = arith.constant 0 : i32
      %dma_wait3A_101 = arith.constant 0 : i32
      %dma_wait3A_102 = tpu.memref_slice %arg8[%dma_wait3A_99, %dma_wait3A_100, %dma_wait3A_101] : memref<2x128x128xf32, #tpu.memory_space<vmem>> -> memref<1x128x128xf32, #tpu.memory_space<vmem>>
      %dma_wait3A_103 = tpu.memref_squeeze %dma_wait3A_102 : memref<1x128x128xf32, #tpu.memory_space<vmem>> -> memref<128x128xf32, #tpu.memory_space<vmem>>
      %dma_wait3A_104 = arith.constant 0 : i32
      %dma_wait3A_105 = tpu.memref_slice %arg10[%dma_wait3A_98, %dma_wait3A_104] : memref<2x128xi32, #tpu.memory_space<vmem>> -> memref<1x128xi32, #tpu.memory_space<vmem>>
      %dma_wait3A_106 = tpu.memref_squeeze %dma_wait3A_105 : memref<1x128xi32, #tpu.memory_space<vmem>> -> memref<128xi32, #tpu.memory_space<vmem>>
      %dma_wait3A_107 = arith.constant 0 : i32
      %dma_wait3A_108 = arith.constant 0 : i32
      %dma_wait3A_109 = tpu.memref_slice %arg2[%add3A_5, %dma_wait3A_107, %dma_wait3A_108] : memref<2x10240x128xf32, #tpu.memory_space<hbm>> -> memref<1x10240x128xf32, #tpu.memory_space<hbm>>
      %dma_wait3A_110 = tpu.memref_squeeze %dma_wait3A_109 : memref<1x10240x128xf32, #tpu.memory_space<hbm>> -> memref<10240x128xf32, #tpu.memory_space<hbm>>
      %dma_wait3A_111 = arith.constant 0 : i32
      %dma_wait3A_112 = arith.constant 0 : i32
      %dma_wait3A_113 = tpu.memref_slice %dma_wait3A_110[%dma_wait3A_111, %dma_wait3A_112] : memref<10240x128xf32, #tpu.memory_space<hbm>> -> memref<10240x128xf32, #tpu.memory_space<hbm>>
      tpu.wait_indirect_dma semaphore(%arg12 : memref<!tpu.dma_semaphore, #tpu.memory_space<semaphore_mem>>) src(%dma_wait3A_113 : memref<10240x128xf32, #tpu.memory_space<hbm>>) dst(%dma_wait3A_103 : memref<128x128xf32, #tpu.memory_space<vmem>>)
      %add3A_114 = arith.addi %mul3A_2, %add3A_51 : i32
      %add3A_115 = arith.constant 2 : i32
      %add3A_116 = arith.addi %add3A_114, %add3A_115 : i32
      %add3A_117 = arith.constant 1 : i32
      %add3A_118 = arith.addi %add3A_116, %add3A_117 : i32
      %dma_start3A_119 = arith.constant 1 : i32
      %dma_start3A_120 = arith.constant 0 : i32
      %dma_start3A_121 = tpu.memref_slice %arg10[%dma_start3A_119, %dma_start3A_120] : memref<2x128xi32, #tpu.memory_space<vmem>> -> memref<1x128xi32, #tpu.memory_space<vmem>>
      %dma_start3A_122 = tpu.memref_squeeze %dma_start3A_121 : memref<1x128xi32, #tpu.memory_space<vmem>> -> memref<128xi32, #tpu.memory_space<vmem>>
      %dma_start3A_123 = arith.constant 0 : i32
      %dma_start3A_124 = tpu.memref_slice %arg3[%add3A_118, %dma_start3A_123] : memref<1282x128xi32, #tpu.memory_space<hbm>> -> memref<1x128xi32, #tpu.memory_space<hbm>>
      %dma_start3A_125 = tpu.memref_squeeze %dma_start3A_124 : memref<1x128xi32, #tpu.memory_space<hbm>> -> memref<128xi32, #tpu.memory_space<hbm>>
      %dma_start3A_126 = arith.constant 0 : i32
      %dma_start3A_127 = tpu.memref_slice %arg10[%dma_start3A_119, %dma_start3A_126] : memref<2x128xi32, #tpu.memory_space<vmem>> -> memref<1x128xi32, #tpu.memory_space<vmem>>
      %dma_start3A_128 = tpu.memref_squeeze %dma_start3A_127 : memref<1x128xi32, #tpu.memory_space<vmem>> -> memref<128xi32, #tpu.memory_space<vmem>>
      %dma_start3A_129 = arith.constant 0 : i32
      %dma_start3A_130 = tpu.memref_slice %arg3[%add3A_118, %dma_start3A_129] : memref<1282x128xi32, #tpu.memory_space<hbm>> -> memref<1x128xi32, #tpu.memory_space<hbm>>
      %dma_start3A_131 = tpu.memref_squeeze %dma_start3A_130 : memref<1x128xi32, #tpu.memory_space<hbm>> -> memref<128xi32, #tpu.memory_space<hbm>>
      tpu.enqueue_dma source(%dma_start3A_131 : memref<128xi32, #tpu.memory_space<hbm>>) target(%dma_start3A_128 : memref<128xi32, #tpu.memory_space<vmem>>) target_semaphore(%arg16 : memref<!tpu.dma_semaphore, #tpu.memory_space<semaphore_mem>>)
      %add3A_132 = arith.constant 1 : i32
      %add3A_133 = arith.addi %add3A_51, %add3A_132 : i32
      %dma_start3A_134 = arith.constant 1 : i32
      %dma_start3A_135 = arith.constant 0 : i32
      %dma_start3A_136 = arith.constant 0 : i32
      %dma_start3A_137 = tpu.memref_slice %arg8[%dma_start3A_134, %dma_start3A_135, %dma_start3A_136] : memref<2x128x128xf32, #tpu.memory_space<vmem>> -> memref<1x128x128xf32, #tpu.memory_space<vmem>>
      %dma_start3A_138 = tpu.memref_squeeze %dma_start3A_137 : memref<1x128x128xf32, #tpu.memory_space<vmem>> -> memref<128x128xf32, #tpu.memory_space<vmem>>
      %dma_start3A_139 = arith.constant 0 : i32
      %dma_start3A_140 = tpu.memref_slice %arg9[%add3A_133, %dma_start3A_139] : memref<80x128xi32, #tpu.memory_space<vmem>> -> memref<1x128xi32, #tpu.memory_space<vmem>>
      %dma_start3A_141 = tpu.memref_squeeze %dma_start3A_140 : memref<1x128xi32, #tpu.memory_space<vmem>> -> memref<128xi32, #tpu.memory_space<vmem>>
      %dma_start3A_142 = arith.constant 0 : i32
      %dma_start3A_143 = arith.constant 0 : i32
      %dma_start3A_144 = tpu.memref_slice %arg7[%dma_start3A_142, %dma_start3A_143] : memref<10240x128xf32, #tpu.memory_space<vmem_shared>> -> memref<10240x128xf32, #tpu.memory_space<vmem_shared>>
      tpu.enqueue_indirect_dma source(%dma_start3A_138 : memref<128x128xf32, #tpu.memory_space<vmem>>) target(%dma_start3A_144 : memref<10240x128xf32, #tpu.memory_space<vmem_shared>>) offsets(%dma_start3A_141 : memref<128xi32, #tpu.memory_space<vmem>>) semaphore(%arg14 : memref<!tpu.dma_semaphore, #tpu.memory_space<semaphore_mem>>) {add = true}
      %dma_wait3A_145 = arith.constant 0 : i32
      %dma_wait3A_146 = arith.constant 0 : i32
      %dma_wait3A_147 = arith.constant 0 : i32
      %dma_wait3A_148 = tpu.memref_slice %arg8[%dma_wait3A_145, %dma_wait3A_146, %dma_wait3A_147] : memref<2x128x128xf32, #tpu.memory_space<vmem>> -> memref<1x128x128xf32, #tpu.memory_space<vmem>>
      %dma_wait3A_149 = tpu.memref_squeeze %dma_wait3A_148 : memref<1x128x128xf32, #tpu.memory_space<vmem>> -> memref<128x128xf32, #tpu.memory_space<vmem>>
      %dma_wait3A_150 = arith.constant 0 : i32
      %dma_wait3A_151 = tpu.memref_slice %arg9[%add3A_86, %dma_wait3A_150] : memref<80x128xi32, #tpu.memory_space<vmem>> -> memref<1x128xi32, #tpu.memory_space<vmem>>
      %dma_wait3A_152 = tpu.memref_squeeze %dma_wait3A_151 : memref<1x128xi32, #tpu.memory_space<vmem>> -> memref<128xi32, #tpu.memory_space<vmem>>
      %dma_wait3A_153 = arith.constant 0 : i32
      %dma_wait3A_154 = arith.constant 0 : i32
      %dma_wait3A_155 = tpu.memref_slice %arg7[%dma_wait3A_153, %dma_wait3A_154] : memref<10240x128xf32, #tpu.memory_space<vmem_shared>> -> memref<10240x128xf32, #tpu.memory_space<vmem_shared>>
      tpu.wait_indirect_dma semaphore(%arg13 : memref<!tpu.dma_semaphore, #tpu.memory_space<semaphore_mem>>) src(%dma_wait3A_149 : memref<128x128xf32, #tpu.memory_space<vmem>>) dst(%dma_wait3A_155 : memref<10240x128xf32, #tpu.memory_space<vmem_shared>>)
      %dma_wait3A_156 = arith.constant 0 : i32
      %dma_wait3A_157 = arith.constant 0 : i32
      %dma_wait3A_158 = tpu.memref_slice %arg10[%dma_wait3A_156, %dma_wait3A_157] : memref<2x128xi32, #tpu.memory_space<vmem>> -> memref<1x128xi32, #tpu.memory_space<vmem>>
      %dma_wait3A_159 = tpu.memref_squeeze %dma_wait3A_158 : memref<1x128xi32, #tpu.memory_space<vmem>> -> memref<128xi32, #tpu.memory_space<vmem>>
      %dma_wait3A_160 = arith.constant 0 : i32
      %dma_wait3A_161 = tpu.memref_slice %arg3[%add3A_71, %dma_wait3A_160] : memref<1282x128xi32, #tpu.memory_space<hbm>> -> memref<1x128xi32, #tpu.memory_space<hbm>>
      %dma_wait3A_162 = tpu.memref_squeeze %dma_wait3A_161 : memref<1x128xi32, #tpu.memory_space<hbm>> -> memref<128xi32, #tpu.memory_space<hbm>>
      %dma_wait3A_163 = arith.constant 0 : i32
      %dma_wait3A_164 = tpu.memref_slice %arg10[%dma_wait3A_156, %dma_wait3A_163] : memref<2x128xi32, #tpu.memory_space<vmem>> -> memref<1x128xi32, #tpu.memory_space<vmem>>
      %dma_wait3A_165 = tpu.memref_squeeze %dma_wait3A_164 : memref<1x128xi32, #tpu.memory_space<vmem>> -> memref<128xi32, #tpu.memory_space<vmem>>
      %dma_wait3A_166 = arith.constant 0 : i32
      %dma_wait3A_167 = tpu.memref_slice %arg3[%add3A_71, %dma_wait3A_166] : memref<1282x128xi32, #tpu.memory_space<hbm>> -> memref<1x128xi32, #tpu.memory_space<hbm>>
      %dma_wait3A_168 = tpu.memref_squeeze %dma_wait3A_167 : memref<1x128xi32, #tpu.memory_space<hbm>> -> memref<128xi32, #tpu.memory_space<hbm>>
      tpu.wait_dma2 semaphore(%arg15 : memref<!tpu.dma_semaphore, #tpu.memory_space<semaphore_mem>>) src(%dma_wait3A_168 : memref<128xi32, #tpu.memory_space<hbm>>) dst(%dma_wait3A_165 : memref<128xi32, #tpu.memory_space<vmem>>)
      %add3A_169 = arith.constant 2 : i32
      %add3A_170 = arith.addi %add3A_51, %add3A_169 : i32
      %add3A_171 = arith.constant 0 : i32
      %add3A_172 = arith.addi %add3A_170, %add3A_171 : i32
      %lt3A = arith.constant 80 : i32
      %lt3A_173 = arith.cmpi slt, %add3A_172, %lt3A : i32
      %convert_element_type3A = arith.extui %lt3A_173 : i1 to i32
      %cond3A = arith.constant 0 : i32
      %cond3A_174 = arith.cmpi ne, %convert_element_type3A, %cond3A : i32
      scf.if %cond3A_174 {
        %dma_start3A_208 = arith.constant 0 : i32
        %dma_start3A_209 = arith.constant 0 : i32
        %dma_start3A_210 = arith.constant 0 : i32
        %dma_start3A_211 = arith.constant 0 : i32
        %dma_start3A_212 = tpu.memref_slice %arg8[%dma_start3A_209, %dma_start3A_210, %dma_start3A_211] : memref<2x128x128xf32, #tpu.memory_space<vmem>> -> memref<1x128x128xf32, #tpu.memory_space<vmem>>
        %dma_start3A_213 = tpu.memref_squeeze %dma_start3A_212 : memref<1x128x128xf32, #tpu.memory_space<vmem>> -> memref<128x128xf32, #tpu.memory_space<vmem>>
        %dma_start3A_214 = arith.constant 0 : i32
        %dma_start3A_215 = tpu.memref_slice %arg10[%dma_start3A_208, %dma_start3A_214] : memref<2x128xi32, #tpu.memory_space<vmem>> -> memref<1x128xi32, #tpu.memory_space<vmem>>
        %dma_start3A_216 = tpu.memref_squeeze %dma_start3A_215 : memref<1x128xi32, #tpu.memory_space<vmem>> -> memref<128xi32, #tpu.memory_space<vmem>>
        %dma_start3A_217 = arith.constant 0 : i32
        %dma_start3A_218 = arith.constant 0 : i32
        %dma_start3A_219 = tpu.memref_slice %arg2[%add3A_5, %dma_start3A_217, %dma_start3A_218] : memref<2x10240x128xf32, #tpu.memory_space<hbm>> -> memref<1x10240x128xf32, #tpu.memory_space<hbm>>
        %dma_start3A_220 = tpu.memref_squeeze %dma_start3A_219 : memref<1x10240x128xf32, #tpu.memory_space<hbm>> -> memref<10240x128xf32, #tpu.memory_space<hbm>>
        %dma_start3A_221 = arith.constant 0 : i32
        %dma_start3A_222 = arith.constant 0 : i32
        %dma_start3A_223 = tpu.memref_slice %dma_start3A_220[%dma_start3A_221, %dma_start3A_222] : memref<10240x128xf32, #tpu.memory_space<hbm>> -> memref<10240x128xf32, #tpu.memory_space<hbm>>
        tpu.enqueue_indirect_dma source(%dma_start3A_223 : memref<10240x128xf32, #tpu.memory_space<hbm>>) target(%dma_start3A_213 : memref<128x128xf32, #tpu.memory_space<vmem>>) offsets(%dma_start3A_216 : memref<128xi32, #tpu.memory_space<vmem>>) semaphore(%arg11 : memref<!tpu.dma_semaphore, #tpu.memory_space<semaphore_mem>>)
      } else {
      }
      %dma_wait3A_175 = arith.constant 1 : i32
      %dma_wait3A_176 = arith.constant 0 : i32
      %dma_wait3A_177 = arith.constant 0 : i32
      %dma_wait3A_178 = tpu.memref_slice %arg8[%dma_wait3A_175, %dma_wait3A_176, %dma_wait3A_177] : memref<2x128x128xf32, #tpu.memory_space<vmem>> -> memref<1x128x128xf32, #tpu.memory_space<vmem>>
      %dma_wait3A_179 = tpu.memref_squeeze %dma_wait3A_178 : memref<1x128x128xf32, #tpu.memory_space<vmem>> -> memref<128x128xf32, #tpu.memory_space<vmem>>
      %dma_wait3A_180 = arith.constant 0 : i32
      %dma_wait3A_181 = tpu.memref_slice %arg9[%add3A_133, %dma_wait3A_180] : memref<80x128xi32, #tpu.memory_space<vmem>> -> memref<1x128xi32, #tpu.memory_space<vmem>>
      %dma_wait3A_182 = tpu.memref_squeeze %dma_wait3A_181 : memref<1x128xi32, #tpu.memory_space<vmem>> -> memref<128xi32, #tpu.memory_space<vmem>>
      %dma_wait3A_183 = arith.constant 0 : i32
      %dma_wait3A_184 = arith.constant 0 : i32
      %dma_wait3A_185 = tpu.memref_slice %arg7[%dma_wait3A_183, %dma_wait3A_184] : memref<10240x128xf32, #tpu.memory_space<vmem_shared>> -> memref<10240x128xf32, #tpu.memory_space<vmem_shared>>
      tpu.wait_indirect_dma semaphore(%arg14 : memref<!tpu.dma_semaphore, #tpu.memory_space<semaphore_mem>>) src(%dma_wait3A_179 : memref<128x128xf32, #tpu.memory_space<vmem>>) dst(%dma_wait3A_185 : memref<10240x128xf32, #tpu.memory_space<vmem_shared>>)
      %dma_wait3A_186 = arith.constant 1 : i32
      %dma_wait3A_187 = arith.constant 0 : i32
      %dma_wait3A_188 = tpu.memref_slice %arg10[%dma_wait3A_186, %dma_wait3A_187] : memref<2x128xi32, #tpu.memory_space<vmem>> -> memref<1x128xi32, #tpu.memory_space<vmem>>
      %dma_wait3A_189 = tpu.memref_squeeze %dma_wait3A_188 : memref<1x128xi32, #tpu.memory_space<vmem>> -> memref<128xi32, #tpu.memory_space<vmem>>
      %dma_wait3A_190 = arith.constant 0 : i32
      %dma_wait3A_191 = tpu.memref_slice %arg3[%add3A_118, %dma_wait3A_190] : memref<1282x128xi32, #tpu.memory_space<hbm>> -> memref<1x128xi32, #tpu.memory_space<hbm>>
      %dma_wait3A_192 = tpu.memref_squeeze %dma_wait3A_191 : memref<1x128xi32, #tpu.memory_space<hbm>> -> memref<128xi32, #tpu.memory_space<hbm>>
      %dma_wait3A_193 = arith.constant 0 : i32
      %dma_wait3A_194 = tpu.memref_slice %arg10[%dma_wait3A_186, %dma_wait3A_193] : memref<2x128xi32, #tpu.memory_space<vmem>> -> memref<1x128xi32, #tpu.memory_space<vmem>>
      %dma_wait3A_195 = tpu.memref_squeeze %dma_wait3A_194 : memref<1x128xi32, #tpu.memory_space<vmem>> -> memref<128xi32, #tpu.memory_space<vmem>>
      %dma_wait3A_196 = arith.constant 0 : i32
      %dma_wait3A_197 = tpu.memref_slice %arg3[%add3A_118, %dma_wait3A_196] : memref<1282x128xi32, #tpu.memory_space<hbm>> -> memref<1x128xi32, #tpu.memory_space<hbm>>
      %dma_wait3A_198 = tpu.memref_squeeze %dma_wait3A_197 : memref<1x128xi32, #tpu.memory_space<hbm>> -> memref<128xi32, #tpu.memory_space<hbm>>
      tpu.wait_dma2 semaphore(%arg16 : memref<!tpu.dma_semaphore, #tpu.memory_space<semaphore_mem>>) src(%dma_wait3A_198 : memref<128xi32, #tpu.memory_space<hbm>>) dst(%dma_wait3A_195 : memref<128xi32, #tpu.memory_space<vmem>>)
      %add3A_199 = arith.constant 2 : i32
      %add3A_200 = arith.addi %add3A_51, %add3A_199 : i32
      %add3A_201 = arith.constant 1 : i32
      %add3A_202 = arith.addi %add3A_200, %add3A_201 : i32
      %lt3A_203 = arith.constant 80 : i32
      %lt3A_204 = arith.cmpi slt, %add3A_202, %lt3A_203 : i32
      %convert_element_type3A_205 = arith.extui %lt3A_204 : i1 to i32
      %cond3A_206 = arith.constant 0 : i32
      %cond3A_207 = arith.cmpi ne, %convert_element_type3A_205, %cond3A_206 : i32
      scf.if %cond3A_207 {
        %dma_start3A_208 = arith.constant 1 : i32
        %dma_start3A_209 = arith.constant 1 : i32
        %dma_start3A_210 = arith.constant 0 : i32
        %dma_start3A_211 = arith.constant 0 : i32
        %dma_start3A_212 = tpu.memref_slice %arg8[%dma_start3A_209, %dma_start3A_210, %dma_start3A_211] : memref<2x128x128xf32, #tpu.memory_space<vmem>> -> memref<1x128x128xf32, #tpu.memory_space<vmem>>
        %dma_start3A_213 = tpu.memref_squeeze %dma_start3A_212 : memref<1x128x128xf32, #tpu.memory_space<vmem>> -> memref<128x128xf32, #tpu.memory_space<vmem>>
        %dma_start3A_214 = arith.constant 0 : i32
        %dma_start3A_215 = tpu.memref_slice %arg10[%dma_start3A_208, %dma_start3A_214] : memref<2x128xi32, #tpu.memory_space<vmem>> -> memref<1x128xi32, #tpu.memory_space<vmem>>
        %dma_start3A_216 = tpu.memref_squeeze %dma_start3A_215 : memref<1x128xi32, #tpu.memory_space<vmem>> -> memref<128xi32, #tpu.memory_space<vmem>>
        %dma_start3A_217 = arith.constant 0 : i32
        %dma_start3A_218 = arith.constant 0 : i32
        %dma_start3A_219 = tpu.memref_slice %arg2[%add3A_5, %dma_start3A_217, %dma_start3A_218] : memref<2x10240x128xf32, #tpu.memory_space<hbm>> -> memref<1x10240x128xf32, #tpu.memory_space<hbm>>
        %dma_start3A_220 = tpu.memref_squeeze %dma_start3A_219 : memref<1x10240x128xf32, #tpu.memory_space<hbm>> -> memref<10240x128xf32, #tpu.memory_space<hbm>>
        %dma_start3A_221 = arith.constant 0 : i32
        %dma_start3A_222 = arith.constant 0 : i32
        %dma_start3A_223 = tpu.memref_slice %dma_start3A_220[%dma_start3A_221, %dma_start3A_222] : memref<10240x128xf32, #tpu.memory_space<hbm>> -> memref<10240x128xf32, #tpu.memory_space<hbm>>
        tpu.enqueue_indirect_dma source(%dma_start3A_223 : memref<10240x128xf32, #tpu.memory_space<hbm>>) target(%dma_start3A_213 : memref<128x128xf32, #tpu.memory_space<vmem>>) offsets(%dma_start3A_216 : memref<128xi32, #tpu.memory_space<vmem>>) semaphore(%arg12 : memref<!tpu.dma_semaphore, #tpu.memory_space<semaphore_mem>>)
      } else {
      }
    }
    %scan3A_45 = arith.constant 40 : i32
    %barrier3A_46 = arith.constant 0 : index
    tpu.barrier barrier_id(%barrier3A_46)
    "tpu.region"() ({
      %run_scoped3A_47 = tpu.sem_alloc : memref<!tpu.dma_semaphore, #tpu.memory_space<semaphore_mem>>
      %dma_start3A_48 = arith.constant 0 : i32
      %dma_start3A_49 = arith.constant 0 : i32
      %dma_start3A_50 = tpu.memref_slice %arg6[%add3A_5, %dma_start3A_48, %dma_start3A_49] : memref<2x10240x128xf32, #tpu.memory_space<hbm>> -> memref<1x10240x128xf32, #tpu.memory_space<hbm>>
      %dma_start3A_51 = tpu.memref_squeeze %dma_start3A_50 : memref<1x10240x128xf32, #tpu.memory_space<hbm>> -> memref<10240x128xf32, #tpu.memory_space<hbm>>
      %dma_start3A_52 = arith.constant 0 : i32
      %dma_start3A_53 = tpu.memref_slice %dma_start3A_51[%mul3A_0, %dma_start3A_52] : memref<10240x128xf32, #tpu.memory_space<hbm>> -> memref<640x128xf32, #tpu.memory_space<hbm>>
      %dma_start3A_54 = arith.constant 0 : i32
      %dma_start3A_55 = tpu.memref_slice %arg7[%mul3A_0, %dma_start3A_54] : memref<10240x128xf32, #tpu.memory_space<vmem_shared>> -> memref<640x128xf32, #tpu.memory_space<vmem_shared>>
      tpu.enqueue_dma source(%dma_start3A_55 : memref<640x128xf32, #tpu.memory_space<vmem_shared>>) target(%dma_start3A_53 : memref<640x128xf32, #tpu.memory_space<hbm>>) target_semaphore(%run_scoped3A_47 : memref<!tpu.dma_semaphore, #tpu.memory_space<semaphore_mem>>)
      %dma_wait3A = arith.constant 0 : i32
      %dma_wait3A_56 = arith.constant 0 : i32
      %dma_wait3A_57 = tpu.memref_slice %arg6[%add3A_5, %dma_wait3A, %dma_wait3A_56] : memref<2x10240x128xf32, #tpu.memory_space<hbm>> -> memref<1x10240x128xf32, #tpu.memory_space<hbm>>
      %dma_wait3A_58 = tpu.memref_squeeze %dma_wait3A_57 : memref<1x10240x128xf32, #tpu.memory_space<hbm>> -> memref<10240x128xf32, #tpu.memory_space<hbm>>
      %dma_wait3A_59 = arith.constant 0 : i32
      %dma_wait3A_60 = tpu.memref_slice %dma_wait3A_58[%mul3A_0, %dma_wait3A_59] : memref<10240x128xf32, #tpu.memory_space<hbm>> -> memref<640x128xf32, #tpu.memory_space<hbm>>
      %dma_wait3A_61 = arith.constant 0 : i32
      %dma_wait3A_62 = tpu.memref_slice %arg7[%mul3A_0, %dma_wait3A_61] : memref<10240x128xf32, #tpu.memory_space<vmem_shared>> -> memref<640x128xf32, #tpu.memory_space<vmem_shared>>
      tpu.wait_dma2 semaphore(%run_scoped3A_47 : memref<!tpu.dma_semaphore, #tpu.memory_space<semaphore_mem>>) src(%dma_wait3A_62 : memref<640x128xf32, #tpu.memory_space<vmem_shared>>) dst(%dma_wait3A_60 : memref<640x128xf32, #tpu.memory_space<hbm>>)
      tpu.yield
    }) : () -> ()
    return
  }
}

#map = affine_map<(d0, d1) -> (0, 0, 0)>
#map1 = affine_map<(d0, d1) -> (0, 0)>
module attributes {stable_mosaic.version = 14 : i64} {
  func.func @k(%arg0: i32, %arg1: i32, %arg2: memref<2x10240x128xf32, #tpu.memory_space<hbm>>, %arg3: memref<1282x128xi32, #tpu.memory_space<hbm>>, %arg4: memref<1280x128xi32, #tpu.memory_space<hbm>>, %arg5: memref<640x128xf32, #tpu.memory_space<hbm>>, %arg6: memref<2x10240x128xf32, #tpu.memory_space<hbm>>, %arg7: memref<10240x128xf32, #tpu.memory_space<vmem_shared>>, %arg8: memref<2x128x128xf32, #tpu.memory_space<vmem>>, %arg9: memref<80x128xi32, #tpu.memory_space<vmem>>, %arg10: memref<2x128xi32, #tpu.memory_space<vmem>>, %arg11: memref<!tpu.dma_semaphore, #tpu.memory_space<semaphore_mem>>, %arg12: memref<!tpu.dma_semaphore, #tpu.memory_space<semaphore_mem>>, %arg13: memref<!tpu.dma_semaphore, #tpu.memory_space<semaphore_mem>>, %arg14: memref<!tpu.dma_semaphore, #tpu.memory_space<semaphore_mem>>, %arg15: memref<!tpu.dma_semaphore, #tpu.memory_space<semaphore_mem>>, %arg16: memref<!tpu.dma_semaphore, #tpu.memory_space<semaphore_mem>>) attributes {dimension_semantics = [#tpu.dimension_semantics<core_parallel>, #tpu.dimension_semantics<subcore_parallel>], iteration_bounds = array<i64: 2, 16>, scalar_prefetch = 0 : i64, scratch_operands = 10 : i64, tpu.core_type = #tpu.core_type<sc_vector_subcore>, window_params = [{transform_indices = #map}, {transform_indices = #map1}, {transform_indices = #map1}, {transform_indices = #map1}, {transform_indices = #map}]} {
    %mul3A = arith.constant 640 : i32
    %mul3A_0 = arith.muli %arg1, %mul3A : i32
    %mul3A_1 = arith.constant 80 : i32
    %mul3A_2 = arith.muli %arg1, %mul3A_1 : i32
    "tpu.region"() ({
      %run_scoped3A_47 = tpu.sem_alloc : memref<!tpu.dma_semaphore, #tpu.memory_space<semaphore_mem>>
      %dma_start3A_48 = arith.constant 0 : i32
      %dma_start3A_49 = tpu.memref_slice %arg4[%mul3A_2, %dma_start3A_48] : memref<1280x128xi32, #tpu.memory_space<hbm>> -> memref<80x128xi32, #tpu.memory_space<hbm>>
      %dma_start3A_50 = arith.constant 0 : i32
      %dma_start3A_51 = tpu.memref_slice %arg4[%mul3A_2, %dma_start3A_50] : memref<1280x128xi32, #tpu.memory_space<hbm>> -> memref<80x128xi32, #tpu.memory_space<hbm>>
      tpu.enqueue_dma source(%dma_start3A_51 : memref<80x128xi32, #tpu.memory_space<hbm>>) target(%arg9 : memref<80x128xi32, #tpu.memory_space<vmem>>) target_semaphore(%run_scoped3A_47 : memref<!tpu.dma_semaphore, #tpu.memory_space<semaphore_mem>>)
      %dma_wait3A = arith.constant 0 : i32
      %dma_wait3A_52 = tpu.memref_slice %arg4[%mul3A_2, %dma_wait3A] : memref<1280x128xi32, #tpu.memory_space<hbm>> -> memref<80x128xi32, #tpu.memory_space<hbm>>
      %dma_wait3A_53 = arith.constant 0 : i32
      %dma_wait3A_54 = tpu.memref_slice %arg4[%mul3A_2, %dma_wait3A_53] : memref<1280x128xi32, #tpu.memory_space<hbm>> -> memref<80x128xi32, #tpu.memory_space<hbm>>
      tpu.wait_dma2 semaphore(%run_scoped3A_47 : memref<!tpu.dma_semaphore, #tpu.memory_space<semaphore_mem>>) src(%dma_wait3A_54 : memref<80x128xi32, #tpu.memory_space<hbm>>) dst(%arg9 : memref<80x128xi32, #tpu.memory_space<vmem>>)
      tpu.yield
    }) : () -> ()
    %mul3A_3 = arith.constant 1 : i32
    %mul3A_4 = arith.muli %arg0, %mul3A_3 : i32
    %add3A = arith.constant 0 : i32
    %add3A_5 = arith.addi %mul3A_4, %add3A : i32
    "tpu.region"() ({
      %run_scoped3A_47 = tpu.sem_alloc : memref<!tpu.dma_semaphore, #tpu.memory_space<semaphore_mem>>
      %dma_start3A_48 = arith.constant 0 : i32
      %dma_start3A_49 = tpu.memref_slice %arg7[%mul3A_0, %dma_start3A_48] : memref<10240x128xf32, #tpu.memory_space<vmem_shared>> -> memref<640x128xf32, #tpu.memory_space<vmem_shared>>
      tpu.enqueue_dma source(%arg5 : memref<640x128xf32, #tpu.memory_space<hbm>>) target(%dma_start3A_49 : memref<640x128xf32, #tpu.memory_space<vmem_shared>>) target_semaphore(%run_scoped3A_47 : memref<!tpu.dma_semaphore, #tpu.memory_space<semaphore_mem>>)
      %dma_wait3A = arith.constant 0 : i32
      %dma_wait3A_50 = tpu.memref_slice %arg7[%mul3A_0, %dma_wait3A] : memref<10240x128xf32, #tpu.memory_space<vmem_shared>> -> memref<640x128xf32, #tpu.memory_space<vmem_shared>>
      tpu.wait_dma2 semaphore(%run_scoped3A_47 : memref<!tpu.dma_semaphore, #tpu.memory_space<semaphore_mem>>) src(%arg5 : memref<640x128xf32, #tpu.memory_space<hbm>>) dst(%dma_wait3A_50 : memref<640x128xf32, #tpu.memory_space<vmem_shared>>)
      tpu.yield
    }) : () -> ()
    %add3A_6 = arith.constant 0 : i32
    %add3A_7 = arith.addi %mul3A_2, %add3A_6 : i32
    %run_scoped3A = arith.constant 0 : i32
    "tpu.region"() ({
      %run_scoped3A_47 = tpu.sem_alloc : memref<!tpu.dma_semaphore, #tpu.memory_space<semaphore_mem>>
      %dma_start3A_48 = arith.constant 0 : i32
      %dma_start3A_49 = tpu.memref_slice %arg10[%run_scoped3A, %dma_start3A_48] : memref<2x128xi32, #tpu.memory_space<vmem>> -> memref<1x128xi32, #tpu.memory_space<vmem>>
      %dma_start3A_50 = tpu.memref_squeeze %dma_start3A_49 : memref<1x128xi32, #tpu.memory_space<vmem>> -> memref<128xi32, #tpu.memory_space<vmem>>
      %dma_start3A_51 = arith.constant 0 : i32
      %dma_start3A_52 = tpu.memref_slice %arg3[%add3A_7, %dma_start3A_51] : memref<1282x128xi32, #tpu.memory_space<hbm>> -> memref<1x128xi32, #tpu.memory_space<hbm>>
      %dma_start3A_53 = tpu.memref_squeeze %dma_start3A_52 : memref<1x128xi32, #tpu.memory_space<hbm>> -> memref<128xi32, #tpu.memory_space<hbm>>
      %dma_start3A_54 = arith.constant 0 : i32
      %dma_start3A_55 = tpu.memref_slice %arg10[%run_scoped3A, %dma_start3A_54] : memref<2x128xi32, #tpu.memory_space<vmem>> -> memref<1x128xi32, #tpu.memory_space<vmem>>
      %dma_start3A_56 = tpu.memref_squeeze %dma_start3A_55 : memref<1x128xi32, #tpu.memory_space<vmem>> -> memref<128xi32, #tpu.memory_space<vmem>>
      %dma_start3A_57 = arith.constant 0 : i32
      %dma_start3A_58 = tpu.memref_slice %arg3[%add3A_7, %dma_start3A_57] : memref<1282x128xi32, #tpu.memory_space<hbm>> -> memref<1x128xi32, #tpu.memory_space<hbm>>
      %dma_start3A_59 = tpu.memref_squeeze %dma_start3A_58 : memref<1x128xi32, #tpu.memory_space<hbm>> -> memref<128xi32, #tpu.memory_space<hbm>>
      tpu.enqueue_dma source(%dma_start3A_59 : memref<128xi32, #tpu.memory_space<hbm>>) target(%dma_start3A_56 : memref<128xi32, #tpu.memory_space<vmem>>) target_semaphore(%run_scoped3A_47 : memref<!tpu.dma_semaphore, #tpu.memory_space<semaphore_mem>>)
      %dma_wait3A = arith.constant 0 : i32
      %dma_wait3A_60 = tpu.memref_slice %arg10[%run_scoped3A, %dma_wait3A] : memref<2x128xi32, #tpu.memory_space<vmem>> -> memref<1x128xi32, #tpu.memory_space<vmem>>
      %dma_wait3A_61 = tpu.memref_squeeze %dma_wait3A_60 : memref<1x128xi32, #tpu.memory_space<vmem>> -> memref<128xi32, #tpu.memory_space<vmem>>
      %dma_wait3A_62 = arith.constant 0 : i32
      %dma_wait3A_63 = tpu.memref_slice %arg3[%add3A_7, %dma_wait3A_62] : memref<1282x128xi32, #tpu.memory_space<hbm>> -> memref<1x128xi32, #tpu.memory_space<hbm>>
      %dma_wait3A_64 = tpu.memref_squeeze %dma_wait3A_63 : memref<1x128xi32, #tpu.memory_space<hbm>> -> memref<128xi32, #tpu.memory_space<hbm>>
      %dma_wait3A_65 = arith.constant 0 : i32
      %dma_wait3A_66 = tpu.memref_slice %arg10[%run_scoped3A, %dma_wait3A_65] : memref<2x128xi32, #tpu.memory_space<vmem>> -> memref<1x128xi32, #tpu.memory_space<vmem>>
      %dma_wait3A_67 = tpu.memref_squeeze %dma_wait3A_66 : memref<1x128xi32, #tpu.memory_space<vmem>> -> memref<128xi32, #tpu.memory_space<vmem>>
      %dma_wait3A_68 = arith.constant 0 : i32
      %dma_wait3A_69 = tpu.memref_slice %arg3[%add3A_7, %dma_wait3A_68] : memref<1282x128xi32, #tpu.memory_space<hbm>> -> memref<1x128xi32, #tpu.memory_space<hbm>>
      %dma_wait3A_70 = tpu.memref_squeeze %dma_wait3A_69 : memref<1x128xi32, #tpu.memory_space<hbm>> -> memref<128xi32, #tpu.memory_space<hbm>>
      tpu.wait_dma2 semaphore(%run_scoped3A_47 : memref<!tpu.dma_semaphore, #tpu.memory_space<semaphore_mem>>) src(%dma_wait3A_70 : memref<128xi32, #tpu.memory_space<hbm>>) dst(%dma_wait3A_67 : memref<128xi32, #tpu.memory_space<vmem>>)
      tpu.yield
    }) : () -> ()
    %dma_start3A = arith.constant 0 : i32
    %dma_start3A_8 = arith.constant 0 : i32
    %dma_start3A_9 = arith.constant 0 : i32
    %dma_start3A_10 = arith.constant 0 : i32
    %dma_start3A_11 = tpu.memref_slice %arg8[%dma_start3A_8, %dma_start3A_9, %dma_start3A_10] : memref<2x128x128xf32, #tpu.memory_space<vmem>> -> memref<1x128x128xf32, #tpu.memory_space<vmem>>
    %dma_start3A_12 = tpu.memref_squeeze %dma_start3A_11 : memref<1x128x128xf32, #tpu.memory_space<vmem>> -> memref<128x128xf32, #tpu.memory_space<vmem>>
    %dma_start3A_13 = arith.constant 0 : i32
    %dma_start3A_14 = tpu.memref_slice %arg10[%dma_start3A, %dma_start3A_13] : memref<2x128xi32, #tpu.memory_space<vmem>> -> memref<1x128xi32, #tpu.memory_space<vmem>>
    %dma_start3A_15 = tpu.memref_squeeze %dma_start3A_14 : memref<1x128xi32, #tpu.memory_space<vmem>> -> memref<128xi32, #tpu.memory_space<vmem>>
    %dma_start3A_16 = arith.constant 0 : i32
    %dma_start3A_17 = arith.constant 0 : i32
    %dma_start3A_18 = tpu.memref_slice %arg2[%add3A_5, %dma_start3A_16, %dma_start3A_17] : memref<2x10240x128xf32, #tpu.memory_space<hbm>> -> memref<1x10240x128xf32, #tpu.memory_space<hbm>>
    %dma_start3A_19 = tpu.memref_squeeze %dma_start3A_18 : memref<1x10240x128xf32, #tpu.memory_space<hbm>> -> memref<10240x128xf32, #tpu.memory_space<hbm>>
    %dma_start3A_20 = arith.constant 0 : i32
    %dma_start3A_21 = arith.constant 0 : i32
    %dma_start3A_22 = tpu.memref_slice %dma_start3A_19[%dma_start3A_20, %dma_start3A_21] : memref<10240x128xf32, #tpu.memory_space<hbm>> -> memref<10240x128xf32, #tpu.memory_space<hbm>>
    tpu.enqueue_indirect_dma source(%dma_start3A_22 : memref<10240x128xf32, #tpu.memory_space<hbm>>) target(%dma_start3A_12 : memref<128x128xf32, #tpu.memory_space<vmem>>) offsets(%dma_start3A_15 : memref<128xi32, #tpu.memory_space<vmem>>) semaphore(%arg11 : memref<!tpu.dma_semaphore, #tpu.memory_space<semaphore_mem>>)
    %add3A_23 = arith.constant 1 : i32
    %add3A_24 = arith.addi %mul3A_2, %add3A_23 : i32
    %run_scoped3A_25 = arith.constant 1 : i32
    "tpu.region"() ({
      %run_scoped3A_47 = tpu.sem_alloc : memref<!tpu.dma_semaphore, #tpu.memory_space<semaphore_mem>>
      %dma_start3A_48 = arith.constant 0 : i32
      %dma_start3A_49 = tpu.memref_slice %arg10[%run_scoped3A_25, %dma_start3A_48] : memref<2x128xi32, #tpu.memory_space<vmem>> -> memref<1x128xi32, #tpu.memory_space<vmem>>
      %dma_start3A_50 = tpu.memref_squeeze %dma_start3A_49 : memref<1x128xi32, #tpu.memory_space<vmem>> -> memref<128xi32, #tpu.memory_space<vmem>>
      %dma_start3A_51 = arith.constant 0 : i32
      %dma_start3A_52 = tpu.memref_slice %arg3[%add3A_24, %dma_start3A_51] : memref<1282x128xi32, #tpu.memory_space<hbm>> -> memref<1x128xi32, #tpu.memory_space<hbm>>
      %dma_start3A_53 = tpu.memref_squeeze %dma_start3A_52 : memref<1x128xi32, #tpu.memory_space<hbm>> -> memref<128xi32, #tpu.memory_space<hbm>>
      %dma_start3A_54 = arith.constant 0 : i32
      %dma_start3A_55 = tpu.memref_slice %arg10[%run_scoped3A_25, %dma_start3A_54] : memref<2x128xi32, #tpu.memory_space<vmem>> -> memref<1x128xi32, #tpu.memory_space<vmem>>
      %dma_start3A_56 = tpu.memref_squeeze %dma_start3A_55 : memref<1x128xi32, #tpu.memory_space<vmem>> -> memref<128xi32, #tpu.memory_space<vmem>>
      %dma_start3A_57 = arith.constant 0 : i32
      %dma_start3A_58 = tpu.memref_slice %arg3[%add3A_24, %dma_start3A_57] : memref<1282x128xi32, #tpu.memory_space<hbm>> -> memref<1x128xi32, #tpu.memory_space<hbm>>
      %dma_start3A_59 = tpu.memref_squeeze %dma_start3A_58 : memref<1x128xi32, #tpu.memory_space<hbm>> -> memref<128xi32, #tpu.memory_space<hbm>>
      tpu.enqueue_dma source(%dma_start3A_59 : memref<128xi32, #tpu.memory_space<hbm>>) target(%dma_start3A_56 : memref<128xi32, #tpu.memory_space<vmem>>) target_semaphore(%run_scoped3A_47 : memref<!tpu.dma_semaphore, #tpu.memory_space<semaphore_mem>>)
      %dma_wait3A = arith.constant 0 : i32
      %dma_wait3A_60 = tpu.memref_slice %arg10[%run_scoped3A_25, %dma_wait3A] : memref<2x128xi32, #tpu.memory_space<vmem>> -> memref<1x128xi32, #tpu.memory_space<vmem>>
      %dma_wait3A_61 = tpu.memref_squeeze %dma_wait3A_60 : memref<1x128xi32, #tpu.memory_space<vmem>> -> memref<128xi32, #tpu.memory_space<vmem>>
      %dma_wait3A_62 = arith.constant 0 : i32
      %dma_wait3A_63 = tpu.memref_slice %arg3[%add3A_24, %dma_wait3A_62] : memref<1282x128xi32, #tpu.memory_space<hbm>> -> memref<1x128xi32, #tpu.memory_space<hbm>>
      %dma_wait3A_64 = tpu.memref_squeeze %dma_wait3A_63 : memref<1x128xi32, #tpu.memory_space<hbm>> -> memref<128xi32, #tpu.memory_space<hbm>>
      %dma_wait3A_65 = arith.constant 0 : i32
      %dma_wait3A_66 = tpu.memref_slice %arg10[%run_scoped3A_25, %dma_wait3A_65] : memref<2x128xi32, #tpu.memory_space<vmem>> -> memref<1x128xi32, #tpu.memory_space<vmem>>
      %dma_wait3A_67 = tpu.memref_squeeze %dma_wait3A_66 : memref<1x128xi32, #tpu.memory_space<vmem>> -> memref<128xi32, #tpu.memory_space<vmem>>
      %dma_wait3A_68 = arith.constant 0 : i32
      %dma_wait3A_69 = tpu.memref_slice %arg3[%add3A_24, %dma_wait3A_68] : memref<1282x128xi32, #tpu.memory_space<hbm>> -> memref<1x128xi32, #tpu.memory_space<hbm>>
      %dma_wait3A_70 = tpu.memref_squeeze %dma_wait3A_69 : memref<1x128xi32, #tpu.memory_space<hbm>> -> memref<128xi32, #tpu.memory_space<hbm>>
      tpu.wait_dma2 semaphore(%run_scoped3A_47 : memref<!tpu.dma_semaphore, #tpu.memory_space<semaphore_mem>>) src(%dma_wait3A_70 : memref<128xi32, #tpu.memory_space<hbm>>) dst(%dma_wait3A_67 : memref<128xi32, #tpu.memory_space<vmem>>)
      tpu.yield
    }) : () -> ()
    %dma_start3A_26 = arith.constant 1 : i32
    %dma_start3A_27 = arith.constant 1 : i32
    %dma_start3A_28 = arith.constant 0 : i32
    %dma_start3A_29 = arith.constant 0 : i32
    %dma_start3A_30 = tpu.memref_slice %arg8[%dma_start3A_27, %dma_start3A_28, %dma_start3A_29] : memref<2x128x128xf32, #tpu.memory_space<vmem>> -> memref<1x128x128xf32, #tpu.memory_space<vmem>>
    %dma_start3A_31 = tpu.memref_squeeze %dma_start3A_30 : memref<1x128x128xf32, #tpu.memory_space<vmem>> -> memref<128x128xf32, #tpu.memory_space<vmem>>
    %dma_start3A_32 = arith.constant 0 : i32
    %dma_start3A_33 = tpu.memref_slice %arg10[%dma_start3A_26, %dma_start3A_32] : memref<2x128xi32, #tpu.memory_space<vmem>> -> memref<1x128xi32, #tpu.memory_space<vmem>>
    %dma_start3A_34 = tpu.memref_squeeze %dma_start3A_33 : memref<1x128xi32, #tpu.memory_space<vmem>> -> memref<128xi32, #tpu.memory_space<vmem>>
    %dma_start3A_35 = arith.constant 0 : i32
    %dma_start3A_36 = arith.constant 0 : i32
    %dma_start3A_37 = tpu.memref_slice %arg2[%add3A_5, %dma_start3A_35, %dma_start3A_36] : memref<2x10240x128xf32, #tpu.memory_space<hbm>> -> memref<1x10240x128xf32, #tpu.memory_space<hbm>>
    %dma_start3A_38 = tpu.memref_squeeze %dma_start3A_37 : memref<1x10240x128xf32, #tpu.memory_space<hbm>> -> memref<10240x128xf32, #tpu.memory_space<hbm>>
    %dma_start3A_39 = arith.constant 0 : i32
    %dma_start3A_40 = arith.constant 0 : i32
    %dma_start3A_41 = tpu.memref_slice %dma_start3A_38[%dma_start3A_39, %dma_start3A_40] : memref<10240x128xf32, #tpu.memory_space<hbm>> -> memref<10240x128xf32, #tpu.memory_space<hbm>>
    tpu.enqueue_indirect_dma source(%dma_start3A_41 : memref<10240x128xf32, #tpu.memory_space<hbm>>) target(%dma_start3A_31 : memref<128x128xf32, #tpu.memory_space<vmem>>) offsets(%dma_start3A_34 : memref<128xi32, #tpu.memory_space<vmem>>) semaphore(%arg12 : memref<!tpu.dma_semaphore, #tpu.memory_space<semaphore_mem>>)
    %barrier3A = arith.constant 0 : index
    tpu.barrier barrier_id(%barrier3A)
    %scan3A = arith.constant 0 : i32
    %scan3A_42 = arith.constant 40 : i32
    %scan3A_43 = arith.addi %scan3A, %scan3A_42 : i32
    %scan3A_44 = arith.constant 1 : i32
    scf.for %scan3A_47 = %scan3A to %scan3A_43 step %scan3A_44  : i32 {
      %mul3A_48 = arith.constant 2 : i32
      %mul3A_49 = arith.muli %scan3A_47, %mul3A_48 : i32
      %add3A_50 = arith.constant 0 : i32
      %add3A_51 = arith.addi %add3A_50, %mul3A_49 : i32
      %dma_wait3A = arith.constant 0 : i32
      %dma_wait3A_52 = arith.constant 0 : i32
      %dma_wait3A_53 = arith.constant 0 : i32
      %dma_wait3A_54 = arith.constant 0 : i32
      %dma_wait3A_55 = tpu.memref_slice %arg8[%dma_wait3A_52, %dma_wait3A_53, %dma_wait3A_54] : memref<2x128x128xf32, #tpu.memory_space<vmem>> -> memref<1x128x128xf32, #tpu.memory_space<vmem>>
      %dma_wait3A_56 = tpu.memref_squeeze %dma_wait3A_55 : memref<1x128x128xf32, #tpu.memory_space<vmem>> -> memref<128x128xf32, #tpu.memory_space<vmem>>
      %dma_wait3A_57 = arith.constant 0 : i32
      %dma_wait3A_58 = tpu.memref_slice %arg10[%dma_wait3A, %dma_wait3A_57] : memref<2x128xi32, #tpu.memory_space<vmem>> -> memref<1x128xi32, #tpu.memory_space<vmem>>
      %dma_wait3A_59 = tpu.memref_squeeze %dma_wait3A_58 : memref<1x128xi32, #tpu.memory_space<vmem>> -> memref<128xi32, #tpu.memory_space<vmem>>
      %dma_wait3A_60 = arith.constant 0 : i32
      %dma_wait3A_61 = arith.constant 0 : i32
      %dma_wait3A_62 = tpu.memref_slice %arg2[%add3A_5, %dma_wait3A_60, %dma_wait3A_61] : memref<2x10240x128xf32, #tpu.memory_space<hbm>> -> memref<1x10240x128xf32, #tpu.memory_space<hbm>>
      %dma_wait3A_63 = tpu.memref_squeeze %dma_wait3A_62 : memref<1x10240x128xf32, #tpu.memory_space<hbm>> -> memref<10240x128xf32, #tpu.memory_space<hbm>>
      %dma_wait3A_64 = arith.constant 0 : i32
      %dma_wait3A_65 = arith.constant 0 : i32
      %dma_wait3A_66 = tpu.memref_slice %dma_wait3A_63[%dma_wait3A_64, %dma_wait3A_65] : memref<10240x128xf32, #tpu.memory_space<hbm>> -> memref<10240x128xf32, #tpu.memory_space<hbm>>
      tpu.wait_indirect_dma semaphore(%arg11 : memref<!tpu.dma_semaphore, #tpu.memory_space<semaphore_mem>>) src(%dma_wait3A_66 : memref<10240x128xf32, #tpu.memory_space<hbm>>) dst(%dma_wait3A_56 : memref<128x128xf32, #tpu.memory_space<vmem>>)
      %add3A_67 = arith.addi %mul3A_2, %add3A_51 : i32
      %add3A_68 = arith.constant 2 : i32
      %add3A_69 = arith.addi %add3A_67, %add3A_68 : i32
      %add3A_70 = arith.constant 0 : i32
      %add3A_71 = arith.addi %add3A_69, %add3A_70 : i32
      %dma_start3A_72 = arith.constant 0 : i32
      %dma_start3A_73 = arith.constant 0 : i32
      %dma_start3A_74 = tpu.memref_slice %arg10[%dma_start3A_72, %dma_start3A_73] : memref<2x128xi32, #tpu.memory_space<vmem>> -> memref<1x128xi32, #tpu.memory_space<vmem>>
      %dma_start3A_75 = tpu.memref_squeeze %dma_start3A_74 : memref<1x128xi32, #tpu.memory_space<vmem>> -> memref<128xi32, #tpu.memory_space<vmem>>
      %dma_start3A_76 = arith.constant 0 : i32
      %dma_start3A_77 = tpu.memref_slice %arg3[%add3A_71, %dma_start3A_76] : memref<1282x128xi32, #tpu.memory_space<hbm>> -> memref<1x128xi32, #tpu.memory_space<hbm>>
      %dma_start3A_78 = tpu.memref_squeeze %dma_start3A_77 : memref<1x128xi32, #tpu.memory_space<hbm>> -> memref<128xi32, #tpu.memory_space<hbm>>
      %dma_start3A_79 = arith.constant 0 : i32
      %dma_start3A_80 = tpu.memref_slice %arg10[%dma_start3A_72, %dma_start3A_79] : memref<2x128xi32, #tpu.memory_space<vmem>> -> memref<1x128xi32, #tpu.memory_space<vmem>>
      %dma_start3A_81 = tpu.memref_squeeze %dma_start3A_80 : memref<1x128xi32, #tpu.memory_space<vmem>> -> memref<128xi32, #tpu.memory_space<vmem>>
      %dma_start3A_82 = arith.constant 0 : i32
      %dma_start3A_83 = tpu.memref_slice %arg3[%add3A_71, %dma_start3A_82] : memref<1282x128xi32, #tpu.memory_space<hbm>> -> memref<1x128xi32, #tpu.memory_space<hbm>>
      %dma_start3A_84 = tpu.memref_squeeze %dma_start3A_83 : memref<1x128xi32, #tpu.memory_space<hbm>> -> memref<128xi32, #tpu.memory_space<hbm>>
      tpu.enqueue_dma source(%dma_start3A_84 : memref<128xi32, #tpu.memory_space<hbm>>) target(%dma_start3A_81 : memref<128xi32, #tpu.memory_space<vmem>>) target_semaphore(%arg15 : memref<!tpu.dma_semaphore, #tpu.memory_space<semaphore_mem>>)
      %add3A_85 = arith.constant 0 : i32
      %add3A_86 = arith.addi %add3A_51, %add3A_85 : i32
      %dma_start3A_87 = arith.constant 0 : i32
      %dma_start3A_88 = arith.constant 0 : i32
      %dma_start3A_89 = arith.constant 0 : i32
      %dma_start3A_90 = tpu.memref_slice %arg8[%dma_start3A_87, %dma_start3A_88, %dma_start3A_89] : memref<2x128x128xf32, #tpu.memory_space<vmem>> -> memref<1x128x128xf32, #tpu.memory_space<vmem>>
      %dma_start3A_91 = tpu.memref_squeeze %dma_start3A_90 : memref<1x128x128xf32, #tpu.memory_space<vmem>> -> memref<128x128xf32, #tpu.memory_space<vmem>>
      %dma_start3A_92 = arith.constant 0 : i32
      %dma_start3A_93 = tpu.memref_slice %arg9[%add3A_86, %dma_start3A_92] : memref<80x128xi32, #tpu.memory_space<vmem>> -> memref<1x128xi32, #tpu.memory_space<vmem>>
      %dma_start3A_94 = tpu.memref_squeeze %dma_start3A_93 : memref<1x128xi32, #tpu.memory_space<vmem>> -> memref<128xi32, #tpu.memory_space<vmem>>
      %dma_start3A_95 = arith.constant 0 : i32
      %dma_start3A_96 = arith.constant 0 : i32
      %dma_start3A_97 = tpu.memref_slice %arg7[%dma_start3A_95, %dma_start3A_96] : memref<10240x128xf32, #tpu.memory_space<vmem_shared>> -> memref<10240x128xf32, #tpu.memory_space<vmem_shared>>
      tpu.enqueue_indirect_dma source(%dma_start3A_91 : memref<128x128xf32, #tpu.memory_space<vmem>>) target(%dma_start3A_97 : memref<10240x128xf32, #tpu.memory_space<vmem_shared>>) offsets(%dma_start3A_94 : memref<128xi32, #tpu.memory_space<vmem>>) semaphore(%arg13 : memref<!tpu.dma_semaphore, #tpu.memory_space<semaphore_mem>>) {add = true}
      %dma_wait3A_98 = arith.constant 1 : i32
      %dma_wait3A_99 = arith.constant 1 : i32
      %dma_wait3A_100 = arith.constant 0 : i32
      %dma_wait3A_101 = arith.constant 0 : i32
      %dma_wait3A_102 = tpu.memref_slice %arg8[%dma_wait3A_99, %dma_wait3A_100, %dma_wait3A_101] : memref<2x128x128xf32, #tpu.memory_space<vmem>> -> memref<1x128x128xf32, #tpu.memory_space<vmem>>
      %dma_wait3A_103 = tpu.memref_squeeze %dma_wait3A_102 : memref<1x128x128xf32, #tpu.memory_space<vmem>> -> memref<128x128xf32, #tpu.memory_space<vmem>>
      %dma_wait3A_104 = arith.constant 0 : i32
      %dma_wait3A_105 = tpu.memref_slice %arg10[%dma_wait3A_98, %dma_wait3A_104] : memref<2x128xi32, #tpu.memory_space<vmem>> -> memref<1x128xi32, #tpu.memory_space<vmem>>
      %dma_wait3A_106 = tpu.memref_squeeze %dma_wait3A_105 : memref<1x128xi32, #tpu.memory_space<vmem>> -> memref<128xi32, #tpu.memory_space<vmem>>
      %dma_wait3A_107 = arith.constant 0 : i32
      %dma_wait3A_108 = arith.constant 0 : i32
      %dma_wait3A_109 = tpu.memref_slice %arg2[%add3A_5, %dma_wait3A_107, %dma_wait3A_108] : memref<2x10240x128xf32, #tpu.memory_space<hbm>> -> memref<1x10240x128xf32, #tpu.memory_space<hbm>>
      %dma_wait3A_110 = tpu.memref_squeeze %dma_wait3A_109 : memref<1x10240x128xf32, #tpu.memory_space<hbm>> -> memref<10240x128xf32, #tpu.memory_space<hbm>>
      %dma_wait3A_111 = arith.constant 0 : i32
      %dma_wait3A_112 = arith.constant 0 : i32
      %dma_wait3A_113 = tpu.memref_slice %dma_wait3A_110[%dma_wait3A_111, %dma_wait3A_112] : memref<10240x128xf32, #tpu.memory_space<hbm>> -> memref<10240x128xf32, #tpu.memory_space<hbm>>
      tpu.wait_indirect_dma semaphore(%arg12 : memref<!tpu.dma_semaphore, #tpu.memory_space<semaphore_mem>>) src(%dma_wait3A_113 : memref<10240x128xf32, #tpu.memory_space<hbm>>) dst(%dma_wait3A_103 : memref<128x128xf32, #tpu.memory_space<vmem>>)
      %add3A_114 = arith.addi %mul3A_2, %add3A_51 : i32
      %add3A_115 = arith.constant 2 : i32
      %add3A_116 = arith.addi %add3A_114, %add3A_115 : i32
      %add3A_117 = arith.constant 1 : i32
      %add3A_118 = arith.addi %add3A_116, %add3A_117 : i32
      %dma_start3A_119 = arith.constant 1 : i32
      %dma_start3A_120 = arith.constant 0 : i32
      %dma_start3A_121 = tpu.memref_slice %arg10[%dma_start3A_119, %dma_start3A_120] : memref<2x128xi32, #tpu.memory_space<vmem>> -> memref<1x128xi32, #tpu.memory_space<vmem>>
      %dma_start3A_122 = tpu.memref_squeeze %dma_start3A_121 : memref<1x128xi32, #tpu.memory_space<vmem>> -> memref<128xi32, #tpu.memory_space<vmem>>
      %dma_start3A_123 = arith.constant 0 : i32
      %dma_start3A_124 = tpu.memref_slice %arg3[%add3A_118, %dma_start3A_123] : memref<1282x128xi32, #tpu.memory_space<hbm>> -> memref<1x128xi32, #tpu.memory_space<hbm>>
      %dma_start3A_125 = tpu.memref_squeeze %dma_start3A_124 : memref<1x128xi32, #tpu.memory_space<hbm>> -> memref<128xi32, #tpu.memory_space<hbm>>
      %dma_start3A_126 = arith.constant 0 : i32
      %dma_start3A_127 = tpu.memref_slice %arg10[%dma_start3A_119, %dma_start3A_126] : memref<2x128xi32, #tpu.memory_space<vmem>> -> memref<1x128xi32, #tpu.memory_space<vmem>>
      %dma_start3A_128 = tpu.memref_squeeze %dma_start3A_127 : memref<1x128xi32, #tpu.memory_space<vmem>> -> memref<128xi32, #tpu.memory_space<vmem>>
      %dma_start3A_129 = arith.constant 0 : i32
      %dma_start3A_130 = tpu.memref_slice %arg3[%add3A_118, %dma_start3A_129] : memref<1282x128xi32, #tpu.memory_space<hbm>> -> memref<1x128xi32, #tpu.memory_space<hbm>>
      %dma_start3A_131 = tpu.memref_squeeze %dma_start3A_130 : memref<1x128xi32, #tpu.memory_space<hbm>> -> memref<128xi32, #tpu.memory_space<hbm>>
      tpu.enqueue_dma source(%dma_start3A_131 : memref<128xi32, #tpu.memory_space<hbm>>) target(%dma_start3A_128 : memref<128xi32, #tpu.memory_space<vmem>>) target_semaphore(%arg16 : memref<!tpu.dma_semaphore, #tpu.memory_space<semaphore_mem>>)
      %add3A_132 = arith.constant 1 : i32
      %add3A_133 = arith.addi %add3A_51, %add3A_132 : i32
      %dma_start3A_134 = arith.constant 1 : i32
      %dma_start3A_135 = arith.constant 0 : i32
      %dma_start3A_136 = arith.constant 0 : i32
      %dma_start3A_137 = tpu.memref_slice %arg8[%dma_start3A_134, %dma_start3A_135, %dma_start3A_136] : memref<2x128x128xf32, #tpu.memory_space<vmem>> -> memref<1x128x128xf32, #tpu.memory_space<vmem>>
      %dma_start3A_138 = tpu.memref_squeeze %dma_start3A_137 : memref<1x128x128xf32, #tpu.memory_space<vmem>> -> memref<128x128xf32, #tpu.memory_space<vmem>>
      %dma_start3A_139 = arith.constant 0 : i32
      %dma_start3A_140 = tpu.memref_slice %arg9[%add3A_133, %dma_start3A_139] : memref<80x128xi32, #tpu.memory_space<vmem>> -> memref<1x128xi32, #tpu.memory_space<vmem>>
      %dma_start3A_141 = tpu.memref_squeeze %dma_start3A_140 : memref<1x128xi32, #tpu.memory_space<vmem>> -> memref<128xi32, #tpu.memory_space<vmem>>
      %dma_start3A_142 = arith.constant 0 : i32
      %dma_start3A_143 = arith.constant 0 : i32
      %dma_start3A_144 = tpu.memref_slice %arg7[%dma_start3A_142, %dma_start3A_143] : memref<10240x128xf32, #tpu.memory_space<vmem_shared>> -> memref<10240x128xf32, #tpu.memory_space<vmem_shared>>
      tpu.enqueue_indirect_dma source(%dma_start3A_138 : memref<128x128xf32, #tpu.memory_space<vmem>>) target(%dma_start3A_144 : memref<10240x128xf32, #tpu.memory_space<vmem_shared>>) offsets(%dma_start3A_141 : memref<128xi32, #tpu.memory_space<vmem>>) semaphore(%arg14 : memref<!tpu.dma_semaphore, #tpu.memory_space<semaphore_mem>>) {add = true}
      %dma_wait3A_145 = arith.constant 0 : i32
      %dma_wait3A_146 = arith.constant 0 : i32
      %dma_wait3A_147 = arith.constant 0 : i32
      %dma_wait3A_148 = tpu.memref_slice %arg8[%dma_wait3A_145, %dma_wait3A_146, %dma_wait3A_147] : memref<2x128x128xf32, #tpu.memory_space<vmem>> -> memref<1x128x128xf32, #tpu.memory_space<vmem>>
      %dma_wait3A_149 = tpu.memref_squeeze %dma_wait3A_148 : memref<1x128x128xf32, #tpu.memory_space<vmem>> -> memref<128x128xf32, #tpu.memory_space<vmem>>
      %dma_wait3A_150 = arith.constant 0 : i32
      %dma_wait3A_151 = tpu.memref_slice %arg9[%add3A_86, %dma_wait3A_150] : memref<80x128xi32, #tpu.memory_space<vmem>> -> memref<1x128xi32, #tpu.memory_space<vmem>>
      %dma_wait3A_152 = tpu.memref_squeeze %dma_wait3A_151 : memref<1x128xi32, #tpu.memory_space<vmem>> -> memref<128xi32, #tpu.memory_space<vmem>>
      %dma_wait3A_153 = arith.constant 0 : i32
      %dma_wait3A_154 = arith.constant 0 : i32
      %dma_wait3A_155 = tpu.memref_slice %arg7[%dma_wait3A_153, %dma_wait3A_154] : memref<10240x128xf32, #tpu.memory_space<vmem_shared>> -> memref<10240x128xf32, #tpu.memory_space<vmem_shared>>
      tpu.wait_indirect_dma semaphore(%arg13 : memref<!tpu.dma_semaphore, #tpu.memory_space<semaphore_mem>>) src(%dma_wait3A_149 : memref<128x128xf32, #tpu.memory_space<vmem>>) dst(%dma_wait3A_155 : memref<10240x128xf32, #tpu.memory_space<vmem_shared>>)
      %dma_wait3A_156 = arith.constant 0 : i32
      %dma_wait3A_157 = arith.constant 0 : i32
      %dma_wait3A_158 = tpu.memref_slice %arg10[%dma_wait3A_156, %dma_wait3A_157] : memref<2x128xi32, #tpu.memory_space<vmem>> -> memref<1x128xi32, #tpu.memory_space<vmem>>
      %dma_wait3A_159 = tpu.memref_squeeze %dma_wait3A_158 : memref<1x128xi32, #tpu.memory_space<vmem>> -> memref<128xi32, #tpu.memory_space<vmem>>
      %dma_wait3A_160 = arith.constant 0 : i32
      %dma_wait3A_161 = tpu.memref_slice %arg3[%add3A_71, %dma_wait3A_160] : memref<1282x128xi32, #tpu.memory_space<hbm>> -> memref<1x128xi32, #tpu.memory_space<hbm>>
      %dma_wait3A_162 = tpu.memref_squeeze %dma_wait3A_161 : memref<1x128xi32, #tpu.memory_space<hbm>> -> memref<128xi32, #tpu.memory_space<hbm>>
      %dma_wait3A_163 = arith.constant 0 : i32
      %dma_wait3A_164 = tpu.memref_slice %arg10[%dma_wait3A_156, %dma_wait3A_163] : memref<2x128xi32, #tpu.memory_space<vmem>> -> memref<1x128xi32, #tpu.memory_space<vmem>>
      %dma_wait3A_165 = tpu.memref_squeeze %dma_wait3A_164 : memref<1x128xi32, #tpu.memory_space<vmem>> -> memref<128xi32, #tpu.memory_space<vmem>>
      %dma_wait3A_166 = arith.constant 0 : i32
      %dma_wait3A_167 = tpu.memref_slice %arg3[%add3A_71, %dma_wait3A_166] : memref<1282x128xi32, #tpu.memory_space<hbm>> -> memref<1x128xi32, #tpu.memory_space<hbm>>
      %dma_wait3A_168 = tpu.memref_squeeze %dma_wait3A_167 : memref<1x128xi32, #tpu.memory_space<hbm>> -> memref<128xi32, #tpu.memory_space<hbm>>
      tpu.wait_dma2 semaphore(%arg15 : memref<!tpu.dma_semaphore, #tpu.memory_space<semaphore_mem>>) src(%dma_wait3A_168 : memref<128xi32, #tpu.memory_space<hbm>>) dst(%dma_wait3A_165 : memref<128xi32, #tpu.memory_space<vmem>>)
      %add3A_169 = arith.constant 2 : i32
      %add3A_170 = arith.addi %add3A_51, %add3A_169 : i32
      %add3A_171 = arith.constant 0 : i32
      %add3A_172 = arith.addi %add3A_170, %add3A_171 : i32
      %lt3A = arith.constant 80 : i32
      %lt3A_173 = arith.cmpi slt, %add3A_172, %lt3A : i32
      %convert_element_type3A = arith.extui %lt3A_173 : i1 to i32
      %cond3A = arith.constant 0 : i32
      %cond3A_174 = arith.cmpi ne, %convert_element_type3A, %cond3A : i32
      scf.if %cond3A_174 {
        %dma_start3A_208 = arith.constant 0 : i32
        %dma_start3A_209 = arith.constant 0 : i32
        %dma_start3A_210 = arith.constant 0 : i32
        %dma_start3A_211 = arith.constant 0 : i32
        %dma_start3A_212 = tpu.memref_slice %arg8[%dma_start3A_209, %dma_start3A_210, %dma_start3A_211] : memref<2x128x128xf32, #tpu.memory_space<vmem>> -> memref<1x128x128xf32, #tpu.memory_space<vmem>>
        %dma_start3A_213 = tpu.memref_squeeze %dma_start3A_212 : memref<1x128x128xf32, #tpu.memory_space<vmem>> -> memref<128x128xf32, #tpu.memory_space<vmem>>
        %dma_start3A_214 = arith.constant 0 : i32
        %dma_start3A_215 = tpu.memref_slice %arg10[%dma_start3A_208, %dma_start3A_214] : memref<2x128xi32, #tpu.memory_space<vmem>> -> memref<1x128xi32, #tpu.memory_space<vmem>>
        %dma_start3A_216 = tpu.memref_squeeze %dma_start3A_215 : memref<1x128xi32, #tpu.memory_space<vmem>> -> memref<128xi32, #tpu.memory_space<vmem>>
        %dma_start3A_217 = arith.constant 0 : i32
        %dma_start3A_218 = arith.constant 0 : i32
        %dma_start3A_219 = tpu.memref_slice %arg2[%add3A_5, %dma_start3A_217, %dma_start3A_218] : memref<2x10240x128xf32, #tpu.memory_space<hbm>> -> memref<1x10240x128xf32, #tpu.memory_space<hbm>>
        %dma_start3A_220 = tpu.memref_squeeze %dma_start3A_219 : memref<1x10240x128xf32, #tpu.memory_space<hbm>> -> memref<10240x128xf32, #tpu.memory_space<hbm>>
        %dma_start3A_221 = arith.constant 0 : i32
        %dma_start3A_222 = arith.constant 0 : i32
        %dma_start3A_223 = tpu.memref_slice %dma_start3A_220[%dma_start3A_221, %dma_start3A_222] : memref<10240x128xf32, #tpu.memory_space<hbm>> -> memref<10240x128xf32, #tpu.memory_space<hbm>>
        tpu.enqueue_indirect_dma source(%dma_start3A_223 : memref<10240x128xf32, #tpu.memory_space<hbm>>) target(%dma_start3A_213 : memref<128x128xf32, #tpu.memory_space<vmem>>) offsets(%dma_start3A_216 : memref<128xi32, #tpu.memory_space<vmem>>) semaphore(%arg11 : memref<!tpu.dma_semaphore, #tpu.memory_space<semaphore_mem>>)
      } else {
      }
      %dma_wait3A_175 = arith.constant 1 : i32
      %dma_wait3A_176 = arith.constant 0 : i32
      %dma_wait3A_177 = arith.constant 0 : i32
      %dma_wait3A_178 = tpu.memref_slice %arg8[%dma_wait3A_175, %dma_wait3A_176, %dma_wait3A_177] : memref<2x128x128xf32, #tpu.memory_space<vmem>> -> memref<1x128x128xf32, #tpu.memory_space<vmem>>
      %dma_wait3A_179 = tpu.memref_squeeze %dma_wait3A_178 : memref<1x128x128xf32, #tpu.memory_space<vmem>> -> memref<128x128xf32, #tpu.memory_space<vmem>>
      %dma_wait3A_180 = arith.constant 0 : i32
      %dma_wait3A_181 = tpu.memref_slice %arg9[%add3A_133, %dma_wait3A_180] : memref<80x128xi32, #tpu.memory_space<vmem>> -> memref<1x128xi32, #tpu.memory_space<vmem>>
      %dma_wait3A_182 = tpu.memref_squeeze %dma_wait3A_181 : memref<1x128xi32, #tpu.memory_space<vmem>> -> memref<128xi32, #tpu.memory_space<vmem>>
      %dma_wait3A_183 = arith.constant 0 : i32
      %dma_wait3A_184 = arith.constant 0 : i32
      %dma_wait3A_185 = tpu.memref_slice %arg7[%dma_wait3A_183, %dma_wait3A_184] : memref<10240x128xf32, #tpu.memory_space<vmem_shared>> -> memref<10240x128xf32, #tpu.memory_space<vmem_shared>>
      tpu.wait_indirect_dma semaphore(%arg14 : memref<!tpu.dma_semaphore, #tpu.memory_space<semaphore_mem>>) src(%dma_wait3A_179 : memref<128x128xf32, #tpu.memory_space<vmem>>) dst(%dma_wait3A_185 : memref<10240x128xf32, #tpu.memory_space<vmem_shared>>)
      %dma_wait3A_186 = arith.constant 1 : i32
      %dma_wait3A_187 = arith.constant 0 : i32
      %dma_wait3A_188 = tpu.memref_slice %arg10[%dma_wait3A_186, %dma_wait3A_187] : memref<2x128xi32, #tpu.memory_space<vmem>> -> memref<1x128xi32, #tpu.memory_space<vmem>>
      %dma_wait3A_189 = tpu.memref_squeeze %dma_wait3A_188 : memref<1x128xi32, #tpu.memory_space<vmem>> -> memref<128xi32, #tpu.memory_space<vmem>>
      %dma_wait3A_190 = arith.constant 0 : i32
      %dma_wait3A_191 = tpu.memref_slice %arg3[%add3A_118, %dma_wait3A_190] : memref<1282x128xi32, #tpu.memory_space<hbm>> -> memref<1x128xi32, #tpu.memory_space<hbm>>
      %dma_wait3A_192 = tpu.memref_squeeze %dma_wait3A_191 : memref<1x128xi32, #tpu.memory_space<hbm>> -> memref<128xi32, #tpu.memory_space<hbm>>
      %dma_wait3A_193 = arith.constant 0 : i32
      %dma_wait3A_194 = tpu.memref_slice %arg10[%dma_wait3A_186, %dma_wait3A_193] : memref<2x128xi32, #tpu.memory_space<vmem>> -> memref<1x128xi32, #tpu.memory_space<vmem>>
      %dma_wait3A_195 = tpu.memref_squeeze %dma_wait3A_194 : memref<1x128xi32, #tpu.memory_space<vmem>> -> memref<128xi32, #tpu.memory_space<vmem>>
      %dma_wait3A_196 = arith.constant 0 : i32
      %dma_wait3A_197 = tpu.memref_slice %arg3[%add3A_118, %dma_wait3A_196] : memref<1282x128xi32, #tpu.memory_space<hbm>> -> memref<1x128xi32, #tpu.memory_space<hbm>>
      %dma_wait3A_198 = tpu.memref_squeeze %dma_wait3A_197 : memref<1x128xi32, #tpu.memory_space<hbm>> -> memref<128xi32, #tpu.memory_space<hbm>>
      tpu.wait_dma2 semaphore(%arg16 : memref<!tpu.dma_semaphore, #tpu.memory_space<semaphore_mem>>) src(%dma_wait3A_198 : memref<128xi32, #tpu.memory_space<hbm>>) dst(%dma_wait3A_195 : memref<128xi32, #tpu.memory_space<vmem>>)
      %add3A_199 = arith.constant 2 : i32
      %add3A_200 = arith.addi %add3A_51, %add3A_199 : i32
      %add3A_201 = arith.constant 1 : i32
      %add3A_202 = arith.addi %add3A_200, %add3A_201 : i32
      %lt3A_203 = arith.constant 80 : i32
      %lt3A_204 = arith.cmpi slt, %add3A_202, %lt3A_203 : i32
      %convert_element_type3A_205 = arith.extui %lt3A_204 : i1 to i32
      %cond3A_206 = arith.constant 0 : i32
      %cond3A_207 = arith.cmpi ne, %convert_element_type3A_205, %cond3A_206 : i32
      scf.if %cond3A_207 {
        %dma_start3A_208 = arith.constant 1 : i32
        %dma_start3A_209 = arith.constant 1 : i32
        %dma_start3A_210 = arith.constant 0 : i32
        %dma_start3A_211 = arith.constant 0 : i32
        %dma_start3A_212 = tpu.memref_slice %arg8[%dma_start3A_209, %dma_start3A_210, %dma_start3A_211] : memref<2x128x128xf32, #tpu.memory_space<vmem>> -> memref<1x128x128xf32, #tpu.memory_space<vmem>>
        %dma_start3A_213 = tpu.memref_squeeze %dma_start3A_212 : memref<1x128x128xf32, #tpu.memory_space<vmem>> -> memref<128x128xf32, #tpu.memory_space<vmem>>
        %dma_start3A_214 = arith.constant 0 : i32
        %dma_start3A_215 = tpu.memref_slice %arg10[%dma_start3A_208, %dma_start3A_214] : memref<2x128xi32, #tpu.memory_space<vmem>> -> memref<1x128xi32, #tpu.memory_space<vmem>>
        %dma_start3A_216 = tpu.memref_squeeze %dma_start3A_215 : memref<1x128xi32, #tpu.memory_space<vmem>> -> memref<128xi32, #tpu.memory_space<vmem>>
        %dma_start3A_217 = arith.constant 0 : i32
        %dma_start3A_218 = arith.constant 0 : i32
        %dma_start3A_219 = tpu.memref_slice %arg2[%add3A_5, %dma_start3A_217, %dma_start3A_218] : memref<2x10240x128xf32, #tpu.memory_space<hbm>> -> memref<1x10240x128xf32, #tpu.memory_space<hbm>>
        %dma_start3A_220 = tpu.memref_squeeze %dma_start3A_219 : memref<1x10240x128xf32, #tpu.memory_space<hbm>> -> memref<10240x128xf32, #tpu.memory_space<hbm>>
        %dma_start3A_221 = arith.constant 0 : i32
        %dma_start3A_222 = arith.constant 0 : i32
        %dma_start3A_223 = tpu.memref_slice %dma_start3A_220[%dma_start3A_221, %dma_start3A_222] : memref<10240x128xf32, #tpu.memory_space<hbm>> -> memref<10240x128xf32, #tpu.memory_space<hbm>>
        tpu.enqueue_indirect_dma source(%dma_start3A_223 : memref<10240x128xf32, #tpu.memory_space<hbm>>) target(%dma_start3A_213 : memref<128x128xf32, #tpu.memory_space<vmem>>) offsets(%dma_start3A_216 : memref<128xi32, #tpu.memory_space<vmem>>) semaphore(%arg12 : memref<!tpu.dma_semaphore, #tpu.memory_space<semaphore_mem>>)
      } else {
      }
    }
    %scan3A_45 = arith.constant 40 : i32
    %barrier3A_46 = arith.constant 0 : index
    tpu.barrier barrier_id(%barrier3A_46)
    "tpu.region"() ({
      %run_scoped3A_47 = tpu.sem_alloc : memref<!tpu.dma_semaphore, #tpu.memory_space<semaphore_mem>>
      %dma_start3A_48 = arith.constant 0 : i32
      %dma_start3A_49 = arith.constant 0 : i32
      %dma_start3A_50 = tpu.memref_slice %arg6[%add3A_5, %dma_start3A_48, %dma_start3A_49] : memref<2x10240x128xf32, #tpu.memory_space<hbm>> -> memref<1x10240x128xf32, #tpu.memory_space<hbm>>
      %dma_start3A_51 = tpu.memref_squeeze %dma_start3A_50 : memref<1x10240x128xf32, #tpu.memory_space<hbm>> -> memref<10240x128xf32, #tpu.memory_space<hbm>>
      %dma_start3A_52 = arith.constant 0 : i32
      %dma_start3A_53 = tpu.memref_slice %dma_start3A_51[%mul3A_0, %dma_start3A_52] : memref<10240x128xf32, #tpu.memory_space<hbm>> -> memref<640x128xf32, #tpu.memory_space<hbm>>
      %dma_start3A_54 = arith.constant 0 : i32
      %dma_start3A_55 = tpu.memref_slice %arg7[%mul3A_0, %dma_start3A_54] : memref<10240x128xf32, #tpu.memory_space<vmem_shared>> -> memref<640x128xf32, #tpu.memory_space<vmem_shared>>
      tpu.enqueue_dma source(%dma_start3A_55 : memref<640x128xf32, #tpu.memory_space<vmem_shared>>) target(%dma_start3A_53 : memref<640x128xf32, #tpu.memory_space<hbm>>) target_semaphore(%run_scoped3A_47 : memref<!tpu.dma_semaphore, #tpu.memory_space<semaphore_mem>>)
      %dma_wait3A = arith.constant 0 : i32
      %dma_wait3A_56 = arith.constant 0 : i32
      %dma_wait3A_57 = tpu.memref_slice %arg6[%add3A_5, %dma_wait3A, %dma_wait3A_56] : memref<2x10240x128xf32, #tpu.memory_space<hbm>> -> memref<1x10240x128xf32, #tpu.memory_space<hbm>>
      %dma_wait3A_58 = tpu.memref_squeeze %dma_wait3A_57 : memref<1x10240x128xf32, #tpu.memory_space<hbm>> -> memref<10240x128xf32, #tpu.memory_space<hbm>>
      %dma_wait3A_59 = arith.constant 0 : i32
      %dma_wait3A_60 = tpu.memref_slice %dma_wait3A_58[%mul3A_0, %dma_wait3A_59] : memref<10240x128xf32, #tpu.memory_space<hbm>> -> memref<640x128xf32, #tpu.memory_space<hbm>>
      %dma_wait3A_61 = arith.constant 0 : i32
      %dma_wait3A_62 = tpu.memref_slice %arg7[%mul3A_0, %dma_wait3A_61] : memref<10240x128xf32, #tpu.memory_space<vmem_shared>> -> memref<640x128xf32, #tpu.memory_space<vmem_shared>>
      tpu.wait_dma2 semaphore(%run_scoped3A_47 : memref<!tpu.dma_semaphore, #tpu.memory_space<semaphore_mem>>) src(%dma_wait3A_62 : memref<640x128xf32, #tpu.memory_space<vmem_shared>>) dst(%dma_wait3A_60 : memref<640x128xf32, #tpu.memory_space<hbm>>)
      tpu.yield
    }) : () -> ()
    return
  }
}

module attributes {stable_mosaic.version = 14 : i64} {
  func.func @_tc_a_body(%arg0: i32, %arg1: i32, %arg2: memref<1280x128xf32, #tpu.memory_space<vmem>>, %arg3: memref<2x1280x128xf32, #tpu.memory_space<vmem>>, %arg4: memref<1x1280x128xf32, #tpu.memory_space<vmem>>) attributes {dimension_semantics = [#tpu.dimension_semantics<arbitrary>, #tpu.dimension_semantics<arbitrary>], iteration_bounds = array<i64: 8, 2>, scalar_prefetch = 0 : i64, scratch_operands = 0 : i64, tpu.core_type = #tpu.core_type<tc>, window_params = [{transform_indices = @transform_0, window_bounds = array<i64: 1280, 128>}, {transform_indices = @transform_1, window_bounds = array<i64: 2, 1280, 128>}, {transform_indices = @transform_2, window_bounds = array<i64: 1, 1280, 128>}]} {
    %get3A = arith.constant 0 : index
    %get3A_0 = arith.constant 0 : index
    %get3A_1 = arith.constant 0 : index
    %get3A_2 = vector.load %arg3[%get3A, %get3A_0, %get3A_1] : memref<2x1280x128xf32, #tpu.memory_space<vmem>>, vector<1x1280x1xf32>
    %get3A_3 = vector.shape_cast %get3A_2 : vector<1x1280x1xf32> to vector<1280x1xf32>
    %get3A_4 = arith.constant 1 : index
    %get3A_5 = arith.constant 0 : index
    %get3A_6 = arith.constant 0 : index
    %get3A_7 = vector.load %arg3[%get3A_4, %get3A_5, %get3A_6] : memref<2x1280x128xf32, #tpu.memory_space<vmem>>, vector<1x1280x1xf32>
    %get3A_8 = vector.shape_cast %get3A_7 : vector<1x1280x1xf32> to vector<1280x1xf32>
    %add3A = arith.addf %get3A_3, %get3A_8 : vector<1280x1xf32>
    %add3A_9 = arith.constant 1.000000e+00 : f32
    %add3A_10 = vector.broadcast %add3A_9 : f32 to vector<1280x1xf32>
    %add3A_11 = arith.addf %add3A, %add3A_10 : vector<1280x1xf32>
    %rsqrt3A = math.rsqrt %add3A_11 : vector<1280x1xf32>
    %get3A_12 = arith.constant 0 : index
    %get3A_13 = arith.constant 0 : index
    %get3A_14 = vector.load %arg2[%get3A_12, %get3A_13] : memref<1280x128xf32, #tpu.memory_space<vmem>>, vector<1280x128xf32>
    %mul3A = vector.broadcast %rsqrt3A : vector<1280x1xf32> to vector<1280x128xf32>
    %mul3A_15 = arith.mulf %get3A_14, %mul3A : vector<1280x128xf32>
    %swap3A = arith.constant 0 : index
    %swap3A_16 = arith.constant 0 : index
    %swap3A_17 = arith.constant 0 : index
    %swap3A_18 = vector.load %arg4[%swap3A, %swap3A_16, %swap3A_17] : memref<1x1280x128xf32, #tpu.memory_space<vmem>>, vector<1x1280x128xf32>
    %swap3A_19 = vector.shape_cast %swap3A_18 : vector<1x1280x128xf32> to vector<1280x128xf32>
    %swap3A_20 = vector.shape_cast %mul3A_15 : vector<1280x128xf32> to vector<1x1280x128xf32>
    tpu.vector_store %arg4[%swap3A, %swap3A_16, %swap3A_17], %swap3A_20 {strides = array<i32>} : memref<1x1280x128xf32, #tpu.memory_space<vmem>>, vector<1x1280x128xf32>,
    return
  }
  func.func @transform_0(%arg0: i32, %arg1: i32) -> (i32, i32) {
    %c0_i32 = arith.constant 0 : i32
    return %arg0, %arg1 : i32, i32
  }
  func.func @transform_1(%arg0: i32, %arg1: i32) -> (i32, i32, i32) {
    %c0_i32 = arith.constant 0 : i32
    %c0_i32_0 = arith.constant 0 : i32
    %c0_i32_1 = arith.constant 0 : i32
    return %c0_i32, %arg0, %c0_i32_0 : i32, i32, i32
  }
  func.func @transform_2(%arg0: i32, %arg1: i32) -> (i32, i32, i32) {
    %c0_i32 = arith.constant 0 : i32
    %c0_i32_0 = arith.constant 0 : i32
    return %arg1, %arg0, %c0_i32 : i32, i32, i32
  }
}

module attributes {stable_mosaic.version = 14 : i64} {
  func.func @_tc_b_body(%arg0: i32, %arg1: memref<2x1280x128xf32, #tpu.memory_space<vmem>>, %arg2: memref<2x1280x128xf32, #tpu.memory_space<vmem>>, %arg3: memref<2x1280x128xf32, #tpu.memory_space<vmem>>, %arg4: memref<256x512xf32, #tpu.memory_space<vmem>>, %arg5: memref<1x512xf32, #tpu.memory_space<vmem>>, %arg6: memref<1x512xf32, #tpu.memory_space<vmem>>, %arg7: memref<1x512xf32, #tpu.memory_space<vmem>>, %arg8: memref<512x256xf32, #tpu.memory_space<vmem>>, %arg9: memref<2x1280x128xf32, #tpu.memory_space<vmem>>) attributes {dimension_semantics = [#tpu.dimension_semantics<arbitrary>], iteration_bounds = array<i64: 8>, scalar_prefetch = 0 : i64, scratch_operands = 0 : i64, tpu.core_type = #tpu.core_type<tc>, window_params = [{transform_indices = @transform_0, window_bounds = array<i64: 2, 1280, 128>}, {transform_indices = @transform_1, window_bounds = array<i64: 2, 1280, 128>}, {transform_indices = @transform_2, window_bounds = array<i64: 2, 1280, 128>}, {pipeline_mode = #tpu.pipeline_mode<synchronous>, transform_indices = @transform_3, window_bounds = array<i64: 256, 512>}, {pipeline_mode = #tpu.pipeline_mode<synchronous>, transform_indices = @transform_4, window_bounds = array<i64: 1, 512>}, {pipeline_mode = #tpu.pipeline_mode<synchronous>, transform_indices = @transform_5, window_bounds = array<i64: 1, 512>}, {pipeline_mode = #tpu.pipeline_mode<synchronous>, transform_indices = @transform_6, window_bounds = array<i64: 1, 512>}, {pipeline_mode = #tpu.pipeline_mode<synchronous>, transform_indices = @transform_7, window_bounds = array<i64: 512, 256>}, {transform_indices = @transform_8, window_bounds = array<i64: 2, 1280, 128>}]} {
    %get3A = arith.constant 0 : index
    %get3A_0 = arith.constant 0 : index
    %get3A_1 = arith.constant 0 : index
    %get3A_2 = vector.load %arg3[%get3A, %get3A_0, %get3A_1] : memref<2x1280x128xf32, #tpu.memory_space<vmem>>, vector<1x1280x1xf32>
    %get3A_3 = vector.shape_cast %get3A_2 : vector<1x1280x1xf32> to vector<1280x1xf32>
    %get3A_4 = arith.constant 1 : index
    %get3A_5 = arith.constant 0 : index
    %get3A_6 = arith.constant 0 : index
    %get3A_7 = vector.load %arg3[%get3A_4, %get3A_5, %get3A_6] : memref<2x1280x128xf32, #tpu.memory_space<vmem>>, vector<1x1280x1xf32>
    %get3A_8 = vector.shape_cast %get3A_7 : vector<1x1280x1xf32> to vector<1280x1xf32>
    %add3A = arith.addf %get3A_3, %get3A_8 : vector<1280x1xf32>
    %add3A_9 = arith.constant 1.000000e+00 : f32
    %add3A_10 = vector.broadcast %add3A_9 : f32 to vector<1280x1xf32>
    %add3A_11 = arith.addf %add3A, %add3A_10 : vector<1280x1xf32>
    %rsqrt3A = math.rsqrt %add3A_11 : vector<1280x1xf32>
    %get3A_12 = arith.constant 0 : index
    %get3A_13 = arith.constant 0 : index
    %get3A_14 = arith.constant 0 : index
    %get3A_15 = vector.load %arg1[%get3A_12, %get3A_13, %get3A_14] : memref<2x1280x128xf32, #tpu.memory_space<vmem>>, vector<2x1280x128xf32>
    %get3A_16 = arith.constant 0 : index
    %get3A_17 = arith.constant 0 : index
    %get3A_18 = arith.constant 0 : index
    %get3A_19 = vector.load %arg2[%get3A_16, %get3A_17, %get3A_18] : memref<2x1280x128xf32, #tpu.memory_space<vmem>>, vector<2x1280x128xf32>
    %add3A_20 = arith.addf %get3A_15, %get3A_19 : vector<2x1280x128xf32>
    %broadcast_in_dim3A = vector.shape_cast %rsqrt3A : vector<1280x1xf32> to vector<1x1280x1xf32>
    %mul3A = vector.broadcast %broadcast_in_dim3A : vector<1x1280x1xf32> to vector<2x1280x128xf32>
    %mul3A_21 = arith.mulf %add3A_20, %mul3A : vector<2x1280x128xf32>
    %slice3A = vector.extract_strided_slice %mul3A_21 {offsets = [0, 0, 0], sizes = [1, 1280, 128], strides = [1, 1, 1]} : vector<2x1280x128xf32> to vector<1x1280x128xf32>
    %squeeze3A = vector.shape_cast %slice3A : vector<1x1280x128xf32> to vector<1280x128xf32>
    %get3A_22 = arith.constant 0 : index
    %get3A_23 = arith.constant 0 : index
    %get3A_24 = vector.load %arg4[%get3A_22, %get3A_23] : memref<256x512xf32, #tpu.memory_space<vmem>>, vector<128x512xf32>
    %dot_general3A = arith.constant dense<0.000000e+00> : vector<1280x512xf32>
    %dot_general3A_25 = tpu.matmul %squeeze3A, %get3A_24, %dot_general3A {dimension_numbers = #tpu.dot_dimension_numbers<[1], [0], [0], [1], [0, 0, 1, 1], [], []>, transpose_lhs_hint = false} : vector<1280x128xf32>, vector<128x512xf32>, vector<1280x512xf32> -> vector<1280x512xf32>
    %slice3A_26 = vector.extract_strided_slice %mul3A_21 {offsets = [1, 0, 0], sizes = [1, 1280, 128], strides = [1, 1, 1]} : vector<2x1280x128xf32> to vector<1x1280x128xf32>
    %squeeze3A_27 = vector.shape_cast %slice3A_26 : vector<1x1280x128xf32> to vector<1280x128xf32>
    %get3A_28 = arith.constant 128 : index
    %get3A_29 = arith.constant 0 : index
    %get3A_30 = vector.load %arg4[%get3A_28, %get3A_29] : memref<256x512xf32, #tpu.memory_space<vmem>>, vector<128x512xf32>
    %dot_general3A_31 = arith.constant dense<0.000000e+00> : vector<1280x512xf32>
    %dot_general3A_32 = tpu.matmul %squeeze3A_27, %get3A_30, %dot_general3A_31 {dimension_numbers = #tpu.dot_dimension_numbers<[1], [0], [0], [1], [0, 0, 1, 1], [], []>, transpose_lhs_hint = false} : vector<1280x128xf32>, vector<128x512xf32>, vector<1280x512xf32> -> vector<1280x512xf32>
    %add3A_33 = arith.addf %dot_general3A_25, %dot_general3A_32 : vector<1280x512xf32>
    %get3A_34 = arith.constant 0 : index
    %get3A_35 = arith.constant 0 : index
    %get3A_36 = vector.load %arg5[%get3A_34, %get3A_35] : memref<1x512xf32, #tpu.memory_space<vmem>>, vector<1x512xf32>
    %add3A_37 = vector.broadcast %get3A_36 : vector<1x512xf32> to vector<1280x512xf32>
    %add3A_38 = arith.addf %add3A_33, %add3A_37 : vector<1280x512xf32>
    %reduce_sum3A = arith.constant dense<0.000000e+00> : vector<1280xf32>
    %reduce_sum3A_39 = vector.multi_reduction <add>, %add3A_38, %reduce_sum3A [1] : vector<1280x512xf32> to vector<1280xf32>
    %broadcast_in_dim3A_40 = vector.shape_cast %reduce_sum3A_39 : vector<1280xf32> to vector<1280x1xf32>
    %div3A = arith.constant 5.120000e+02 : f32
    %div3A_41 = vector.broadcast %div3A : f32 to vector<1280x1xf32>
    %div3A_42 = arith.divf %broadcast_in_dim3A_40, %div3A_41 : vector<1280x1xf32>
    %sub3A = vector.broadcast %div3A_42 : vector<1280x1xf32> to vector<1280x512xf32>
    %sub3A_43 = arith.subf %add3A_38, %sub3A : vector<1280x512xf32>
    %integer_pow3A = arith.mulf %sub3A_43, %sub3A_43 : vector<1280x512xf32>
    %reduce_sum3A_44 = arith.constant dense<0.000000e+00> : vector<1280xf32>
    %reduce_sum3A_45 = vector.multi_reduction <add>, %integer_pow3A, %reduce_sum3A_44 [1] : vector<1280x512xf32> to vector<1280xf32>
    %broadcast_in_dim3A_46 = vector.shape_cast %reduce_sum3A_45 : vector<1280xf32> to vector<1280x1xf32>
    %div3A_47 = arith.constant 5.120000e+02 : f32
    %div3A_48 = vector.broadcast %div3A_47 : f32 to vector<1280x1xf32>
    %div3A_49 = arith.divf %broadcast_in_dim3A_46, %div3A_48 : vector<1280x1xf32>
    %sub3A_50 = vector.broadcast %div3A_42 : vector<1280x1xf32> to vector<1280x512xf32>
    %sub3A_51 = arith.subf %add3A_38, %sub3A_50 : vector<1280x512xf32>
    %add3A_52 = arith.constant 9.99999974E-6 : f32
    %add3A_53 = vector.broadcast %add3A_52 : f32 to vector<1280x1xf32>
    %add3A_54 = arith.addf %div3A_49, %add3A_53 : vector<1280x1xf32>
    %rsqrt3A_55 = math.rsqrt %add3A_54 : vector<1280x1xf32>
    %mul3A_56 = vector.broadcast %rsqrt3A_55 : vector<1280x1xf32> to vector<1280x512xf32>
    %mul3A_57 = arith.mulf %sub3A_51, %mul3A_56 : vector<1280x512xf32>
    %get3A_58 = arith.constant 0 : index
    %get3A_59 = arith.constant 0 : index
    %get3A_60 = vector.load %arg6[%get3A_58, %get3A_59] : memref<1x512xf32, #tpu.memory_space<vmem>>, vector<1x512xf32>
    %mul3A_61 = vector.broadcast %get3A_60 : vector<1x512xf32> to vector<1280x512xf32>
    %mul3A_62 = arith.mulf %mul3A_57, %mul3A_61 : vector<1280x512xf32>
    %get3A_63 = arith.constant 0 : index
    %get3A_64 = arith.constant 0 : index
    %get3A_65 = vector.load %arg7[%get3A_63, %get3A_64] : memref<1x512xf32, #tpu.memory_space<vmem>>, vector<1x512xf32>
    %add3A_66 = vector.broadcast %get3A_65 : vector<1x512xf32> to vector<1280x512xf32>
    %add3A_67 = arith.addf %mul3A_62, %add3A_66 : vector<1280x512xf32>
    %max3A = arith.constant 0.000000e+00 : f32
    %max3A_68 = vector.broadcast %max3A : f32 to vector<1280x512xf32>
    %max3A_69 = arith.maximumf %add3A_67, %max3A_68 : vector<1280x512xf32>
    %get3A_70 = arith.constant 0 : index
    %get3A_71 = arith.constant 0 : index
    %get3A_72 = vector.load %arg8[%get3A_70, %get3A_71] : memref<512x256xf32, #tpu.memory_space<vmem>>, vector<512x256xf32>
    %dot_general3A_73 = arith.constant dense<0.000000e+00> : vector<1280x256xf32>
    %dot_general3A_74 = tpu.matmul %max3A_69, %get3A_72, %dot_general3A_73 {dimension_numbers = #tpu.dot_dimension_numbers<[1], [0], [0], [1], [0, 0, 1, 1], [], []>, transpose_lhs_hint = false} : vector<1280x512xf32>, vector<512x256xf32>, vector<1280x256xf32> -> vector<1280x256xf32>
    %iota3A = tpu.iota {dimensions = array<i32: 0>} : vector<1280x1xi32>
    %mul3A_75 = arith.constant 1280 : i32
    %mul3A_76 = arith.muli %arg0, %mul3A_75 : i32
    %add3A_77 = vector.broadcast %mul3A_76 : i32 to vector<1280x1xi32>
    %add3A_78 = arith.addi %iota3A, %add3A_77 : vector<1280x1xi32>
    %mul3A_79 = vector.broadcast %rsqrt3A : vector<1280x1xf32> to vector<1280x256xf32>
    %mul3A_80 = arith.mulf %dot_general3A_74, %mul3A_79 : vector<1280x256xf32>
    %lt3A = arith.constant 10000 : i32
    %lt3A_81 = vector.broadcast %lt3A : i32 to vector<1280x1xi32>
    %lt3A_82 = arith.cmpi slt, %add3A_78, %lt3A_81 : vector<1280x1xi32>
    %convert_element_type3A = arith.extui %lt3A_82 : vector<1280x1xi1> to vector<1280x1xi32>
    %convert_element_type3A_83 = arith.sitofp %convert_element_type3A : vector<1280x1xi32> to vector<1280x1xf32>
    %mul3A_84 = vector.broadcast %convert_element_type3A_83 : vector<1280x1xf32> to vector<1280x256xf32>
    %mul3A_85 = arith.mulf %mul3A_80, %mul3A_84 : vector<1280x256xf32>
    %slice3A_86 = vector.extract_strided_slice %mul3A_85 {offsets = [0, 0], sizes = [1280, 128], strides = [1, 1]} : vector<1280x256xf32> to vector<1280x128xf32>
    %swap3A = arith.constant 0 : index
    %swap3A_87 = arith.constant 0 : index
    %swap3A_88 = arith.constant 0 : index
    %swap3A_89 = vector.load %arg9[%swap3A, %swap3A_87, %swap3A_88] : memref<2x1280x128xf32, #tpu.memory_space<vmem>>, vector<1x1280x128xf32>
    %swap3A_90 = vector.shape_cast %swap3A_89 : vector<1x1280x128xf32> to vector<1280x128xf32>
    %swap3A_91 = vector.shape_cast %slice3A_86 : vector<1280x128xf32> to vector<1x1280x128xf32>
    tpu.vector_store %arg9[%swap3A, %swap3A_87, %swap3A_88], %swap3A_91 {strides = array<i32>} : memref<2x1280x128xf32, #tpu.memory_space<vmem>>, vector<1x1280x128xf32>,
    %slice3A_92 = vector.extract_strided_slice %mul3A_85 {offsets = [0, 128], sizes = [1280, 128], strides = [1, 1]} : vector<1280x256xf32> to vector<1280x128xf32>
    %swap3A_93 = arith.constant 1 : index
    %swap3A_94 = arith.constant 0 : index
    %swap3A_95 = arith.constant 0 : index
    %swap3A_96 = vector.load %arg9[%swap3A_93, %swap3A_94, %swap3A_95] : memref<2x1280x128xf32, #tpu.memory_space<vmem>>, vector<1x1280x128xf32>
    %swap3A_97 = vector.shape_cast %swap3A_96 : vector<1x1280x128xf32> to vector<1280x128xf32>
    %swap3A_98 = vector.shape_cast %slice3A_92 : vector<1280x128xf32> to vector<1x1280x128xf32>
    tpu.vector_store %arg9[%swap3A_93, %swap3A_94, %swap3A_95], %swap3A_98 {strides = array<i32>} : memref<2x1280x128xf32, #tpu.memory_space<vmem>>, vector<1x1280x128xf32>,
    return
  }
  func.func @transform_0(%arg0: i32) -> (i32, i32, i32) {
    %c0_i32 = arith.constant 0 : i32
    %c0_i32_0 = arith.constant 0 : i32
    %c0_i32_1 = arith.constant 0 : i32
    return %c0_i32, %arg0, %c0_i32_0 : i32, i32, i32
  }
  func.func @transform_1(%arg0: i32) -> (i32, i32, i32) {
    %c0_i32 = arith.constant 0 : i32
    %c0_i32_0 = arith.constant 0 : i32
    %c0_i32_1 = arith.constant 0 : i32
    return %c0_i32, %arg0, %c0_i32_0 : i32, i32, i32
  }
  func.func @transform_2(%arg0: i32) -> (i32, i32, i32) {
    %c0_i32 = arith.constant 0 : i32
    %c0_i32_0 = arith.constant 0 : i32
    %c0_i32_1 = arith.constant 0 : i32
    return %c0_i32, %arg0, %c0_i32_0 : i32, i32, i32
  }
  func.func @transform_3(%arg0: i32) -> (i32, i32) {
    %c0_i32 = arith.constant 0 : i32
    %c0_i32_0 = arith.constant 0 : i32
    %c0_i32_1 = arith.constant 0 : i32
    return %c0_i32, %c0_i32_0 : i32, i32
  }
  func.func @transform_4(%arg0: i32) -> (i32, i32) {
    %c0_i32 = arith.constant 0 : i32
    %c0_i32_0 = arith.constant 0 : i32
    %c0_i32_1 = arith.constant 0 : i32
    return %c0_i32, %c0_i32_0 : i32, i32
  }
  func.func @transform_5(%arg0: i32) -> (i32, i32) {
    %c0_i32 = arith.constant 0 : i32
    %c0_i32_0 = arith.constant 0 : i32
    %c0_i32_1 = arith.constant 0 : i32
    return %c0_i32, %c0_i32_0 : i32, i32
  }
  func.func @transform_6(%arg0: i32) -> (i32, i32) {
    %c0_i32 = arith.constant 0 : i32
    %c0_i32_0 = arith.constant 0 : i32
    %c0_i32_1 = arith.constant 0 : i32
    return %c0_i32, %c0_i32_0 : i32, i32
  }
  func.func @transform_7(%arg0: i32) -> (i32, i32) {
    %c0_i32 = arith.constant 0 : i32
    %c0_i32_0 = arith.constant 0 : i32
    %c0_i32_1 = arith.constant 0 : i32
    return %c0_i32, %c0_i32_0 : i32, i32
  }
  func.func @transform_8(%arg0: i32) -> (i32, i32, i32) {
    %c0_i32 = arith.constant 0 : i32
    %c0_i32_0 = arith.constant 0 : i32
    %c0_i32_1 = arith.constant 0 : i32
    return %c0_i32, %arg0, %c0_i32_0 : i32, i32, i32
  }
}

module attributes {stable_mosaic.version = 14 : i64} {
  func.func @_tc_c_body(%arg0: i32, %arg1: memref<2x1280x128xf32, #tpu.memory_space<vmem>>, %arg2: memref<2x1280x128xf32, #tpu.memory_space<vmem>>, %arg3: memref<2x1280x128xf32, #tpu.memory_space<vmem>>, %arg4: memref<2x128xf32, #tpu.memory_space<vmem>>, %arg5: memref<2x128xf32, #tpu.memory_space<vmem>>, %arg6: memref<2x128xf32, #tpu.memory_space<vmem>>, %arg7: memref<1280x256xf32, #tpu.memory_space<vmem>>) attributes {dimension_semantics = [#tpu.dimension_semantics<arbitrary>], iteration_bounds = array<i64: 8>, scalar_prefetch = 0 : i64, scratch_operands = 0 : i64, tpu.core_type = #tpu.core_type<tc>, window_params = [{transform_indices = @transform_0, window_bounds = array<i64: 2, 1280, 128>}, {transform_indices = @transform_1, window_bounds = array<i64: 2, 1280, 128>}, {transform_indices = @transform_2, window_bounds = array<i64: 2, 1280, 128>}, {pipeline_mode = #tpu.pipeline_mode<synchronous>, transform_indices = @transform_3, window_bounds = array<i64: 2, 128>}, {pipeline_mode = #tpu.pipeline_mode<synchronous>, transform_indices = @transform_4, window_bounds = array<i64: 2, 128>}, {pipeline_mode = #tpu.pipeline_mode<synchronous>, transform_indices = @transform_5, window_bounds = array<i64: 2, 128>}, {transform_indices = @transform_6, window_bounds = array<i64: 1280, 256>}]} {
    %get3A = arith.constant 0 : index
    %get3A_0 = arith.constant 0 : index
    %get3A_1 = arith.constant 0 : index
    %get3A_2 = vector.load %arg3[%get3A, %get3A_0, %get3A_1] : memref<2x1280x128xf32, #tpu.memory_space<vmem>>, vector<1x1280x1xf32>
    %get3A_3 = vector.shape_cast %get3A_2 : vector<1x1280x1xf32> to vector<1280x1xf32>
    %get3A_4 = arith.constant 1 : index
    %get3A_5 = arith.constant 0 : index
    %get3A_6 = arith.constant 0 : index
    %get3A_7 = vector.load %arg3[%get3A_4, %get3A_5, %get3A_6] : memref<2x1280x128xf32, #tpu.memory_space<vmem>>, vector<1x1280x1xf32>
    %get3A_8 = vector.shape_cast %get3A_7 : vector<1x1280x1xf32> to vector<1280x1xf32>
    %add3A = arith.addf %get3A_3, %get3A_8 : vector<1280x1xf32>
    %add3A_9 = arith.constant 1.000000e+00 : f32
    %add3A_10 = vector.broadcast %add3A_9 : f32 to vector<1280x1xf32>
    %add3A_11 = arith.addf %add3A, %add3A_10 : vector<1280x1xf32>
    %rsqrt3A = math.rsqrt %add3A_11 : vector<1280x1xf32>
    %get3A_12 = arith.constant 0 : index
    %get3A_13 = arith.constant 0 : index
    %get3A_14 = arith.constant 0 : index
    %get3A_15 = vector.load %arg1[%get3A_12, %get3A_13, %get3A_14] : memref<2x1280x128xf32, #tpu.memory_space<vmem>>, vector<2x1280x128xf32>
    %get3A_16 = arith.constant 0 : index
    %get3A_17 = arith.constant 0 : index
    %get3A_18 = arith.constant 0 : index
    %get3A_19 = vector.load %arg2[%get3A_16, %get3A_17, %get3A_18] : memref<2x1280x128xf32, #tpu.memory_space<vmem>>, vector<2x1280x128xf32>
    %add3A_20 = arith.addf %get3A_15, %get3A_19 : vector<2x1280x128xf32>
    %broadcast_in_dim3A = vector.shape_cast %rsqrt3A : vector<1280x1xf32> to vector<1x1280x1xf32>
    %mul3A = vector.broadcast %broadcast_in_dim3A : vector<1x1280x1xf32> to vector<2x1280x128xf32>
    %mul3A_21 = arith.mulf %add3A_20, %mul3A : vector<2x1280x128xf32>
    %get3A_22 = arith.constant 0 : index
    %get3A_23 = arith.constant 0 : index
    %get3A_24 = vector.load %arg4[%get3A_22, %get3A_23] : memref<2x128xf32, #tpu.memory_space<vmem>>, vector<2x128xf32>
    %broadcast_in_dim3A_25 = vector.shape_cast %get3A_24 : vector<2x128xf32> to vector<2x1x128xf32>
    %add3A_26 = vector.broadcast %broadcast_in_dim3A_25 : vector<2x1x128xf32> to vector<2x1280x128xf32>
    %add3A_27 = arith.addf %mul3A_21, %add3A_26 : vector<2x1280x128xf32>
    %reduce_sum3A = arith.constant dense<0.000000e+00> : vector<1280xf32>
    %reduce_sum3A_28 = vector.multi_reduction <add>, %add3A_27, %reduce_sum3A [0, 2] : vector<2x1280x128xf32> to vector<1280xf32>
    %div3A = arith.constant 2.560000e+02 : f32
    %div3A_29 = vector.broadcast %div3A : f32 to vector<1280xf32>
    %div3A_30 = arith.divf %reduce_sum3A_28, %div3A_29 : vector<1280xf32>
    %broadcast_in_dim3A_31 = vector.shape_cast %div3A_30 : vector<1280xf32> to vector<1x1280x1xf32>
    %sub3A = vector.broadcast %broadcast_in_dim3A_31 : vector<1x1280x1xf32> to vector<2x1280x128xf32>
    %sub3A_32 = arith.subf %add3A_27, %sub3A : vector<2x1280x128xf32>
    %integer_pow3A = arith.mulf %sub3A_32, %sub3A_32 : vector<2x1280x128xf32>
    %reduce_sum3A_33 = arith.constant dense<0.000000e+00> : vector<1280xf32>
    %reduce_sum3A_34 = vector.multi_reduction <add>, %integer_pow3A, %reduce_sum3A_33 [0, 2] : vector<2x1280x128xf32> to vector<1280xf32>
    %div3A_35 = arith.constant 2.560000e+02 : f32
    %div3A_36 = vector.broadcast %div3A_35 : f32 to vector<1280xf32>
    %div3A_37 = arith.divf %reduce_sum3A_34, %div3A_36 : vector<1280xf32>
    %broadcast_in_dim3A_38 = vector.shape_cast %div3A_37 : vector<1280xf32> to vector<1x1280x1xf32>
    %sub3A_39 = vector.broadcast %broadcast_in_dim3A_31 : vector<1x1280x1xf32> to vector<2x1280x128xf32>
    %sub3A_40 = arith.subf %add3A_27, %sub3A_39 : vector<2x1280x128xf32>
    %add3A_41 = arith.constant 9.99999974E-6 : f32
    %add3A_42 = vector.broadcast %add3A_41 : f32 to vector<1x1280x1xf32>
    %add3A_43 = arith.addf %broadcast_in_dim3A_38, %add3A_42 : vector<1x1280x1xf32>
    %rsqrt3A_44 = math.rsqrt %add3A_43 : vector<1x1280x1xf32>
    %mul3A_45 = vector.broadcast %rsqrt3A_44 : vector<1x1280x1xf32> to vector<2x1280x128xf32>
    %mul3A_46 = arith.mulf %sub3A_40, %mul3A_45 : vector<2x1280x128xf32>
    %get3A_47 = arith.constant 0 : index
    %get3A_48 = arith.constant 0 : index
    %get3A_49 = vector.load %arg5[%get3A_47, %get3A_48] : memref<2x128xf32, #tpu.memory_space<vmem>>, vector<2x128xf32>
    %broadcast_in_dim3A_50 = vector.shape_cast %get3A_49 : vector<2x128xf32> to vector<2x1x128xf32>
    %mul3A_51 = vector.broadcast %broadcast_in_dim3A_50 : vector<2x1x128xf32> to vector<2x1280x128xf32>
    %mul3A_52 = arith.mulf %mul3A_46, %mul3A_51 : vector<2x1280x128xf32>
    %get3A_53 = arith.constant 0 : index
    %get3A_54 = arith.constant 0 : index
    %get3A_55 = vector.load %arg6[%get3A_53, %get3A_54] : memref<2x128xf32, #tpu.memory_space<vmem>>, vector<2x128xf32>
    %broadcast_in_dim3A_56 = vector.shape_cast %get3A_55 : vector<2x128xf32> to vector<2x1x128xf32>
    %add3A_57 = vector.broadcast %broadcast_in_dim3A_56 : vector<2x1x128xf32> to vector<2x1280x128xf32>
    %add3A_58 = arith.addf %mul3A_52, %add3A_57 : vector<2x1280x128xf32>
    %max3A = arith.constant 0.000000e+00 : f32
    %max3A_59 = vector.broadcast %max3A : f32 to vector<2x1280x128xf32>
    %max3A_60 = arith.maximumf %add3A_58, %max3A_59 : vector<2x1280x128xf32>
    %slice3A = vector.extract_strided_slice %max3A_60 {offsets = [0, 0, 0], sizes = [1, 1280, 128], strides = [1, 1, 1]} : vector<2x1280x128xf32> to vector<1x1280x128xf32>
    %squeeze3A = vector.shape_cast %slice3A : vector<1x1280x128xf32> to vector<1280x128xf32>
    %slice3A_61 = vector.extract_strided_slice %max3A_60 {offsets = [1, 0, 0], sizes = [1, 1280, 128], strides = [1, 1, 1]} : vector<2x1280x128xf32> to vector<1x1280x128xf32>
    %squeeze3A_62 = vector.shape_cast %slice3A_61 : vector<1x1280x128xf32> to vector<1280x128xf32>
    %concatenate3A = tpu.concatenate %squeeze3A, %squeeze3A_62 in 1 : vector<1280x128xf32>, vector<1280x128xf32> -> vector<1280x256xf32>
    %swap3A = arith.constant 0 : index
    %swap3A_63 = arith.constant 0 : index
    %swap3A_64 = vector.load %arg7[%swap3A, %swap3A_63] : memref<1280x256xf32, #tpu.memory_space<vmem>>, vector<1280x256xf32>
    tpu.vector_store %arg7[%swap3A, %swap3A_63], %concatenate3A {strides = array<i32>} : memref<1280x256xf32, #tpu.memory_space<vmem>>, vector<1280x256xf32>,
    return
  }
  func.func @transform_0(%arg0: i32) -> (i32, i32, i32) {
    %c0_i32 = arith.constant 0 : i32
    %c0_i32_0 = arith.constant 0 : i32
    %c0_i32_1 = arith.constant 0 : i32
    return %c0_i32, %arg0, %c0_i32_0 : i32, i32, i32
  }
  func.func @transform_1(%arg0: i32) -> (i32, i32, i32) {
    %c0_i32 = arith.constant 0 : i32
    %c0_i32_0 = arith.constant 0 : i32
    %c0_i32_1 = arith.constant 0 : i32
    return %c0_i32, %arg0, %c0_i32_0 : i32, i32, i32
  }
  func.func @transform_2(%arg0: i32) -> (i32, i32, i32) {
    %c0_i32 = arith.constant 0 : i32
    %c0_i32_0 = arith.constant 0 : i32
    %c0_i32_1 = arith.constant 0 : i32
    return %c0_i32, %arg0, %c0_i32_0 : i32, i32, i32
  }
  func.func @transform_3(%arg0: i32) -> (i32, i32) {
    %c0_i32 = arith.constant 0 : i32
    %c0_i32_0 = arith.constant 0 : i32
    %c0_i32_1 = arith.constant 0 : i32
    return %c0_i32, %c0_i32_0 : i32, i32
  }
  func.func @transform_4(%arg0: i32) -> (i32, i32) {
    %c0_i32 = arith.constant 0 : i32
    %c0_i32_0 = arith.constant 0 : i32
    %c0_i32_1 = arith.constant 0 : i32
    return %c0_i32, %c0_i32_0 : i32, i32
  }
  func.func @transform_5(%arg0: i32) -> (i32, i32) {
    %c0_i32 = arith.constant 0 : i32
    %c0_i32_0 = arith.constant 0 : i32
    %c0_i32_1 = arith.constant 0 : i32
    return %c0_i32, %c0_i32_0 : i32, i32
  }
  func.func @transform_6(%arg0: i32) -> (i32, i32) {
    %c0_i32 = arith.constant 0 : i32
    %c0_i32_0 = arith.constant 0 : i32
    return %arg0, %c0_i32 : i32, i32
  }
}

</mosaic_0001>

<sc_bundles>
// kernel: kernel.11.cloned.1.call-start
scs
__scs_entry_jumppad:
0x0: {  	(pc) =	sbr.rel $0x88, $3  }
0x1: {  	(tag) =	ssettag $0x0;
	lr =	simm.s32 $0x1  }
0x2: {  	[smem:$0x3F97] =	sst lr;
	_ =	strace $0xD0000000  }
0x3: {  	_ = 	snop  }
0x4: {  	_ = 	snop  }
0x5: {  	_ = 	snop  }
0x6: {  	_ = 	snop  }
0x7: {  	_ = 	snop  }
__scs_overlays_trampoline_lowered:
0x8: {  	[smem:$0x3FA6] =	sst s0  }
0x9: {  	[smem:$0x3FA7] =	sst s1  }
0xa: {  	[smem:$0x3FA8] =	sst s2  }
0xb: {  	[smem:$0x3FA9] =	sst s3  }
0xc: {  	[smem:$0x3FAA] =	sst s4  }
0xd: {  	[smem:$0x3FAB] =	sst s5  }
0xe: {  	[smem:$0x3FAC] =	sst s6  }
0xf: {  	[smem:$0x3FAD] =	sst s7  }
0x10: {  	[smem:$0x3FAE] =	sst s8  }
0x11: {  	[smem:$0x3FAF] =	sst s9;
	s0 =	simm.s32 @!p0 $0x0  }
0x12: {  	s1 =	sld [smem:$0x3F95];
	s0 =	simm.s32 @p0 $0x1  }
0x13: {  	[smem:$0x3FB0] =	sst s0;
	s0 =	simm.s32 @!p1 $0x0  }
0x14: {  	s2 =	sld [smem:$0x3F94];
	s0 =	simm.s32 @p1 $0x1  }
0x15: {  	[smem:$0x3FB1] =	sst s0;
	s0 =	simm.s32 @!p2 $0x0  }
0x16: {  	s3 =	sld [smem:$0x3FDB];
	s0 =	simm.s32 @p2 $0x1  }
0x17: {  	s4 =	simm.s32 $0x1BF5;
	[smem:$0x3FB3] =	sst s0  }
0x18: {  	s0 =	sld [smem:$0x3F96];
	_ =	swait.ge [sflag:s4], $0x0  }
0x19: {  	s7 =	sld [smem:$0x3F97]  }
0x1a: {  	s8 =	sadd.s32 $0xFFFFE003, lr  }
0x1b: {  	s9 =	sadd.s32 $0xFFFFFEF7, lr;
	s5 =	simm.s32 $0xFFFFFFFF;
	p2 =	slt.u32 s8, $0xFFFFF086  }
0x1c: {  	p1 =	slt.u32 s9, $0xF7A;
	s5 =	simm.s32 @!p2 $0x0  }
0x1d: {  	s5 =	simm.s32 @p1 $0x1;
	p0 =	seq.s32 s7, s2  }
0x1e: {  	s7 =	smul.u32 @!p0 $0xF7A, s2;
	p2 =	seq.s32 @!p0 s5, $0x0  }
0x1f: {  	s9 =	smul.u32 $0xF7A, s1;
	s8 =	simm.s32 @!p0 $0x1BF5;
	p2 =	por !p2, p0  }
0x20: {  	[sflag:s8] =	ssyncset.s32 @!p0 $0xFFFFF086;
	s6 =	sadd.s32 @!p0 s3, s7;
	s7 =	simm.s32 @!p0 $0x108  }
0x21: {  	s3 =	sadd.s32 s3, s9;
	s6 =	sadd.s32 @!p0 $0x88, s6;
	s7 =	simm.s32 @p2 $0x1082  }
0x22: {  	[simem:s7], [sflag:s8] =	dma.local @!p0 [hbm:s6], $0xF7A  }
0x23: {  	s9 =	sor.u32 $0xD0000000, s2;
	s6 =	simm.s32 $0x108;
	_ =	swait.ge @!p0 [sflag:s8], $0x0  }
0x24: {  	s3 =	sadd.s32 $0x88, s3;
	s6 =	simm.s32 @!p1 $0x1082;
	[sflag:s4] =	ssyncset.s32 $0xFFFFF086  }
0x25: {  	[simem:s6], [sflag:s4] =	dma.local [hbm:s3], $0xF7A  }
0x26: {  	[smem:$0x3F97] =	sst s1;
	(tag) =	ssettag s2;
	_ =	strace s9  }
0x27: {  	s1 =	sld [smem:$0x3FA7]  }
0x28: {  	s2 =	sld [smem:$0x3FA8]  }
0x29: {  	s4 =	sld [smem:$0x3FAA]  }
0x2a: {  	p0 =	seq.s32 s5, $0x0;
	s5 =	sld [smem:$0x3FAB]  }
0x2b: {  	s6 =	sld [smem:$0x3FAC]  }
0x2c: {  	s7 =	sld [smem:$0x3FAD]  }
0x2d: {  	s3 =	simm.s32 $0x108;
	s8 =	sld [smem:$0x3FAE]  }
0x2e: {  	s3 =	simm.s32 @!p0 $0x1082;
	s9 =	sld [smem:$0x3FAF]  }
0x2f: {  	lr =	sadd.s32 s0, s3;
	s0 =	sld [smem:$0x3FA6]  }
0x30: {  	s3 =	sld [smem:$0x3FA9]  }
0x31: {  	[smem:$0x3FB2] =	sst s10  }
0x32: {  	s10 =	sld [smem:$0x3FB0];
	_ =	sdelay $0x3  }
0x33: {  	p0 =	seq.s32 s10, $0x1;
	s10 =	sld [smem:$0x3FB2];
	_ =	sdelay $0x3  }
0x34: {  	[smem:$0x3FB2] =	sst s10  }
0x35: {  	s10 =	sld [smem:$0x3FB1];
	_ =	sdelay $0x3  }
0x36: {  	p1 =	seq.s32 s10, $0x1;
	s10 =	sld [smem:$0x3FB2];
	_ =	sdelay $0x3  }
0x37: {  	[smem:$0x3FB2] =	sst s10  }
0x38: {  	s10 =	sld [smem:$0x3FB3]  }
0x39: {  	_ = 	snop;
	(pc) =	sbr.ind lr, $3  }
0x3a: {  	_ = 	snop  }
0x3b: {  	_ = 	snop  }
0x3c: {  	p2 =	seq.s32 s10, $0x1;
	s10 =	sld [smem:$0x3FB2]  }
0x3d: {  	_ =	shalt  }
0x3e: {  	_ =	shalt  }
0x3f: {  	_ =	shalt  }
0x40: {  	_ =	shalt  }
0x41: {  	_ =	shalt  }
0x42: {  	_ =	shalt  }
0x43: {  	_ =	shalt  }
0x44: {  	_ =	shalt  }
0x45: {  	_ =	shalt  }
0x46: {  	_ =	shalt  }
0x47: {  	_ =	shalt  }
0x48: {  	_ =	shalt  }
0x49: {  	_ =	shalt  }
0x4a: {  	_ =	shalt  }
0x4b: {  	_ =	shalt  }
0x4c: {  	_ =	shalt  }
0x4d: {  	_ =	shalt  }
0x4e: {  	_ =	shalt  }
0x4f: {  	_ =	shalt  }
0x50: {  	_ =	shalt  }
0x51: {  	_ =	shalt  }
0x52: {  	_ =	shalt  }
0x53: {  	_ =	shalt  }
0x54: {  	_ =	shalt  }
0x55: {  	_ =	shalt  }
0x56: {  	_ =	shalt  }
0x57: {  	_ =	shalt  }
0x58: {  	_ =	shalt  }
0x59: {  	_ =	shalt  }
0x5a: {  	_ =	shalt  }
0x5b: {  	_ =	shalt  }
0x5c: {  	_ =	shalt  }
0x5d: {  	_ =	shalt  }
0x5e: {  	_ =	shalt  }
0x5f: {  	_ =	shalt  }
0x60: {  	_ =	shalt  }
0x61: {  	_ =	shalt  }
0x62: {  	_ =	shalt  }
0x63: {  	_ =	shalt  }
0x64: {  	_ =	shalt  }
0x65: {  	_ =	shalt  }
0x66: {  	_ =	shalt  }
0x67: {  	_ =	shalt  }
0x68: {  	_ =	shalt  }
0x69: {  	_ =	shalt  }
0x6a: {  	_ =	shalt  }
0x6b: {  	_ =	shalt  }
0x6c: {  	_ =	shalt  }
0x6d: {  	_ =	shalt  }
0x6e: {  	_ =	shalt  }
0x6f: {  	_ =	shalt  }
0x70: {  	_ =	shalt  }
0x71: {  	_ =	shalt  }
0x72: {  	_ =	shalt  }
0x73: {  	_ =	shalt  }
0x74: {  	_ =	shalt  }
0x75: {  	_ =	shalt  }
0x76: {  	_ =	shalt  }
0x77: {  	_ =	shalt  }
0x78: {  	_ =	shalt  }
0x79: {  	_ =	shalt  }
0x7a: {  	_ =	shalt  }
0x7b: {  	_ =	shalt  }
0x7c: {  	_ =	shalt  }
0x7d: {  	_ =	shalt  }
0x7e: {  	_ =	shalt  }
0x7f: {  	_ =	shalt  }
0x80: {  	_ =	shalt  }
0x81: {  	_ =	shalt  }
0x82: {  	_ =	shalt  }
0x83: {  	_ =	shalt  }
0x84: {  	_ =	shalt  }
0x85: {  	_ =	shalt  }
0x86: {  	_ =	shalt  }
0x87: {  	_ =	shalt  }
.Lfunc_end0:
.L_simem_size_0:
called_computation.1_lowered:
.L_overlay_start_0:
0x88: {  	s2 =	sld [smem:$0x3FD9]  }
0x89: {  	s3 =	sld [smem:$0x3FFE];
	_ =	sdelay $0x1  }
0x8a: {  	s1 =	srdreg.scid  }
0x8b: {  	s0 =	sand.u32 $0x1, s1  }
0x8c: {  	s17 =	sshll.u32 s0, $0xA;
	s2 =	sadd.s32 s3, s2  }
0x8d: {  	s2 =	sadd.s32 s2, s17  }
0x8e: {  	[smem:$0x3FBE] =	sst s2  }
0x8f: {  	_ = 	snop  }
0x90: {  	s2 =	sld [smem:$0x3FD0];
	(tm) =	ssettm $0x1  }
0x91: {  	s18 =	sld [smem:$0x3FFB];
	_ =	sdelay $0x3  }
0x92: {  	_ =	strace s18  }
0x93: {  	s3 =	sld [smem:$0x3FFC];
	_ =	sdelay $0x3  }
0x94: {  	_ =	strace s3  }
0x95: {  	s3 =	sld [smem:$0x3FFD];
	_ =	sdelay $0x3  }
0x96: {  	_ =	strace s3  }
0x97: {  	_ =	strace $0x8FFFFFFF  }
0x98: {  	s19 =	sld [smem:$0x3FDB];
	_ =	sdelay $0x1  }
0x99: {  	s4 =	simm.s32 $_scs_section_size  }
0x9a: {  	s5 =	simm.s32 $_size__tile_overlayer_lowered;
	s6 =	simm.s32 $_tile_overlayer_lowered  }
0x9b: {  	s22 =	simm.s32 $0x1BFF;
	s21 =	sshll.u32 s6, $0x1;
	s3 =	sadd.s32 s4, s19  }
0x9c: {  	s7 =	simm.s32 $0x0;
	s20 =	sshll.u32 s5, $0x1;
	s5 =	sadd.s32 s21, s3  }
0x9d: {  	[timem:s7], [sflag:s22] =	dma.local [hbm:s5], s20  }
0x9e: {  	_ =	swait.ge [sflag:s22], s20  }
0x9f: {  	s4 =	ssub.s32 $0x0, s20;
	[sflag:s22] =	ssyncset.done $0x0  }
0xa0: {  	[sflag:s22] =	ssyncadd.s32 s4;
	_ =	sdelay $0x1  }
0xa1: {  	s23 =	simm.s32 $0x1B8B  }
0xa2: {  	_ =	swait.ge [sflag:s23], $0x1  }
0xa3: {  	[sflag:s23] =	ssyncset.done $0x0  }
0xa4: {  	s25 =	simm.s32 $0x1B8E;
	s24 =	sld [smem:$0x3FFE];
	[sflag:s23] =	ssyncadd.s32 $0xFFFFFFFF  }
0xa5: {  	s26 =	simm.s32 $execute0_lowered;
	[smem:$0x3FD2] =	sst s25  }
0xa6: {  	s5 =	sshll.u32 s26, $0x1;
	_ =	strace $0x80000049;
	[dreg:$0x1] =	wrdreg $0xFFFFFFFF  }
0xa7: {  	s28 =	simm.s32 $_size_execute0_lowered;
	s3 =	sadd.s32 s3, s5;
	[dreg:$0x0] =	wrdreg $0x0  }
0xa8: {  	s5 =	sshll.u32 s28, $0x1;
	[dreg:$0x2] =	wrdreg s3  }
0xa9: {  	[dreg:$0x3] =	wrdreg s5  }
0xaa: {  	[dreg:$0x4] =	wrdreg $0xC0  }
0xab: {  	_ =	task [dreg:s7], $0x5FFFF  }
0xac: {  	[dreg:$0x1] =	wrdreg $0xFFFFFFFF  }
0xad: {  	[dreg:$0x0] =	wrdreg $0x60  }
0xae: {  	[dreg:$0x2] =	wrdreg s24  }
0xaf: {  	[dreg:$0x3] =	wrdreg s2  }
0xb0: {  	[dreg:$0x4] =	wrdreg $0x0  }
0xb1: {  	[dreg:$0x5] =	wrdreg $0x9  }
0xb2: {  	_ =	task.clear_ibuf [dreg:s7], $0x6FFFF;
	_ =	strace $0x90000049  }
0xb3: {  	s29 =	simm.s32 $0x9;
	_ =	strace $0x8000004B  }
0xb4: {  	_ =	swait.ge [sflag:s29], $0x1  }
0xb5: {  	[sflag:s29] =	ssyncadd.s32 $0xFFFFFFFF  }
0xb6: {  	_ =	strace $0x9000004B  }
0xb7: {  	_ =	sfence  }
0xb8: {  	s30 =	sld [smem:$0x0];
	_ =	sdelay $0x2  }
0xb9: {  	s31 =	sshll.u32 s1, $0xD;
	s1 =	sshrl.u32 s1, $0x2  }
0xba: {  	s3 =	sand.u32 $0x4000, s31;
	s1 =	sadd.s32 s1, s30  }
0xbb: {  	s0 =	sor.u32 s3, s0;
	s1 =	sshll.u32 s1, $0x11  }
0xbc: {  	s0 =	sor.u32 s1, s0  }
0xbd: {  	s0 =	sadd.s32 $0x8F2B, s0  }
0xbe: {  	[sflag:s0] =	ssyncadd.remote.s32 $0x1  }
0xbf: {  	_ =	sfence.sel $0xFFFF  }
0xc0: {  	[dreg:$0x0] =	wrdreg $0xFFFFFFFF;
	(pc) =	sbr.abs _section_cstart, $3  }
0xc1: {  	[dreg:$0x1] =	wrdreg $0xFFFFFFFF  }
0xc2: {  	_ =	task.clear_ibuf [dreg:s7], $0x2FFFF;
	_ =	strace $0x9FFFFFFF  }
0xc3: {  	(tm) =	ssettm $0x7FFFFFFF  }
tec
execute0_lowered:
.L_overlay_start_1:
0x0: {  	(tag) =	ssettag $0x1  }
0x1: {  	s0 =	rddreg [dreg:$0x0]  }
0x2: {  	s1 =	rddreg [dreg:$0x1]  }
0x3: {  	s2 =	rddreg [dreg:$0x2];
	s3 =	simm.s32 $0x0;
	s15 =	stileid.u32  }
0x4: {  	s4 =	srdreg.scid;
	s17 =	simm.s32 $0x1E800;
	s18 =	simm.s32 $0x80  }
0x5: {  	s19 =	simm.s32 $0x14000;
	s20 =	simm.s32 $0x1E880;
	s21 =	simm.s32 $0x18000  }
0x6: {  	s22 =	simm.s32 $0x1;
	s23 =	simm.s32 $0x2;
	s25 =	simm.s32 $0x3  }
0x7: {  	s28 =	simm.s32 $0x4;
	s29 =	simm.s32 $0x6;
	s12 =	smul.u32 $0x500, s15  }
0x8: {  	[smem:$0x7FF] =	sst s3;
	s4 =	sand.u32 $0x1, s4;
	s8 =	smul.u32 $0x50000, s15  }
0x9: {  	s14 =	sadd.s32 $0x20, s1;
	s24 =	smul.u32 $0x2800, s15;
	s31 =	sshll.u32 s15, $0x6  }
0xa: {  	_ =	strace $0x8000004A;
	s5 =	smul.u32 $0x28000, s4;
	s7 =	ssub.s32 $0x2, s4  }
0xb: {  	s4 =	sadd.s32 $0x8200, s0;
	s15 =	sor.u32 $0x1C07, s31;
	s6 =	sadd.s32 s12, s0  }
0xc: {  	s26 =	sshrl.u32 s7, $0x1;
	s30 =	sshrl.u32 s8, $0x2;
	s10 =	sadd.s32 $0x4E0, s12  }
0xd: {  	s0 =	sadd.s32 s5, s0;
	s9 =	ssub.s32 s7, s26;
	s5 =	sadd.s32 $0x2A00, s6  }
0xe: {  	s13 =	sadd.s32 s30, s2;
	s6 =	sadd.s32 s1, s12;
	s1 =	sadd.s32 s10, s1  }
0xf: {  	s10 =	sadd.s32 s10, s14;
	s12 =	sadd.s32 s12, s14;
	s14 =	simm.s32 $0x7  }
0x10: {  	s26 =	simm.s32 $0x5;
	s7 =	sadd.s32 $0x5AA00, s0;
	s8 =	sadd.s32 $0x10, s6  }
0x11: {  	s0 =	sadd.s32 $0xAAA00, s0;
	s9 =	smax.u32 s9, $0x1;
	s11 =	sadd.s32 $0x30, s1  }
0x12: {  	s16 =	sshrl.u32 s13, $0x3;
	s24 =	sadd.s32 s24, s0;
	s0 =	simm.s32 $0x0  }
.LBB2_1:
0x13: {  	s1 =	simm.s32 $0x1C000  }
0x14: {  	[tilespmem:s1], [sflag:$0x7] =	stream.linear.gather [hbm4b:s5+s3], $0x2800, $0x38;
	[tilespmem:$0x1E900] =	vst v63  }
0x15: {  	_ =	swait.ge [sflag:s14], $0x2800  }
0x16: {  	[sflag:s14] =	ssyncset.done $0x0  }
0x17: {  	[sflag:s14] =	ssyncadd.s32 $0xFFFFD800  }
0x18: {  	[spmem:s16], [sflag:s15] =	dma.local [hbm:s4], $0x2800  }
0x19: {  	_ =	swait.ge [sflag:s14], $0x2800  }
0x1a: {  	[sflag:s14] =	ssyncset.done $0x0  }
0x1b: {  	[sflag:s14] =	ssyncadd.s32 $0xFFFFD800  }
0x1c: {  	[tilespmem:s17], [sflag:$0x7] =	stream.linear.gather [hbm4b:s6+s3], $0x80, $0x38;
	[tilespmem:$0x1E900] =	vst v63  }
0x1d: {  	_ =	swait.ge [sflag:s14], $0x80  }
0x1e: {  	[sflag:s14] =	ssyncset.done $0x0  }
0x1f: {  	[sflag:s14] =	ssyncadd.s32 $0xFFFFFF80  }
0x20: {  	[tilespmem:s19], [sflag:$0x1] =	stream.indirect.gather [hbm4b:s7+s18], $0x80, s17, s18, $0xb8;
	[tilespmem:$0x1E900] =	vst v63  }
0x21: {  	_ = 	snop  }
0x22: {  	[tilespmem:s20], [sflag:$0x7] =	stream.linear.gather [hbm4b:s8+s3], $0x80, $0x38;
	[tilespmem:$0x1E900] =	vst v63  }
0x23: {  	_ =	swait.ge [sflag:s14], $0x80  }
0x24: {  	[sflag:s14] =	ssyncset.done $0x0  }
0x25: {  	[sflag:s14] =	ssyncadd.s32 $0xFFFFFF80  }
0x26: {  	[tilespmem:s21], [sflag:$0x2] =	stream.indirect.gather [hbm4b:s7+s18], $0x80, s20, s18, $0xb8;
	[tilespmem:$0x1E900] =	vst v63  }
0x27: {  	[bflag:$0x0] =	sbarrier.arrive $0xFFFF  }
0x28: {  	_ =	swait.ge [sflag:s22], $0x4000  }
0x29: {  	[sflag:s22] =	ssyncset.done $0x0  }
0x2a: {  	[sflag:s22] =	ssyncadd.s32 $0xFFFFC000  }
0x2b: {  	[tilespmem:s17], [sflag:$0x5] =	stream.linear.gather [hbm4b:s12+s3], $0x80, $0x38;
	[tilespmem:$0x1E900] =	vst v63  }
0x2c: {  	s13 =	simm.s32 $0x1C000  }
0x2d: {  	[spmem:s2] =	stream.indirect.scatter.add.f32 [tilespmem:s19], [sflag:$0x3], $0x80, s13, s18, $0xb8;
	[tilespmem:$0x1E900] =	vst v63  }
0x2e: {  	_ =	swait.ge [sflag:s23], $0x4000  }
0x2f: {  	[sflag:s23] =	ssyncset.done $0x0  }
0x30: {  	s30 =	sadd.s32 $0x10, s12;
	[sflag:s23] =	ssyncadd.s32 $0xFFFFC000  }
0x31: {  	[tilespmem:s20], [sflag:$0x6] =	stream.linear.gather [hbm4b:s30+s3], $0x80, $0x38;
	[tilespmem:$0x1E900] =	vst v63  }
0x32: {  	s31 =	simm.s32 $0x1C080  }
0x33: {  	[spmem:s2] =	stream.indirect.scatter.add.f32 [tilespmem:s21], [sflag:$0x4], $0x80, s31, s18, $0xb8;
	[tilespmem:$0x1E900] =	vst v63  }
0x34: {  	_ =	swait.ge [sflag:s25], $0x4000  }
0x35: {  	[sflag:s25] =	ssyncset.done $0x0  }
0x36: {  	[sflag:s25] =	ssyncadd.s32 $0xFFFFC000  }
0x37: {  	_ =	swait.ge [sflag:s26], $0x80  }
0x38: {  	[sflag:s26] =	ssyncset.done $0x0  }
0x39: {  	[sflag:s26] =	ssyncadd.s32 $0xFFFFFF80  }
0x3a: {  	[tilespmem:s19], [sflag:$0x1] =	stream.indirect.gather [hbm4b:s7+s18], $0x80, s17, s18, $0xb8;
	[tilespmem:$0x1E900] =	vst v63  }
0x3b: {  	_ =	swait.ge [sflag:s28], $0x4000  }
0x3c: {  	[sflag:s28] =	ssyncset.done $0x0  }
0x3d: {  	[sflag:s28] =	ssyncadd.s32 $0xFFFFC000  }
0x3e: {  	_ =	swait.ge [sflag:s29], $0x80  }
0x3f: {  	[sflag:s29] =	ssyncset.done $0x0  }
0x40: {  	s1 =	simm.s32 $0x400;
	s13 =	sadd.s32 $0x20, s12;
	[sflag:s29] =	ssyncadd.s32 $0xFFFFFF80  }
.LBB2_2:
0x41: {  	[tilespmem:s21], [sflag:$0x2] =	stream.indirect.gather [hbm4b:s7+s18], $0x80, s20, s18, $0xb8;
	[tilespmem:$0x1E900] =	vst v63  }
0x42: {  	s30 =	smov.u32 s1  }
0x43: {  	p0 =	sne.s32 s1, $0x9800;
	s1 =	sadd.s32 $0x400, s1;
	_ =	swait.ge [sflag:s22], $0x4000  }
0x44: {  	[sflag:s22] =	ssyncset.done $0x0  }
0x45: {  	s30 =	sshra.s32 s30, $0x2;
	[sflag:s22] =	ssyncadd.s32 $0xFFFFC000  }
0x46: {  	[tilespmem:s17], [sflag:$0x5] =	stream.linear.gather [hbm4b:s13+s3], $0x80, $0x38;
	[tilespmem:$0x1E900] =	vst v63  }
0x47: {  	s31 =	sadd.s32 $0x1C000, s30  }
0x48: {  	[spmem:s2] =	stream.indirect.scatter.add.f32 [tilespmem:s19], [sflag:$0x3], $0x80, s31, s18, $0xb8;
	[tilespmem:$0x1E900] =	vst v63  }
0x49: {  	_ =	swait.ge [sflag:s23], $0x4000  }
0x4a: {  	[sflag:s23] =	ssyncset.done $0x0  }
0x4b: {  	s31 =	sadd.s32 $0x10, s13;
	[sflag:s23] =	ssyncadd.s32 $0xFFFFC000  }
0x4c: {  	[tilespmem:s20], [sflag:$0x6] =	stream.linear.gather [hbm4b:s31+s3], $0x80, $0x38;
	[tilespmem:$0x1E900] =	vst v63  }
0x4d: {  	s30 =	sadd.s32 $0x1C080, s30  }
0x4e: {  	[spmem:s2] =	stream.indirect.scatter.add.f32 [tilespmem:s21], [sflag:$0x4], $0x80, s30, s18, $0xb8;
	[tilespmem:$0x1E900] =	vst v63  }
0x4f: {  	_ =	swait.ge [sflag:s25], $0x4000  }
0x50: {  	[sflag:s25] =	ssyncset.done $0x0  }
0x51: {  	[sflag:s25] =	ssyncadd.s32 $0xFFFFC000  }
0x52: {  	_ =	swait.ge [sflag:s26], $0x80  }
0x53: {  	[sflag:s26] =	ssyncset.done $0x0  }
0x54: {  	[sflag:s26] =	ssyncadd.s32 $0xFFFFFF80  }
0x55: {  	[tilespmem:s19], [sflag:$0x1] =	stream.indirect.gather [hbm4b:s7+s18], $0x80, s17, s18, $0xb8;
	[tilespmem:$0x1E900] =	vst v63  }
0x56: {  	_ =	swait.ge [sflag:s28], $0x4000  }
.Ltmp0:
0x57: {  	[sflag:s28] =	ssyncset.done $0x0;
	(pc) =	sbr.rel @p0 .LBB2_2-.Ltmp0, $4  }
0x58: {  	[sflag:s28] =	ssyncadd.s32 $0xFFFFC000  }
0x59: {  	_ =	swait.ge [sflag:s29], $0x80  }
0x5a: {  	[sflag:s29] =	ssyncset.done $0x0  }
0x5b: {  	s13 =	sadd.s32 $0x20, s13;
	[sflag:s29] =	ssyncadd.s32 $0xFFFFFF80  }
0x5c: {  	[tilespmem:s21], [sflag:$0x2] =	stream.indirect.gather [hbm4b:s7+s18], $0x80, s20, s18, $0xb8;
	[tilespmem:$0x1E900] =	vst v63  }
0x5d: {  	_ =	swait.ge [sflag:s22], $0x4000  }
0x5e: {  	[sflag:s22] =	ssyncset.done $0x0  }
0x5f: {  	[sflag:s22] =	ssyncadd.s32 $0xFFFFC000  }
0x60: {  	[tilespmem:s17], [sflag:$0x5] =	stream.linear.gather [hbm4b:s10+s3], $0x80, $0x38;
	[tilespmem:$0x1E900] =	vst v63  }
0x61: {  	s1 =	simm.s32 $0x1E700  }
0x62: {  	[spmem:s2] =	stream.indirect.scatter.add.f32 [tilespmem:s19], [sflag:$0x3], $0x80, s1, s18, $0xb8;
	[tilespmem:$0x1E900] =	vst v63  }
0x63: {  	_ =	swait.ge [sflag:s23], $0x4000  }
0x64: {  	[sflag:s23] =	ssyncset.done $0x0  }
0x65: {  	[sflag:s23] =	ssyncadd.s32 $0xFFFFC000  }
0x66: {  	[tilespmem:s20], [sflag:$0x6] =	stream.linear.gather [hbm4b:s11+s3], $0x80, $0x38;
	[tilespmem:$0x1E900] =	vst v63  }
0x67: {  	s31 =	simm.s32 $0x1E780  }
0x68: {  	[spmem:s2] =	stream.indirect.scatter.add.f32 [tilespmem:s21], [sflag:$0x4], $0x80, s31, s18, $0xb8;
	[tilespmem:$0x1E900] =	vst v63  }
0x69: {  	_ =	swait.ge [sflag:s25], $0x4000  }
0x6a: {  	[sflag:s25] =	ssyncset.done $0x0  }
0x6b: {  	[sflag:s25] =	ssyncadd.s32 $0xFFFFC000  }
0x6c: {  	_ =	swait.ge [sflag:s26], $0x80  }
0x6d: {  	[sflag:s26] =	ssyncset.done $0x0  }
0x6e: {  	[sflag:s26] =	ssyncadd.s32 $0xFFFFFF80  }
0x6f: {  	_ =	swait.ge [sflag:s28], $0x4000  }
0x70: {  	[sflag:s28] =	ssyncset.done $0x0  }
0x71: {  	[sflag:s28] =	ssyncadd.s32 $0xFFFFC000  }
0x72: {  	_ =	swait.ge [sflag:s29], $0x80  }
0x73: {  	s0 =	sadd.s32 $0x1, s0;
	[sflag:s29] =	ssyncset.done $0x0  }
0x74: {  	p0 =	sne.s32 s0, s9;
	[sflag:s29] =	ssyncadd.s32 $0xFFFFFF80  }
.Ltmp1:
0x75: {  	[bflag:$0x0] =	sbarrier.arrive $0xFFFF;
	(pc) =	sbr.rel @p0 .LBB2_1-.Ltmp1, $4  }
0x76: {  	[hbm:s24], [sflag:s15] =	dma.local [spmem:s16], $0x2800  }
0x77: {  	_ =	swait.ge [sflag:s14], $0x2800  }
0x78: {  	[sflag:s14] =	ssyncset.done $0x0  }
0x79: {  	[sflag:s14] =	ssyncadd.s32 $0xFFFFD800  }
0x7a: {  	_ =	sfence.sel $0x180000  }
0x7b: {  	[bflag:$0x0] =	sbarrier.arrive $0xFFFF  }
0x7c: {  	_ =	strace $0x9000004A  }
0x7d: {  	s0 =	stileid.u32;
	[bflag:$0x2] =	sbarrier.arrive $0xFFFF  }
0x7e: {  	p0 =	sne.s32 s0, $0x0;
	s0 =	rddreg [dreg:$0x3]  }
0x7f: {  	s0 =	sadd.s32 @!p0 $0x100000, s0  }
0x80: {  	[sflag:s0] =	ssyncadd.tile.s32 @!p0 $0x1;
	_ =	shalt  }
.Lfunc_end2:
_tile_overlayer_lowered:
.L_overlay_start_2:
0x81: {  	(tag) =	ssettag $0x2  }
0x82: {  	s0 =	rddreg [dreg:$0x0];
	s2 =	stileid.u32  }
0x83: {  	s1 =	rddreg [dreg:$0x1];
	p0 =	sne.s32 s2, $0x0  }
0x84: {  	s3 =	rddreg [dreg:$0x2];
	[bflag:$0x3] =	sbarrier.arrive $0xFFFF;
	s2 =	simm.s32 @!p0 $0x1C07  }
0x85: {  	[timem:s3], [sflag:s2] =	dma.local @!p0 [hbm:s0], s1  }
0x86: {  	s0 =	simm.s32 @!p0 $0x7  }
0x87: {  	_ =	swait.ge @!p0 [sflag:s0], s1  }
0x88: {  	s1 =	ssub.s32 @!p0 $0x0, s1;
	[sflag:s0] =	ssyncset.done @!p0 $0x0  }
0x89: {  	[sflag:s0] =	ssyncadd.s32 @!p0 s1  }
0x8a: {  	[bflag:$0x3] =	sbarrier.arrive $0xFFFF  }
0x8b: {  	_ =	shalt  }

// kernel: kernel.14.cloned.1.call-start
scs
__scs_entry_jumppad:
0x0: {  	(pc) =	sbr.rel $0x88, $3  }
0x1: {  	(tag) =	ssettag $0x0;
	lr =	simm.s32 $0x1  }
0x2: {  	[smem:$0x3F97] =	sst lr;
	_ =	strace $0xD0000000  }
0x3: {  	_ = 	snop  }
0x4: {  	_ = 	snop  }
0x5: {  	_ = 	snop  }
0x6: {  	_ = 	snop  }
0x7: {  	_ = 	snop  }
__scs_overlays_trampoline_lowered:
0x8: {  	[smem:$0x3FA6] =	sst s0  }
0x9: {  	[smem:$0x3FA7] =	sst s1  }
0xa: {  	[smem:$0x3FA8] =	sst s2  }
0xb: {  	[smem:$0x3FA9] =	sst s3  }
0xc: {  	[smem:$0x3FAA] =	sst s4  }
0xd: {  	[smem:$0x3FAB] =	sst s5  }
0xe: {  	[smem:$0x3FAC] =	sst s6  }
0xf: {  	[smem:$0x3FAD] =	sst s7  }
0x10: {  	[smem:$0x3FAE] =	sst s8  }
0x11: {  	[smem:$0x3FAF] =	sst s9;
	s0 =	simm.s32 @!p0 $0x0  }
0x12: {  	s1 =	sld [smem:$0x3F95];
	s0 =	simm.s32 @p0 $0x1  }
0x13: {  	[smem:$0x3FB0] =	sst s0;
	s0 =	simm.s32 @!p1 $0x0  }
0x14: {  	s2 =	sld [smem:$0x3F94];
	s0 =	simm.s32 @p1 $0x1  }
0x15: {  	[smem:$0x3FB1] =	sst s0;
	s0 =	simm.s32 @!p2 $0x0  }
0x16: {  	s3 =	sld [smem:$0x3FDB];
	s0 =	simm.s32 @p2 $0x1  }
0x17: {  	s4 =	simm.s32 $0x1BF5;
	[smem:$0x3FB3] =	sst s0  }
0x18: {  	s0 =	sld [smem:$0x3F96];
	_ =	swait.ge [sflag:s4], $0x0  }
0x19: {  	s7 =	sld [smem:$0x3F97]  }
0x1a: {  	s8 =	sadd.s32 $0xFFFFE003, lr  }
0x1b: {  	s9 =	sadd.s32 $0xFFFFFEF7, lr;
	s5 =	simm.s32 $0xFFFFFFFF;
	p2 =	slt.u32 s8, $0xFFFFF086  }
0x1c: {  	p1 =	slt.u32 s9, $0xF7A;
	s5 =	simm.s32 @!p2 $0x0  }
0x1d: {  	s5 =	simm.s32 @p1 $0x1;
	p0 =	seq.s32 s7, s2  }
0x1e: {  	s7 =	smul.u32 @!p0 $0xF7A, s2;
	p2 =	seq.s32 @!p0 s5, $0x0  }
0x1f: {  	s9 =	smul.u32 $0xF7A, s1;
	s8 =	simm.s32 @!p0 $0x1BF5;
	p2 =	por !p2, p0  }
0x20: {  	[sflag:s8] =	ssyncset.s32 @!p0 $0xFFFFF086;
	s6 =	sadd.s32 @!p0 s3, s7;
	s7 =	simm.s32 @!p0 $0x108  }
0x21: {  	s3 =	sadd.s32 s3, s9;
	s6 =	sadd.s32 @!p0 $0x88, s6;
	s7 =	simm.s32 @p2 $0x1082  }
0x22: {  	[simem:s7], [sflag:s8] =	dma.local @!p0 [hbm:s6], $0xF7A  }
0x23: {  	s9 =	sor.u32 $0xD0000000, s2;
	s6 =	simm.s32 $0x108;
	_ =	swait.ge @!p0 [sflag:s8], $0x0  }
0x24: {  	s3 =	sadd.s32 $0x88, s3;
	s6 =	simm.s32 @!p1 $0x1082;
	[sflag:s4] =	ssyncset.s32 $0xFFFFF086  }
0x25: {  	[simem:s6], [sflag:s4] =	dma.local [hbm:s3], $0xF7A  }
0x26: {  	[smem:$0x3F97] =	sst s1;
	(tag) =	ssettag s2;
	_ =	strace s9  }
0x27: {  	s1 =	sld [smem:$0x3FA7]  }
0x28: {  	s2 =	sld [smem:$0x3FA8]  }
0x29: {  	s4 =	sld [smem:$0x3FAA]  }
0x2a: {  	p0 =	seq.s32 s5, $0x0;
	s5 =	sld [smem:$0x3FAB]  }
0x2b: {  	s6 =	sld [smem:$0x3FAC]  }
0x2c: {  	s7 =	sld [smem:$0x3FAD]  }
0x2d: {  	s3 =	simm.s32 $0x108;
	s8 =	sld [smem:$0x3FAE]  }
0x2e: {  	s3 =	simm.s32 @!p0 $0x1082;
	s9 =	sld [smem:$0x3FAF]  }
0x2f: {  	lr =	sadd.s32 s0, s3;
	s0 =	sld [smem:$0x3FA6]  }
0x30: {  	s3 =	sld [smem:$0x3FA9]  }
0x31: {  	[smem:$0x3FB2] =	sst s10  }
0x32: {  	s10 =	sld [smem:$0x3FB0];
	_ =	sdelay $0x3  }
0x33: {  	p0 =	seq.s32 s10, $0x1;
	s10 =	sld [smem:$0x3FB2];
	_ =	sdelay $0x3  }
0x34: {  	[smem:$0x3FB2] =	sst s10  }
0x35: {  	s10 =	sld [smem:$0x3FB1];
	_ =	sdelay $0x3  }
0x36: {  	p1 =	seq.s32 s10, $0x1;
	s10 =	sld [smem:$0x3FB2];
	_ =	sdelay $0x3  }
0x37: {  	[smem:$0x3FB2] =	sst s10  }
0x38: {  	s10 =	sld [smem:$0x3FB3]  }
0x39: {  	_ = 	snop;
	(pc) =	sbr.ind lr, $3  }
0x3a: {  	_ = 	snop  }
0x3b: {  	_ = 	snop  }
0x3c: {  	p2 =	seq.s32 s10, $0x1;
	s10 =	sld [smem:$0x3FB2]  }
0x3d: {  	_ =	shalt  }
0x3e: {  	_ =	shalt  }
0x3f: {  	_ =	shalt  }
0x40: {  	_ =	shalt  }
0x41: {  	_ =	shalt  }
0x42: {  	_ =	shalt  }
0x43: {  	_ =	shalt  }
0x44: {  	_ =	shalt  }
0x45: {  	_ =	shalt  }
0x46: {  	_ =	shalt  }
0x47: {  	_ =	shalt  }
0x48: {  	_ =	shalt  }
0x49: {  	_ =	shalt  }
0x4a: {  	_ =	shalt  }
0x4b: {  	_ =	shalt  }
0x4c: {  	_ =	shalt  }
0x4d: {  	_ =	shalt  }
0x4e: {  	_ =	shalt  }
0x4f: {  	_ =	shalt  }
0x50: {  	_ =	shalt  }
0x51: {  	_ =	shalt  }
0x52: {  	_ =	shalt  }
0x53: {  	_ =	shalt  }
0x54: {  	_ =	shalt  }
0x55: {  	_ =	shalt  }
0x56: {  	_ =	shalt  }
0x57: {  	_ =	shalt  }
0x58: {  	_ =	shalt  }
0x59: {  	_ =	shalt  }
0x5a: {  	_ =	shalt  }
0x5b: {  	_ =	shalt  }
0x5c: {  	_ =	shalt  }
0x5d: {  	_ =	shalt  }
0x5e: {  	_ =	shalt  }
0x5f: {  	_ =	shalt  }
0x60: {  	_ =	shalt  }
0x61: {  	_ =	shalt  }
0x62: {  	_ =	shalt  }
0x63: {  	_ =	shalt  }
0x64: {  	_ =	shalt  }
0x65: {  	_ =	shalt  }
0x66: {  	_ =	shalt  }
0x67: {  	_ =	shalt  }
0x68: {  	_ =	shalt  }
0x69: {  	_ =	shalt  }
0x6a: {  	_ =	shalt  }
0x6b: {  	_ =	shalt  }
0x6c: {  	_ =	shalt  }
0x6d: {  	_ =	shalt  }
0x6e: {  	_ =	shalt  }
0x6f: {  	_ =	shalt  }
0x70: {  	_ =	shalt  }
0x71: {  	_ =	shalt  }
0x72: {  	_ =	shalt  }
0x73: {  	_ =	shalt  }
0x74: {  	_ =	shalt  }
0x75: {  	_ =	shalt  }
0x76: {  	_ =	shalt  }
0x77: {  	_ =	shalt  }
0x78: {  	_ =	shalt  }
0x79: {  	_ =	shalt  }
0x7a: {  	_ =	shalt  }
0x7b: {  	_ =	shalt  }
0x7c: {  	_ =	shalt  }
0x7d: {  	_ =	shalt  }
0x7e: {  	_ =	shalt  }
0x7f: {  	_ =	shalt  }
0x80: {  	_ =	shalt  }
0x81: {  	_ =	shalt  }
0x82: {  	_ =	shalt  }
0x83: {  	_ =	shalt  }
0x84: {  	_ =	shalt  }
0x85: {  	_ =	shalt  }
0x86: {  	_ =	shalt  }
0x87: {  	_ =	shalt  }
.Lfunc_end0:
.L_simem_size_0:
called_computation.2_lowered:
.L_overlay_start_0:
0x88: {  	s2 =	sld [smem:$0x3FD9]  }
0x89: {  	s3 =	sld [smem:$0x3FFE];
	_ =	sdelay $0x1  }
0x8a: {  	s1 =	srdreg.scid  }
0x8b: {  	s0 =	sand.u32 $0x1, s1  }
0x8c: {  	s17 =	sshll.u32 s0, $0xA;
	s2 =	sadd.s32 s3, s2  }
0x8d: {  	s2 =	sadd.s32 s2, s17  }
0x8e: {  	[smem:$0x3FBE] =	sst s2  }
0x8f: {  	_ = 	snop  }
0x90: {  	s2 =	sld [smem:$0x3FD0];
	(tm) =	ssettm $0x1  }
0x91: {  	s18 =	sld [smem:$0x3FFB];
	_ =	sdelay $0x3  }
0x92: {  	_ =	strace s18  }
0x93: {  	s3 =	sld [smem:$0x3FFC];
	_ =	sdelay $0x3  }
0x94: {  	_ =	strace s3  }
0x95: {  	s3 =	sld [smem:$0x3FFD];
	_ =	sdelay $0x3  }
0x96: {  	_ =	strace s3  }
0x97: {  	_ =	strace $0x8FFFFFFF  }
0x98: {  	s19 =	sld [smem:$0x3FDB];
	_ =	sdelay $0x1  }
0x99: {  	s4 =	simm.s32 $_scs_section_size  }
0x9a: {  	s5 =	simm.s32 $_size__tile_overlayer_lowered;
	s6 =	simm.s32 $_tile_overlayer_lowered  }
0x9b: {  	s22 =	simm.s32 $0x1BFF;
	s21 =	sshll.u32 s6, $0x1;
	s3 =	sadd.s32 s4, s19  }
0x9c: {  	s7 =	simm.s32 $0x0;
	s20 =	sshll.u32 s5, $0x1;
	s5 =	sadd.s32 s21, s3  }
0x9d: {  	[timem:s7], [sflag:s22] =	dma.local [hbm:s5], s20  }
0x9e: {  	_ =	swait.ge [sflag:s22], s20  }
0x9f: {  	s4 =	ssub.s32 $0x0, s20;
	[sflag:s22] =	ssyncset.done $0x0  }
0xa0: {  	[sflag:s22] =	ssyncadd.s32 s4;
	_ =	sdelay $0x1  }
0xa1: {  	s23 =	simm.s32 $0x1B8B  }
0xa2: {  	_ =	swait.ge [sflag:s23], $0x1  }
0xa3: {  	[sflag:s23] =	ssyncset.done $0x0  }
0xa4: {  	s25 =	simm.s32 $0x1B8E;
	s24 =	sld [smem:$0x3FFE];
	[sflag:s23] =	ssyncadd.s32 $0xFFFFFFFF  }
0xa5: {  	s26 =	simm.s32 $execute0_lowered;
	[smem:$0x3FD2] =	sst s25  }
0xa6: {  	s5 =	sshll.u32 s26, $0x1;
	_ =	strace $0x8000004C;
	[dreg:$0x1] =	wrdreg $0xFFFFFFFF  }
0xa7: {  	s28 =	simm.s32 $_size_execute0_lowered;
	s3 =	sadd.s32 s3, s5;
	[dreg:$0x0] =	wrdreg $0x0  }
0xa8: {  	s5 =	sshll.u32 s28, $0x1;
	[dreg:$0x2] =	wrdreg s3  }
0xa9: {  	[dreg:$0x3] =	wrdreg s5  }
0xaa: {  	[dreg:$0x4] =	wrdreg $0xC0  }
0xab: {  	_ =	task [dreg:s7], $0x5FFFF  }
0xac: {  	[dreg:$0x1] =	wrdreg $0xFFFFFFFF  }
0xad: {  	[dreg:$0x0] =	wrdreg $0x60  }
0xae: {  	[dreg:$0x2] =	wrdreg s24  }
0xaf: {  	[dreg:$0x3] =	wrdreg s2  }
0xb0: {  	[dreg:$0x4] =	wrdreg $0x0  }
0xb1: {  	[dreg:$0x5] =	wrdreg $0x9  }
0xb2: {  	_ =	task.clear_ibuf [dreg:s7], $0x6FFFF;
	_ =	strace $0x9000004C  }
0xb3: {  	s29 =	simm.s32 $0x9;
	_ =	strace $0x8000004E  }
0xb4: {  	_ =	swait.ge [sflag:s29], $0x1  }
0xb5: {  	[sflag:s29] =	ssyncadd.s32 $0xFFFFFFFF  }
0xb6: {  	_ =	strace $0x9000004E  }
0xb7: {  	_ =	sfence  }
0xb8: {  	s30 =	sld [smem:$0x0];
	_ =	sdelay $0x2  }
0xb9: {  	s31 =	sshll.u32 s1, $0xD;
	s1 =	sshrl.u32 s1, $0x2  }
0xba: {  	s3 =	sand.u32 $0x4000, s31;
	s1 =	sadd.s32 s1, s30  }
0xbb: {  	s0 =	sor.u32 s3, s0;
	s1 =	sshll.u32 s1, $0x11  }
0xbc: {  	s0 =	sor.u32 s1, s0  }
0xbd: {  	s0 =	sadd.s32 $0x8F2B, s0  }
0xbe: {  	[sflag:s0] =	ssyncadd.remote.s32 $0x1  }
0xbf: {  	_ =	sfence.sel $0xFFFF  }
0xc0: {  	[dreg:$0x0] =	wrdreg $0xFFFFFFFF;
	(pc) =	sbr.abs _section_cstart, $3  }
0xc1: {  	[dreg:$0x1] =	wrdreg $0xFFFFFFFF  }
0xc2: {  	_ =	task.clear_ibuf [dreg:s7], $0x2FFFF;
	_ =	strace $0x9FFFFFFF  }
0xc3: {  	(tm) =	ssettm $0x7FFFFFFF  }
tec
execute0_lowered:
.L_overlay_start_1:
0x0: {  	(tag) =	ssettag $0x1  }
0x1: {  	s0 =	rddreg [dreg:$0x0]  }
0x2: {  	s1 =	rddreg [dreg:$0x1]  }
0x3: {  	s2 =	rddreg [dreg:$0x2];
	s3 =	simm.s32 $0x0;
	s15 =	stileid.u32  }
0x4: {  	s4 =	srdreg.scid;
	s17 =	simm.s32 $0x1E800;
	s18 =	simm.s32 $0x80  }
0x5: {  	s19 =	simm.s32 $0x14000;
	s20 =	simm.s32 $0x1E880;
	s21 =	simm.s32 $0x18000  }
0x6: {  	s22 =	simm.s32 $0x1;
	s23 =	simm.s32 $0x2;
	s25 =	simm.s32 $0x3  }
0x7: {  	s28 =	simm.s32 $0x4;
	s29 =	simm.s32 $0x6;
	s12 =	smul.u32 $0x500, s15  }
0x8: {  	[smem:$0x7FF] =	sst s3;
	s4 =	sand.u32 $0x1, s4;
	s8 =	smul.u32 $0x50000, s15  }
0x9: {  	s14 =	sadd.s32 $0x20, s1;
	s24 =	smul.u32 $0x2800, s15;
	s31 =	sshll.u32 s15, $0x6  }
0xa: {  	_ =	strace $0x8000004D;
	s5 =	smul.u32 $0x28000, s4;
	s7 =	ssub.s32 $0x2, s4  }
0xb: {  	s4 =	sadd.s32 $0x8200, s0;
	s15 =	sor.u32 $0x1C07, s31;
	s6 =	sadd.s32 s12, s0  }
0xc: {  	s26 =	sshrl.u32 s7, $0x1;
	s30 =	sshrl.u32 s8, $0x2;
	s10 =	sadd.s32 $0x4E0, s12  }
0xd: {  	s0 =	sadd.s32 s5, s0;
	s9 =	ssub.s32 s7, s26;
	s5 =	sadd.s32 $0x2A00, s6  }
0xe: {  	s13 =	sadd.s32 s30, s2;
	s6 =	sadd.s32 s1, s12;
	s1 =	sadd.s32 s10, s1  }
0xf: {  	s10 =	sadd.s32 s10, s14;
	s12 =	sadd.s32 s12, s14;
	s14 =	simm.s32 $0x7  }
0x10: {  	s26 =	simm.s32 $0x5;
	s7 =	sadd.s32 $0x5AA00, s0;
	s8 =	sadd.s32 $0x10, s6  }
0x11: {  	s0 =	sadd.s32 $0xAAA00, s0;
	s9 =	smax.u32 s9, $0x1;
	s11 =	sadd.s32 $0x30, s1  }
0x12: {  	s16 =	sshrl.u32 s13, $0x3;
	s24 =	sadd.s32 s24, s0;
	s0 =	simm.s32 $0x0  }
.LBB2_1:
0x13: {  	s1 =	simm.s32 $0x1C000  }
0x14: {  	[tilespmem:s1], [sflag:$0x7] =	stream.linear.gather [hbm4b:s5+s3], $0x2800, $0x38;
	[tilespmem:$0x1E900] =	vst v63  }
0x15: {  	_ =	swait.ge [sflag:s14], $0x2800  }
0x16: {  	[sflag:s14] =	ssyncset.done $0x0  }
0x17: {  	[sflag:s14] =	ssyncadd.s32 $0xFFFFD800  }
0x18: {  	[spmem:s16], [sflag:s15] =	dma.local [hbm:s4], $0x2800  }
0x19: {  	_ =	swait.ge [sflag:s14], $0x2800  }
0x1a: {  	[sflag:s14] =	ssyncset.done $0x0  }
0x1b: {  	[sflag:s14] =	ssyncadd.s32 $0xFFFFD800  }
0x1c: {  	[tilespmem:s17], [sflag:$0x7] =	stream.linear.gather [hbm4b:s6+s3], $0x80, $0x38;
	[tilespmem:$0x1E900] =	vst v63  }
0x1d: {  	_ =	swait.ge [sflag:s14], $0x80  }
0x1e: {  	[sflag:s14] =	ssyncset.done $0x0  }
0x1f: {  	[sflag:s14] =	ssyncadd.s32 $0xFFFFFF80  }
0x20: {  	[tilespmem:s19], [sflag:$0x1] =	stream.indirect.gather [hbm4b:s7+s18], $0x80, s17, s18, $0xb8;
	[tilespmem:$0x1E900] =	vst v63  }
0x21: {  	_ = 	snop  }
0x22: {  	[tilespmem:s20], [sflag:$0x7] =	stream.linear.gather [hbm4b:s8+s3], $0x80, $0x38;
	[tilespmem:$0x1E900] =	vst v63  }
0x23: {  	_ =	swait.ge [sflag:s14], $0x80  }
0x24: {  	[sflag:s14] =	ssyncset.done $0x0  }
0x25: {  	[sflag:s14] =	ssyncadd.s32 $0xFFFFFF80  }
0x26: {  	[tilespmem:s21], [sflag:$0x2] =	stream.indirect.gather [hbm4b:s7+s18], $0x80, s20, s18, $0xb8;
	[tilespmem:$0x1E900] =	vst v63  }
0x27: {  	[bflag:$0x0] =	sbarrier.arrive $0xFFFF  }
0x28: {  	_ =	swait.ge [sflag:s22], $0x4000  }
0x29: {  	[sflag:s22] =	ssyncset.done $0x0  }
0x2a: {  	[sflag:s22] =	ssyncadd.s32 $0xFFFFC000  }
0x2b: {  	[tilespmem:s17], [sflag:$0x5] =	stream.linear.gather [hbm4b:s12+s3], $0x80, $0x38;
	[tilespmem:$0x1E900] =	vst v63  }
0x2c: {  	s13 =	simm.s32 $0x1C000  }
0x2d: {  	[spmem:s2] =	stream.indirect.scatter.add.f32 [tilespmem:s19], [sflag:$0x3], $0x80, s13, s18, $0xb8;
	[tilespmem:$0x1E900] =	vst v63  }
0x2e: {  	_ =	swait.ge [sflag:s23], $0x4000  }
0x2f: {  	[sflag:s23] =	ssyncset.done $0x0  }
0x30: {  	s30 =	sadd.s32 $0x10, s12;
	[sflag:s23] =	ssyncadd.s32 $0xFFFFC000  }
0x31: {  	[tilespmem:s20], [sflag:$0x6] =	stream.linear.gather [hbm4b:s30+s3], $0x80, $0x38;
	[tilespmem:$0x1E900] =	vst v63  }
0x32: {  	s31 =	simm.s32 $0x1C080  }
0x33: {  	[spmem:s2] =	stream.indirect.scatter.add.f32 [tilespmem:s21], [sflag:$0x4], $0x80, s31, s18, $0xb8;
	[tilespmem:$0x1E900] =	vst v63  }
0x34: {  	_ =	swait.ge [sflag:s25], $0x4000  }
0x35: {  	[sflag:s25] =	ssyncset.done $0x0  }
0x36: {  	[sflag:s25] =	ssyncadd.s32 $0xFFFFC000  }
0x37: {  	_ =	swait.ge [sflag:s26], $0x80  }
0x38: {  	[sflag:s26] =	ssyncset.done $0x0  }
0x39: {  	[sflag:s26] =	ssyncadd.s32 $0xFFFFFF80  }
0x3a: {  	[tilespmem:s19], [sflag:$0x1] =	stream.indirect.gather [hbm4b:s7+s18], $0x80, s17, s18, $0xb8;
	[tilespmem:$0x1E900] =	vst v63  }
0x3b: {  	_ =	swait.ge [sflag:s28], $0x4000  }
0x3c: {  	[sflag:s28] =	ssyncset.done $0x0  }
0x3d: {  	[sflag:s28] =	ssyncadd.s32 $0xFFFFC000  }
0x3e: {  	_ =	swait.ge [sflag:s29], $0x80  }
0x3f: {  	[sflag:s29] =	ssyncset.done $0x0  }
0x40: {  	s1 =	simm.s32 $0x400;
	s13 =	sadd.s32 $0x20, s12;
	[sflag:s29] =	ssyncadd.s32 $0xFFFFFF80  }
.LBB2_2:
0x41: {  	[tilespmem:s21], [sflag:$0x2] =	stream.indirect.gather [hbm4b:s7+s18], $0x80, s20, s18, $0xb8;
	[tilespmem:$0x1E900] =	vst v63  }
0x42: {  	s30 =	smov.u32 s1  }
0x43: {  	p0 =	sne.s32 s1, $0x9800;
	s1 =	sadd.s32 $0x400, s1;
	_ =	swait.ge [sflag:s22], $0x4000  }
0x44: {  	[sflag:s22] =	ssyncset.done $0x0  }
0x45: {  	s30 =	sshra.s32 s30, $0x2;
	[sflag:s22] =	ssyncadd.s32 $0xFFFFC000  }
0x46: {  	[tilespmem:s17], [sflag:$0x5] =	stream.linear.gather [hbm4b:s13+s3], $0x80, $0x38;
	[tilespmem:$0x1E900] =	vst v63  }
0x47: {  	s31 =	sadd.s32 $0x1C000, s30  }
0x48: {  	[spmem:s2] =	stream.indirect.scatter.add.f32 [tilespmem:s19], [sflag:$0x3], $0x80, s31, s18, $0xb8;
	[tilespmem:$0x1E900] =	vst v63  }
0x49: {  	_ =	swait.ge [sflag:s23], $0x4000  }
0x4a: {  	[sflag:s23] =	ssyncset.done $0x0  }
0x4b: {  	s31 =	sadd.s32 $0x10, s13;
	[sflag:s23] =	ssyncadd.s32 $0xFFFFC000  }
0x4c: {  	[tilespmem:s20], [sflag:$0x6] =	stream.linear.gather [hbm4b:s31+s3], $0x80, $0x38;
	[tilespmem:$0x1E900] =	vst v63  }
0x4d: {  	s30 =	sadd.s32 $0x1C080, s30  }
0x4e: {  	[spmem:s2] =	stream.indirect.scatter.add.f32 [tilespmem:s21], [sflag:$0x4], $0x80, s30, s18, $0xb8;
	[tilespmem:$0x1E900] =	vst v63  }
0x4f: {  	_ =	swait.ge [sflag:s25], $0x4000  }
0x50: {  	[sflag:s25] =	ssyncset.done $0x0  }
0x51: {  	[sflag:s25] =	ssyncadd.s32 $0xFFFFC000  }
0x52: {  	_ =	swait.ge [sflag:s26], $0x80  }
0x53: {  	[sflag:s26] =	ssyncset.done $0x0  }
0x54: {  	[sflag:s26] =	ssyncadd.s32 $0xFFFFFF80  }
0x55: {  	[tilespmem:s19], [sflag:$0x1] =	stream.indirect.gather [hbm4b:s7+s18], $0x80, s17, s18, $0xb8;
	[tilespmem:$0x1E900] =	vst v63  }
0x56: {  	_ =	swait.ge [sflag:s28], $0x4000  }
.Ltmp0:
0x57: {  	[sflag:s28] =	ssyncset.done $0x0;
	(pc) =	sbr.rel @p0 .LBB2_2-.Ltmp0, $4  }
0x58: {  	[sflag:s28] =	ssyncadd.s32 $0xFFFFC000  }
0x59: {  	_ =	swait.ge [sflag:s29], $0x80  }
0x5a: {  	[sflag:s29] =	ssyncset.done $0x0  }
0x5b: {  	s13 =	sadd.s32 $0x20, s13;
	[sflag:s29] =	ssyncadd.s32 $0xFFFFFF80  }
0x5c: {  	[tilespmem:s21], [sflag:$0x2] =	stream.indirect.gather [hbm4b:s7+s18], $0x80, s20, s18, $0xb8;
	[tilespmem:$0x1E900] =	vst v63  }
0x5d: {  	_ =	swait.ge [sflag:s22], $0x4000  }
0x5e: {  	[sflag:s22] =	ssyncset.done $0x0  }
0x5f: {  	[sflag:s22] =	ssyncadd.s32 $0xFFFFC000  }
0x60: {  	[tilespmem:s17], [sflag:$0x5] =	stream.linear.gather [hbm4b:s10+s3], $0x80, $0x38;
	[tilespmem:$0x1E900] =	vst v63  }
0x61: {  	s1 =	simm.s32 $0x1E700  }
0x62: {  	[spmem:s2] =	stream.indirect.scatter.add.f32 [tilespmem:s19], [sflag:$0x3], $0x80, s1, s18, $0xb8;
	[tilespmem:$0x1E900] =	vst v63  }
0x63: {  	_ =	swait.ge [sflag:s23], $0x4000  }
0x64: {  	[sflag:s23] =	ssyncset.done $0x0  }
0x65: {  	[sflag:s23] =	ssyncadd.s32 $0xFFFFC000  }
0x66: {  	[tilespmem:s20], [sflag:$0x6] =	stream.linear.gather [hbm4b:s11+s3], $0x80, $0x38;
	[tilespmem:$0x1E900] =	vst v63  }
0x67: {  	s31 =	simm.s32 $0x1E780  }
0x68: {  	[spmem:s2] =	stream.indirect.scatter.add.f32 [tilespmem:s21], [sflag:$0x4], $0x80, s31, s18, $0xb8;
	[tilespmem:$0x1E900] =	vst v63  }
0x69: {  	_ =	swait.ge [sflag:s25], $0x4000  }
0x6a: {  	[sflag:s25] =	ssyncset.done $0x0  }
0x6b: {  	[sflag:s25] =	ssyncadd.s32 $0xFFFFC000  }
0x6c: {  	_ =	swait.ge [sflag:s26], $0x80  }
0x6d: {  	[sflag:s26] =	ssyncset.done $0x0  }
0x6e: {  	[sflag:s26] =	ssyncadd.s32 $0xFFFFFF80  }
0x6f: {  	_ =	swait.ge [sflag:s28], $0x4000  }
0x70: {  	[sflag:s28] =	ssyncset.done $0x0  }
0x71: {  	[sflag:s28] =	ssyncadd.s32 $0xFFFFC000  }
0x72: {  	_ =	swait.ge [sflag:s29], $0x80  }
0x73: {  	s0 =	sadd.s32 $0x1, s0;
	[sflag:s29] =	ssyncset.done $0x0  }
0x74: {  	p0 =	sne.s32 s0, s9;
	[sflag:s29] =	ssyncadd.s32 $0xFFFFFF80  }
.Ltmp1:
0x75: {  	[bflag:$0x0] =	sbarrier.arrive $0xFFFF;
	(pc) =	sbr.rel @p0 .LBB2_1-.Ltmp1, $4  }
0x76: {  	[hbm:s24], [sflag:s15] =	dma.local [spmem:s16], $0x2800  }
0x77: {  	_ =	swait.ge [sflag:s14], $0x2800  }
0x78: {  	[sflag:s14] =	ssyncset.done $0x0  }
0x79: {  	[sflag:s14] =	ssyncadd.s32 $0xFFFFD800  }
0x7a: {  	_ =	sfence.sel $0x180000  }
0x7b: {  	[bflag:$0x0] =	sbarrier.arrive $0xFFFF  }
0x7c: {  	_ =	strace $0x9000004D  }
0x7d: {  	s0 =	stileid.u32;
	[bflag:$0x2] =	sbarrier.arrive $0xFFFF  }
0x7e: {  	p0 =	sne.s32 s0, $0x0;
	s0 =	rddreg [dreg:$0x3]  }
0x7f: {  	s0 =	sadd.s32 @!p0 $0x100000, s0  }
0x80: {  	[sflag:s0] =	ssyncadd.tile.s32 @!p0 $0x1;
	_ =	shalt  }
.Lfunc_end2:
_tile_overlayer_lowered:
.L_overlay_start_2:
0x81: {  	(tag) =	ssettag $0x2  }
0x82: {  	s0 =	rddreg [dreg:$0x0];
	s2 =	stileid.u32  }
0x83: {  	s1 =	rddreg [dreg:$0x1];
	p0 =	sne.s32 s2, $0x0  }
0x84: {  	s3 =	rddreg [dreg:$0x2];
	[bflag:$0x3] =	sbarrier.arrive $0xFFFF;
	s2 =	simm.s32 @!p0 $0x1C07  }
0x85: {  	[timem:s3], [sflag:s2] =	dma.local @!p0 [hbm:s0], s1  }
0x86: {  	s0 =	simm.s32 @!p0 $0x7  }
0x87: {  	_ =	swait.ge @!p0 [sflag:s0], s1  }
0x88: {  	s1 =	ssub.s32 @!p0 $0x0, s1;
	[sflag:s0] =	ssyncset.done @!p0 $0x0  }
0x89: {  	[sflag:s0] =	ssyncadd.s32 @!p0 s1  }
0x8a: {  	[bflag:$0x3] =	sbarrier.arrive $0xFFFF  }
0x8b: {  	_ =	shalt  }

// kernel: kernel.8.cloned.1.call-start
scs
__scs_entry_jumppad:
0x0: {  	(pc) =	sbr.rel $0x88, $3  }
0x1: {  	(tag) =	ssettag $0x0;
	lr =	simm.s32 $0x1  }
0x2: {  	[smem:$0x3F97] =	sst lr;
	_ =	strace $0xD0000000  }
0x3: {  	_ = 	snop  }
0x4: {  	_ = 	snop  }
0x5: {  	_ = 	snop  }
0x6: {  	_ = 	snop  }
0x7: {  	_ = 	snop  }
__scs_overlays_trampoline_lowered:
0x8: {  	[smem:$0x3FA6] =	sst s0  }
0x9: {  	[smem:$0x3FA7] =	sst s1  }
0xa: {  	[smem:$0x3FA8] =	sst s2  }
0xb: {  	[smem:$0x3FA9] =	sst s3  }
0xc: {  	[smem:$0x3FAA] =	sst s4  }
0xd: {  	[smem:$0x3FAB] =	sst s5  }
0xe: {  	[smem:$0x3FAC] =	sst s6  }
0xf: {  	[smem:$0x3FAD] =	sst s7  }
0x10: {  	[smem:$0x3FAE] =	sst s8  }
0x11: {  	[smem:$0x3FAF] =	sst s9;
	s0 =	simm.s32 @!p0 $0x0  }
0x12: {  	s1 =	sld [smem:$0x3F95];
	s0 =	simm.s32 @p0 $0x1  }
0x13: {  	[smem:$0x3FB0] =	sst s0;
	s0 =	simm.s32 @!p1 $0x0  }
0x14: {  	s2 =	sld [smem:$0x3F94];
	s0 =	simm.s32 @p1 $0x1  }
0x15: {  	[smem:$0x3FB1] =	sst s0;
	s0 =	simm.s32 @!p2 $0x0  }
0x16: {  	s3 =	sld [smem:$0x3FDB];
	s0 =	simm.s32 @p2 $0x1  }
0x17: {  	s4 =	simm.s32 $0x1BF5;
	[smem:$0x3FB3] =	sst s0  }
0x18: {  	s0 =	sld [smem:$0x3F96];
	_ =	swait.ge [sflag:s4], $0x0  }
0x19: {  	s7 =	sld [smem:$0x3F97]  }
0x1a: {  	s8 =	sadd.s32 $0xFFFFE003, lr  }
0x1b: {  	s9 =	sadd.s32 $0xFFFFFEF7, lr;
	s5 =	simm.s32 $0xFFFFFFFF;
	p2 =	slt.u32 s8, $0xFFFFF086  }
0x1c: {  	p1 =	slt.u32 s9, $0xF7A;
	s5 =	simm.s32 @!p2 $0x0  }
0x1d: {  	s5 =	simm.s32 @p1 $0x1;
	p0 =	seq.s32 s7, s2  }
0x1e: {  	s7 =	smul.u32 @!p0 $0xF7A, s2;
	p2 =	seq.s32 @!p0 s5, $0x0  }
0x1f: {  	s9 =	smul.u32 $0xF7A, s1;
	s8 =	simm.s32 @!p0 $0x1BF5;
	p2 =	por !p2, p0  }
0x20: {  	[sflag:s8] =	ssyncset.s32 @!p0 $0xFFFFF086;
	s6 =	sadd.s32 @!p0 s3, s7;
	s7 =	simm.s32 @!p0 $0x108  }
0x21: {  	s3 =	sadd.s32 s3, s9;
	s6 =	sadd.s32 @!p0 $0x88, s6;
	s7 =	simm.s32 @p2 $0x1082  }
0x22: {  	[simem:s7], [sflag:s8] =	dma.local @!p0 [hbm:s6], $0xF7A  }
0x23: {  	s9 =	sor.u32 $0xD0000000, s2;
	s6 =	simm.s32 $0x108;
	_ =	swait.ge @!p0 [sflag:s8], $0x0  }
0x24: {  	s3 =	sadd.s32 $0x88, s3;
	s6 =	simm.s32 @!p1 $0x1082;
	[sflag:s4] =	ssyncset.s32 $0xFFFFF086  }
0x25: {  	[simem:s6], [sflag:s4] =	dma.local [hbm:s3], $0xF7A  }
0x26: {  	[smem:$0x3F97] =	sst s1;
	(tag) =	ssettag s2;
	_ =	strace s9  }
0x27: {  	s1 =	sld [smem:$0x3FA7]  }
0x28: {  	s2 =	sld [smem:$0x3FA8]  }
0x29: {  	s4 =	sld [smem:$0x3FAA]  }
0x2a: {  	p0 =	seq.s32 s5, $0x0;
	s5 =	sld [smem:$0x3FAB]  }
0x2b: {  	s6 =	sld [smem:$0x3FAC]  }
0x2c: {  	s7 =	sld [smem:$0x3FAD]  }
0x2d: {  	s3 =	simm.s32 $0x108;
	s8 =	sld [smem:$0x3FAE]  }
0x2e: {  	s3 =	simm.s32 @!p0 $0x1082;
	s9 =	sld [smem:$0x3FAF]  }
0x2f: {  	lr =	sadd.s32 s0, s3;
	s0 =	sld [smem:$0x3FA6]  }
0x30: {  	s3 =	sld [smem:$0x3FA9]  }
0x31: {  	[smem:$0x3FB2] =	sst s10  }
0x32: {  	s10 =	sld [smem:$0x3FB0];
	_ =	sdelay $0x3  }
0x33: {  	p0 =	seq.s32 s10, $0x1;
	s10 =	sld [smem:$0x3FB2];
	_ =	sdelay $0x3  }
0x34: {  	[smem:$0x3FB2] =	sst s10  }
0x35: {  	s10 =	sld [smem:$0x3FB1];
	_ =	sdelay $0x3  }
0x36: {  	p1 =	seq.s32 s10, $0x1;
	s10 =	sld [smem:$0x3FB2];
	_ =	sdelay $0x3  }
0x37: {  	[smem:$0x3FB2] =	sst s10  }
0x38: {  	s10 =	sld [smem:$0x3FB3]  }
0x39: {  	_ = 	snop;
	(pc) =	sbr.ind lr, $3  }
0x3a: {  	_ = 	snop  }
0x3b: {  	_ = 	snop  }
0x3c: {  	p2 =	seq.s32 s10, $0x1;
	s10 =	sld [smem:$0x3FB2]  }
0x3d: {  	_ =	shalt  }
0x3e: {  	_ =	shalt  }
0x3f: {  	_ =	shalt  }
0x40: {  	_ =	shalt  }
0x41: {  	_ =	shalt  }
0x42: {  	_ =	shalt  }
0x43: {  	_ =	shalt  }
0x44: {  	_ =	shalt  }
0x45: {  	_ =	shalt  }
0x46: {  	_ =	shalt  }
0x47: {  	_ =	shalt  }
0x48: {  	_ =	shalt  }
0x49: {  	_ =	shalt  }
0x4a: {  	_ =	shalt  }
0x4b: {  	_ =	shalt  }
0x4c: {  	_ =	shalt  }
0x4d: {  	_ =	shalt  }
0x4e: {  	_ =	shalt  }
0x4f: {  	_ =	shalt  }
0x50: {  	_ =	shalt  }
0x51: {  	_ =	shalt  }
0x52: {  	_ =	shalt  }
0x53: {  	_ =	shalt  }
0x54: {  	_ =	shalt  }
0x55: {  	_ =	shalt  }
0x56: {  	_ =	shalt  }
0x57: {  	_ =	shalt  }
0x58: {  	_ =	shalt  }
0x59: {  	_ =	shalt  }
0x5a: {  	_ =	shalt  }
0x5b: {  	_ =	shalt  }
0x5c: {  	_ =	shalt  }
0x5d: {  	_ =	shalt  }
0x5e: {  	_ =	shalt  }
0x5f: {  	_ =	shalt  }
0x60: {  	_ =	shalt  }
0x61: {  	_ =	shalt  }
0x62: {  	_ =	shalt  }
0x63: {  	_ =	shalt  }
0x64: {  	_ =	shalt  }
0x65: {  	_ =	shalt  }
0x66: {  	_ =	shalt  }
0x67: {  	_ =	shalt  }
0x68: {  	_ =	shalt  }
0x69: {  	_ =	shalt  }
0x6a: {  	_ =	shalt  }
0x6b: {  	_ =	shalt  }
0x6c: {  	_ =	shalt  }
0x6d: {  	_ =	shalt  }
0x6e: {  	_ =	shalt  }
0x6f: {  	_ =	shalt  }
0x70: {  	_ =	shalt  }
0x71: {  	_ =	shalt  }
0x72: {  	_ =	shalt  }
0x73: {  	_ =	shalt  }
0x74: {  	_ =	shalt  }
0x75: {  	_ =	shalt  }
0x76: {  	_ =	shalt  }
0x77: {  	_ =	shalt  }
0x78: {  	_ =	shalt  }
0x79: {  	_ =	shalt  }
0x7a: {  	_ =	shalt  }
0x7b: {  	_ =	shalt  }
0x7c: {  	_ =	shalt  }
0x7d: {  	_ =	shalt  }
0x7e: {  	_ =	shalt  }
0x7f: {  	_ =	shalt  }
0x80: {  	_ =	shalt  }
0x81: {  	_ =	shalt  }
0x82: {  	_ =	shalt  }
0x83: {  	_ =	shalt  }
0x84: {  	_ =	shalt  }
0x85: {  	_ =	shalt  }
0x86: {  	_ =	shalt  }
0x87: {  	_ =	shalt  }
.Lfunc_end0:
.L_simem_size_0:
called_computation_lowered:
.L_overlay_start_0:
0x88: {  	s2 =	sld [smem:$0x3FD9]  }
0x89: {  	s3 =	sld [smem:$0x3FFE];
	_ =	sdelay $0x1  }
0x8a: {  	s1 =	srdreg.scid  }
0x8b: {  	s0 =	sand.u32 $0x1, s1  }
0x8c: {  	s16 =	sshll.u32 s0, $0xA;
	s2 =	sadd.s32 s3, s2  }
0x8d: {  	s2 =	sadd.s32 s2, s16  }
0x8e: {  	[smem:$0x3FBE] =	sst s2  }
0x8f: {  	_ = 	snop  }
0x90: {  	(tm) =	ssettm $0x1  }
0x91: {  	s17 =	sld [smem:$0x3FFB];
	_ =	sdelay $0x3  }
0x92: {  	_ =	strace s17  }
0x93: {  	s2 =	sld [smem:$0x3FFC];
	_ =	sdelay $0x3  }
0x94: {  	_ =	strace s2  }
0x95: {  	s2 =	sld [smem:$0x3FFD];
	_ =	sdelay $0x3  }
0x96: {  	_ =	strace s2  }
0x97: {  	_ =	strace $0x8FFFFFFF  }
0x98: {  	s18 =	sld [smem:$0x3FDB];
	_ =	sdelay $0x1  }
0x99: {  	s19 =	simm.s32 $_scs_section_size  }
0x9a: {  	s4 =	simm.s32 $_size__tile_overlayer_lowered;
	s5 =	simm.s32 $_tile_overlayer_lowered  }
0x9b: {  	s22 =	simm.s32 $0x1BFF;
	s21 =	sshll.u32 s5, $0x1;
	s2 =	sadd.s32 s19, s18  }
0x9c: {  	s6 =	simm.s32 $0x0;
	s20 =	sshll.u32 s4, $0x1;
	s4 =	sadd.s32 s21, s2  }
0x9d: {  	[timem:s6], [sflag:s22] =	dma.local [hbm:s4], s20  }
0x9e: {  	_ =	swait.ge [sflag:s22], s20  }
0x9f: {  	s3 =	ssub.s32 $0x0, s20;
	[sflag:s22] =	ssyncset.done $0x0  }
0xa0: {  	[sflag:s22] =	ssyncadd.s32 s3;
	_ =	sdelay $0x1  }
0xa1: {  	s23 =	simm.s32 $0x1B8B  }
0xa2: {  	_ =	swait.ge [sflag:s23], $0x1  }
0xa3: {  	[sflag:s23] =	ssyncset.done $0x0  }
0xa4: {  	s25 =	simm.s32 $0x1B8E;
	s24 =	sld [smem:$0x3FFE];
	[sflag:s23] =	ssyncadd.s32 $0xFFFFFFFF  }
0xa5: {  	s26 =	simm.s32 $execute0_lowered;
	[smem:$0x3FD2] =	sst s25  }
0xa6: {  	s4 =	sshll.u32 s26, $0x1;
	_ =	strace $0x80000046;
	[dreg:$0x1] =	wrdreg $0xFFFFFFFF  }
0xa7: {  	s28 =	simm.s32 $_size_execute0_lowered;
	s2 =	sadd.s32 s2, s4;
	[dreg:$0x0] =	wrdreg $0x0  }
0xa8: {  	s4 =	sshll.u32 s28, $0x1;
	[dreg:$0x2] =	wrdreg s2  }
0xa9: {  	[dreg:$0x3] =	wrdreg s4  }
0xaa: {  	[dreg:$0x4] =	wrdreg $0xC0  }
0xab: {  	_ =	task [dreg:s6], $0x5FFFF  }
0xac: {  	[dreg:$0x1] =	wrdreg $0xFFFFFFFF  }
0xad: {  	[dreg:$0x0] =	wrdreg $0x60  }
0xae: {  	[dreg:$0x2] =	wrdreg s24  }
0xaf: {  	[dreg:$0x3] =	wrdreg $0x0  }
0xb0: {  	[dreg:$0x4] =	wrdreg $0x9  }
0xb1: {  	_ =	task.clear_ibuf [dreg:s6], $0x5FFFF;
	_ =	strace $0x90000046  }
0xb2: {  	s29 =	simm.s32 $0x9;
	_ =	strace $0x80000048  }
0xb3: {  	_ =	swait.ge [sflag:s29], $0x1  }
0xb4: {  	[sflag:s29] =	ssyncadd.s32 $0xFFFFFFFF  }
0xb5: {  	_ =	strace $0x90000048  }
0xb6: {  	_ =	sfence  }
0xb7: {  	s30 =	sld [smem:$0x0];
	_ =	sdelay $0x2  }
0xb8: {  	s31 =	sshll.u32 s1, $0xD;
	s1 =	sshrl.u32 s1, $0x2  }
0xb9: {  	s3 =	sand.u32 $0x4000, s31;
	s1 =	sadd.s32 s1, s30  }
0xba: {  	s0 =	sor.u32 s3, s0;
	s1 =	sshll.u32 s1, $0x11  }
0xbb: {  	s0 =	sor.u32 s1, s0  }
0xbc: {  	s0 =	sadd.s32 $0x8F2B, s0  }
0xbd: {  	[sflag:s0] =	ssyncadd.remote.s32 $0x1  }
0xbe: {  	_ =	sfence.sel $0xFFFF  }
0xbf: {  	[dreg:$0x0] =	wrdreg $0xFFFFFFFF;
	(pc) =	sbr.abs _section_cstart, $3  }
0xc0: {  	[dreg:$0x1] =	wrdreg $0xFFFFFFFF  }
0xc1: {  	_ =	task.clear_ibuf [dreg:s6], $0x2FFFF;
	_ =	strace $0x9FFFFFFF  }
0xc2: {  	(tm) =	ssettm $0x7FFFFFFF  }
0xc3: {  	_ =	shalt  }
tec
execute0_lowered:
.L_overlay_start_1:
0x0: {  	(tag) =	ssettag $0x1  }
0x1: {  	s1 =	rddreg [dreg:$0x0]  }
0x2: {  	s2 =	rddreg [dreg:$0x1];
	s30 =	simm.s32 $0x0  }
0x3: {  	[smem:$0x7FF] =	sst s30;
	s4 =	sadd.s32 $0x8200, s1  }
0x4: {  	s26 =	sadd.s32 $0x7A00, s1;
	_ =	strace $0x80000047;
	[dreg:$0x3] =	wrdreg s4  }
0x5: {  	s5 =	simm.s32 $0x18080;
	[dreg:$0x4] =	wrdreg s26  }
0x6: {  	s7 =	simm.s32 $0x18100;
	[dreg:$0x6] =	wrdreg s5  }
0x7: {  	s9 =	simm.s32 $0x18180;
	[dreg:$0x7] =	wrdreg s7  }
0x8: {  	s10 =	simm.s32 $0x18200;
	[dreg:$0x8] =	wrdreg s9  }
0x9: {  	s11 =	simm.s32 $0x18280;
	[dreg:$0x9] =	wrdreg s10  }
0xa: {  	s0 =	srdreg.scid;
	s12 =	simm.s32 $0x18300;
	[dreg:$0xa] =	wrdreg s11  }
0xb: {  	s6 =	stileid.u32;
	s14 =	simm.s32 $0x18380;
	[dreg:$0xb] =	wrdreg s12  }
0xc: {  	s15 =	simm.s32 $0x18400;
	s16 =	simm.s32 $0x18480;
	[dreg:$0xc] =	wrdreg s14  }
0xd: {  	s18 =	simm.s32 $0x18500;
	s19 =	simm.s32 $0x18580;
	[dreg:$0xd] =	wrdreg s15  }
0xe: {  	s20 =	simm.s32 $0x18600;
	s21 =	simm.s32 $0x18680;
	[dreg:$0xe] =	wrdreg s16  }
0xf: {  	s22 =	simm.s32 $0x18700;
	s23 =	simm.s32 $0x18780;
	[dreg:$0xf] =	wrdreg s18  }
0x10: {  	s24 =	simm.s32 $0x18800;
	s31 =	simm.s32 $0x18000;
	[dreg:$0x10] =	wrdreg s19  }
0x11: {  	s25 =	simm.s32 $0x18880;
	s28 =	simm.s32 $0x18B00;
	[dreg:$0x11] =	wrdreg s20  }
0x12: {  	s29 =	simm.s32 $0x18B80;
	s0 =	sand.u32 $0x1, s0;
	[dreg:$0x12] =	wrdreg s21  }
0x13: {  	p0 =	por $0x0, $0x0;
	s3 =	sshll.u32 s0, $0x4;
	[dreg:$0x13] =	wrdreg s22  }
0x14: {  	s8 =	smul.u32 $0x28000, s0;
	s0 =	ssub.s32 $0x2, s0;
	[dreg:$0x14] =	wrdreg s23  }
0x15: {  	s5 =	smul.u32 $0x50000, s6;
	s7 =	simm.s32 $0x14000;
	[dreg:$0x15] =	wrdreg s24  }
0x16: {  	[dreg:$0x16] =	wrdreg s25;
	s9 =	simm.s32 $0x18900;
	s26 =	simm.s32 $0x18980  }
0x17: {  	s10 =	simm.s32 $0x18A00;
	s18 =	simm.s32 $0x18C00;
	s19 =	simm.s32 $0x18C80  }
0x18: {  	s20 =	simm.s32 $0x18D00;
	s21 =	simm.s32 $0x18D80;
	s22 =	simm.s32 $0x18E00  }
0x19: {  	s23 =	simm.s32 $0x18E80;
	s24 =	simm.s32 $0x18F00;
	s25 =	simm.s32 $0x18F80  }
0x1a: {  	s11 =	simm.s32 $0x19080;
	s12 =	simm.s32 $0x19100;
	s14 =	simm.s32 $0x19200  }
0x1b: {  	s15 =	simm.s32 $0x19280;
	s16 =	simm.s32 $0x19300;
	[dreg:$0x17] =	wrdreg s9  }
0x1c: {  	s3 =	sor.u32 s6, s3;
	s13 =	sshrl.u32 s0, $0x1;
	[dreg:$0x18] =	wrdreg s26  }
0x1d: {  	s9 =	simm.s32 $0x80;
	[dreg:$0x19] =	wrdreg s10;
	s26 =	simm.s32 $0x18A80  }
0x1e: {  	s10 =	simm.s32 $0x19000;
	s3 =	smul.u32 $0x280, s3;
	s0 =	ssub.s32 s0, s13  }
0x1f: {  	s17 =	sshrl.u32 s5, $0x2;
	s13 =	simm.s32 $0x19180;
	s0 =	smax.u32 s0, $0x1  }
0x20: {  	s5 =	sadd.s32 s17, s2;
	s17 =	simm.s32 $0x19380;
	p1 =	sne.s32 s0, $0x1  }
.Ltmp0:
0x21: {  	s3 =	sadd.s32 s3, s1;
	s1 =	sadd.s32 s8, s1;
	(pc) =	sbr.rel @!p1 .LBB2_3-.Ltmp0, $4  }
0x22: {  	s8 =	smul.u32 $0x2800, s6;
	s6 =	sshll.u32 s6, $0x6;
	s5 =	sshrl.u32 s5, $0x3  }
0x23: {  	s0 =	sadd.s32 $0xFFFFFFFF, s0;
	s3 =	sadd.s32 $0x2A00, s3;
	s1 =	sadd.s32 $0xAA00, s1  }
0x24: {  	s4 =	sor.u32 $0x1C02, s6;
	s6 =	simm.s32 $0x1;
	[dreg:$0x5] =	wrdreg s3  }
0x25: {  	s3 =	simm.s32 $0x2;
	s8 =	sadd.s32 s8, s1;
	s1 =	rddreg [dreg:$0x4]  }
0x26: {  	[tilespmem:s7], [sflag:$0x2] =	stream.linear.gather [hbm4b:s1+s30], $0x4000, $0x38;
	[tilespmem:$0x19400] =	vst v63  }
0x27: {  	_ =	swait.ge [sflag:s3], $0x4000  }
0x28: {  	[sflag:s3] =	ssyncset.done $0x0  }
0x29: {  	s1 =	rddreg [dreg:$0x5];
	[sflag:s3] =	ssyncadd.s32 $0xFFFFC000  }
0x2a: {  	[tilespmem:s31], [sflag:$0x2] =	stream.linear.gather [hbm4b:s1+s30], $0x1400, $0x38;
	[tilespmem:$0x19400] =	vst v63  }
0x2b: {  	_ =	swait.ge [sflag:s3], $0x1400  }
0x2c: {  	[sflag:s3] =	ssyncset.done $0x0  }
0x2d: {  	s1 =	rddreg [dreg:$0x3];
	[sflag:s3] =	ssyncadd.s32 $0xFFFFEC00  }
0x2e: {  	[spmem:s5], [sflag:s4] =	dma.local [hbm:s1], $0x2800  }
0x2f: {  	_ =	swait.ge [sflag:s3], $0x2800  }
0x30: {  	[sflag:s3] =	ssyncset.done $0x0  }
0x31: {  	[sflag:s3] =	ssyncadd.s32 $0xFFFFD800  }
0x32: {  	[bflag:$0x0] =	sbarrier.arrive $0xFFFF  }
0x33: {  	s1 =	rddreg [dreg:$0x6]  }
0x34: {  	[spmem:s2] =	stream.indirect.scatter.add.f32 [tilespmem:s7], [sflag:$0x1], $0x80, s31, s9, $0xb8;
	[tilespmem:$0x19400] =	vst v63  }
0x35: {  	[dreg:$0x1a] =	wrdreg s0  }
0x36: {  	[spmem:s2] =	stream.indirect.scatter.add.f32 [tilespmem:s7], [sflag:$0x1], $0x80, s1, s9, $0xb8;
	[tilespmem:$0x19400] =	vst v63  }
0x37: {  	s0 =	rddreg [dreg:$0x7]  }
0x38: {  	[spmem:s2] =	stream.indirect.scatter.add.f32 [tilespmem:s7], [sflag:$0x1], $0x80, s0, s9, $0xb8;
	[tilespmem:$0x19400] =	vst v63  }
0x39: {  	s1 =	rddreg [dreg:$0x8]  }
0x3a: {  	[spmem:s2] =	stream.indirect.scatter.add.f32 [tilespmem:s7], [sflag:$0x1], $0x80, s1, s9, $0xb8;
	[tilespmem:$0x19400] =	vst v63  }
0x3b: {  	s0 =	rddreg [dreg:$0x9]  }
0x3c: {  	[spmem:s2] =	stream.indirect.scatter.add.f32 [tilespmem:s7], [sflag:$0x1], $0x80, s0, s9, $0xb8;
	[tilespmem:$0x19400] =	vst v63  }
0x3d: {  	s1 =	rddreg [dreg:$0xa]  }
0x3e: {  	[spmem:s2] =	stream.indirect.scatter.add.f32 [tilespmem:s7], [sflag:$0x1], $0x80, s1, s9, $0xb8;
	[tilespmem:$0x19400] =	vst v63  }
0x3f: {  	s0 =	rddreg [dreg:$0xb]  }
0x40: {  	[spmem:s2] =	stream.indirect.scatter.add.f32 [tilespmem:s7], [sflag:$0x1], $0x80, s0, s9, $0xb8;
	[tilespmem:$0x19400] =	vst v63  }
0x41: {  	s1 =	rddreg [dreg:$0xc]  }
0x42: {  	[spmem:s2] =	stream.indirect.scatter.add.f32 [tilespmem:s7], [sflag:$0x1], $0x80, s1, s9, $0xb8;
	[tilespmem:$0x19400] =	vst v63  }
0x43: {  	_ =	swait.ge [sflag:s6], $0x4000  }
0x44: {  	[sflag:s6] =	ssyncset.done $0x0  }
0x45: {  	[sflag:s6] =	ssyncadd.s32 $0xFFFFC000  }
0x46: {  	_ =	swait.ge [sflag:s6], $0x4000  }
0x47: {  	[sflag:s6] =	ssyncset.done $0x0  }
0x48: {  	[sflag:s6] =	ssyncadd.s32 $0xFFFFC000  }
0x49: {  	_ =	swait.ge [sflag:s6], $0x4000  }
0x4a: {  	[sflag:s6] =	ssyncset.done $0x0  }
0x4b: {  	[sflag:s6] =	ssyncadd.s32 $0xFFFFC000  }
0x4c: {  	_ =	swait.ge [sflag:s6], $0x4000  }
0x4d: {  	[sflag:s6] =	ssyncset.done $0x0  }
0x4e: {  	[sflag:s6] =	ssyncadd.s32 $0xFFFFC000  }
0x4f: {  	_ =	swait.ge [sflag:s6], $0x4000  }
0x50: {  	[sflag:s6] =	ssyncset.done $0x0  }
0x51: {  	[sflag:s6] =	ssyncadd.s32 $0xFFFFC000  }
0x52: {  	_ =	swait.ge [sflag:s6], $0x4000  }
0x53: {  	[sflag:s6] =	ssyncset.done $0x0  }
0x54: {  	[sflag:s6] =	ssyncadd.s32 $0xFFFFC000  }
0x55: {  	_ =	swait.ge [sflag:s6], $0x4000  }
0x56: {  	[sflag:s6] =	ssyncset.done $0x0  }
0x57: {  	[sflag:s6] =	ssyncadd.s32 $0xFFFFC000  }
0x58: {  	_ =	swait.ge [sflag:s6], $0x4000  }
0x59: {  	[sflag:s6] =	ssyncset.done $0x0  }
0x5a: {  	s0 =	rddreg [dreg:$0xd];
	[sflag:s6] =	ssyncadd.s32 $0xFFFFC000  }
0x5b: {  	[spmem:s2] =	stream.indirect.scatter.add.f32 [tilespmem:s7], [sflag:$0x1], $0x80, s0, s9, $0xb8;
	[tilespmem:$0x19400] =	vst v63  }
0x5c: {  	s1 =	rddreg [dreg:$0xe]  }
0x5d: {  	[spmem:s2] =	stream.indirect.scatter.add.f32 [tilespmem:s7], [sflag:$0x1], $0x80, s1, s9, $0xb8;
	[tilespmem:$0x19400] =	vst v63  }
0x5e: {  	s0 =	rddreg [dreg:$0xf]  }
0x5f: {  	[spmem:s2] =	stream.indirect.scatter.add.f32 [tilespmem:s7], [sflag:$0x1], $0x80, s0, s9, $0xb8;
	[tilespmem:$0x19400] =	vst v63  }
0x60: {  	s1 =	rddreg [dreg:$0x10]  }
0x61: {  	[spmem:s2] =	stream.indirect.scatter.add.f32 [tilespmem:s7], [sflag:$0x1], $0x80, s1, s9, $0xb8;
	[tilespmem:$0x19400] =	vst v63  }
0x62: {  	s0 =	rddreg [dreg:$0x11]  }
0x63: {  	[spmem:s2] =	stream.indirect.scatter.add.f32 [tilespmem:s7], [sflag:$0x1], $0x80, s0, s9, $0xb8;
	[tilespmem:$0x19400] =	vst v63  }
0x64: {  	s1 =	rddreg [dreg:$0x12]  }
0x65: {  	[spmem:s2] =	stream.indirect.scatter.add.f32 [tilespmem:s7], [sflag:$0x1], $0x80, s1, s9, $0xb8;
	[tilespmem:$0x19400] =	vst v63  }
0x66: {  	s0 =	rddreg [dreg:$0x13]  }
0x67: {  	[spmem:s2] =	stream.indirect.scatter.add.f32 [tilespmem:s7], [sflag:$0x1], $0x80, s0, s9, $0xb8;
	[tilespmem:$0x19400] =	vst v63  }
0x68: {  	s1 =	rddreg [dreg:$0x14]  }
0x69: {  	[spmem:s2] =	stream.indirect.scatter.add.f32 [tilespmem:s7], [sflag:$0x1], $0x80, s1, s9, $0xb8;
	[tilespmem:$0x19400] =	vst v63  }
0x6a: {  	_ =	swait.ge [sflag:s6], $0x4000  }
0x6b: {  	[sflag:s6] =	ssyncset.done $0x0  }
0x6c: {  	[sflag:s6] =	ssyncadd.s32 $0xFFFFC000  }
0x6d: {  	_ =	swait.ge [sflag:s6], $0x4000  }
0x6e: {  	[sflag:s6] =	ssyncset.done $0x0  }
0x6f: {  	[sflag:s6] =	ssyncadd.s32 $0xFFFFC000  }
0x70: {  	_ =	swait.ge [sflag:s6], $0x4000  }
0x71: {  	[sflag:s6] =	ssyncset.done $0x0  }
0x72: {  	[sflag:s6] =	ssyncadd.s32 $0xFFFFC000  }
0x73: {  	_ =	swait.ge [sflag:s6], $0x4000  }
0x74: {  	[sflag:s6] =	ssyncset.done $0x0  }
0x75: {  	[sflag:s6] =	ssyncadd.s32 $0xFFFFC000  }
0x76: {  	_ =	swait.ge [sflag:s6], $0x4000  }
0x77: {  	[sflag:s6] =	ssyncset.done $0x0  }
0x78: {  	[sflag:s6] =	ssyncadd.s32 $0xFFFFC000  }
0x79: {  	_ =	swait.ge [sflag:s6], $0x4000  }
0x7a: {  	[sflag:s6] =	ssyncset.done $0x0  }
0x7b: {  	[sflag:s6] =	ssyncadd.s32 $0xFFFFC000  }
0x7c: {  	_ =	swait.ge [sflag:s6], $0x4000  }
0x7d: {  	[sflag:s6] =	ssyncset.done $0x0  }
0x7e: {  	[sflag:s6] =	ssyncadd.s32 $0xFFFFC000  }
0x7f: {  	_ =	swait.ge [sflag:s6], $0x4000  }
0x80: {  	[sflag:s6] =	ssyncset.done $0x0  }
0x81: {  	s0 =	rddreg [dreg:$0x15];
	[sflag:s6] =	ssyncadd.s32 $0xFFFFC000  }
0x82: {  	[spmem:s2] =	stream.indirect.scatter.add.f32 [tilespmem:s7], [sflag:$0x1], $0x80, s0, s9, $0xb8;
	[tilespmem:$0x19400] =	vst v63  }
0x83: {  	s1 =	rddreg [dreg:$0x16]  }
0x84: {  	[spmem:s2] =	stream.indirect.scatter.add.f32 [tilespmem:s7], [sflag:$0x1], $0x80, s1, s9, $0xb8;
	[tilespmem:$0x19400] =	vst v63  }
0x85: {  	s0 =	rddreg [dreg:$0x17]  }
0x86: {  	[spmem:s2] =	stream.indirect.scatter.add.f32 [tilespmem:s7], [sflag:$0x1], $0x80, s0, s9, $0xb8;
	[tilespmem:$0x19400] =	vst v63  }
0x87: {  	s1 =	rddreg [dreg:$0x18]  }
0x88: {  	[spmem:s2] =	stream.indirect.scatter.add.f32 [tilespmem:s7], [sflag:$0x1], $0x80, s1, s9, $0xb8;
	[tilespmem:$0x19400] =	vst v63  }
0x89: {  	s0 =	rddreg [dreg:$0x19]  }
0x8a: {  	[spmem:s2] =	stream.indirect.scatter.add.f32 [tilespmem:s7], [sflag:$0x1], $0x80, s0, s9, $0xb8;
	[tilespmem:$0x19400] =	vst v63  }
0x8b: {  	_ = 	snop  }
0x8c: {  	[spmem:s2] =	stream.indirect.scatter.add.f32 [tilespmem:s7], [sflag:$0x1], $0x80, s26, s9, $0xb8;
	[tilespmem:$0x19400] =	vst v63  }
0x8d: {  	_ = 	snop  }
0x8e: {  	[spmem:s2] =	stream.indirect.scatter.add.f32 [tilespmem:s7], [sflag:$0x1], $0x80, s28, s9, $0xb8;
	[tilespmem:$0x19400] =	vst v63  }
0x8f: {  	_ = 	snop  }
0x90: {  	[spmem:s2] =	stream.indirect.scatter.add.f32 [tilespmem:s7], [sflag:$0x1], $0x80, s29, s9, $0xb8;
	[tilespmem:$0x19400] =	vst v63  }
0x91: {  	_ =	swait.ge [sflag:s6], $0x4000  }
0x92: {  	[sflag:s6] =	ssyncset.done $0x0  }
0x93: {  	[sflag:s6] =	ssyncadd.s32 $0xFFFFC000  }
0x94: {  	_ =	swait.ge [sflag:s6], $0x4000  }
0x95: {  	[sflag:s6] =	ssyncset.done $0x0  }
0x96: {  	[sflag:s6] =	ssyncadd.s32 $0xFFFFC000  }
0x97: {  	_ =	swait.ge [sflag:s6], $0x4000  }
0x98: {  	[sflag:s6] =	ssyncset.done $0x0  }
0x99: {  	[sflag:s6] =	ssyncadd.s32 $0xFFFFC000  }
0x9a: {  	_ =	swait.ge [sflag:s6], $0x4000  }
0x9b: {  	[sflag:s6] =	ssyncset.done $0x0  }
0x9c: {  	[sflag:s6] =	ssyncadd.s32 $0xFFFFC000  }
0x9d: {  	_ =	swait.ge [sflag:s6], $0x4000  }
0x9e: {  	[sflag:s6] =	ssyncset.done $0x0  }
0x9f: {  	[sflag:s6] =	ssyncadd.s32 $0xFFFFC000  }
0xa0: {  	_ =	swait.ge [sflag:s6], $0x4000  }
0xa1: {  	[sflag:s6] =	ssyncset.done $0x0  }
0xa2: {  	[sflag:s6] =	ssyncadd.s32 $0xFFFFC000  }
0xa3: {  	_ =	swait.ge [sflag:s6], $0x4000  }
0xa4: {  	[sflag:s6] =	ssyncset.done $0x0  }
0xa5: {  	[sflag:s6] =	ssyncadd.s32 $0xFFFFC000  }
0xa6: {  	_ =	swait.ge [sflag:s6], $0x4000  }
0xa7: {  	[sflag:s6] =	ssyncset.done $0x0  }
0xa8: {  	[sflag:s6] =	ssyncadd.s32 $0xFFFFC000  }
0xa9: {  	[spmem:s2] =	stream.indirect.scatter.add.f32 [tilespmem:s7], [sflag:$0x1], $0x80, s18, s9, $0xb8;
	[tilespmem:$0x19400] =	vst v63  }
0xaa: {  	_ = 	snop  }
0xab: {  	[spmem:s2] =	stream.indirect.scatter.add.f32 [tilespmem:s7], [sflag:$0x1], $0x80, s19, s9, $0xb8;
	[tilespmem:$0x19400] =	vst v63  }
0xac: {  	_ = 	snop  }
0xad: {  	[spmem:s2] =	stream.indirect.scatter.add.f32 [tilespmem:s7], [sflag:$0x1], $0x80, s20, s9, $0xb8;
	[tilespmem:$0x19400] =	vst v63  }
0xae: {  	_ = 	snop  }
0xaf: {  	[spmem:s2] =	stream.indirect.scatter.add.f32 [tilespmem:s7], [sflag:$0x1], $0x80, s21, s9, $0xb8;
	[tilespmem:$0x19400] =	vst v63  }
0xb0: {  	_ = 	snop  }
0xb1: {  	[spmem:s2] =	stream.indirect.scatter.add.f32 [tilespmem:s7], [sflag:$0x1], $0x80, s22, s9, $0xb8;
	[tilespmem:$0x19400] =	vst v63  }
0xb2: {  	_ = 	snop  }
0xb3: {  	[spmem:s2] =	stream.indirect.scatter.add.f32 [tilespmem:s7], [sflag:$0x1], $0x80, s23, s9, $0xb8;
	[tilespmem:$0x19400] =	vst v63  }
0xb4: {  	_ = 	snop  }
0xb5: {  	[spmem:s2] =	stream.indirect.scatter.add.f32 [tilespmem:s7], [sflag:$0x1], $0x80, s24, s9, $0xb8;
	[tilespmem:$0x19400] =	vst v63  }
0xb6: {  	_ = 	snop  }
0xb7: {  	[spmem:s2] =	stream.indirect.scatter.add.f32 [tilespmem:s7], [sflag:$0x1], $0x80, s25, s9, $0xb8;
	[tilespmem:$0x19400] =	vst v63  }
0xb8: {  	_ =	swait.ge [sflag:s6], $0x4000  }
0xb9: {  	[sflag:s6] =	ssyncset.done $0x0  }
0xba: {  	[sflag:s6] =	ssyncadd.s32 $0xFFFFC000  }
0xbb: {  	_ =	swait.ge [sflag:s6], $0x4000  }
0xbc: {  	[sflag:s6] =	ssyncset.done $0x0  }
0xbd: {  	[sflag:s6] =	ssyncadd.s32 $0xFFFFC000  }
0xbe: {  	_ =	swait.ge [sflag:s6], $0x4000  }
0xbf: {  	[sflag:s6] =	ssyncset.done $0x0  }
0xc0: {  	[sflag:s6] =	ssyncadd.s32 $0xFFFFC000  }
0xc1: {  	_ =	swait.ge [sflag:s6], $0x4000  }
0xc2: {  	[sflag:s6] =	ssyncset.done $0x0  }
0xc3: {  	[sflag:s6] =	ssyncadd.s32 $0xFFFFC000  }
0xc4: {  	_ =	swait.ge [sflag:s6], $0x4000  }
0xc5: {  	[sflag:s6] =	ssyncset.done $0x0  }
0xc6: {  	[sflag:s6] =	ssyncadd.s32 $0xFFFFC000  }
0xc7: {  	_ =	swait.ge [sflag:s6], $0x4000  }
0xc8: {  	[sflag:s6] =	ssyncset.done $0x0  }
0xc9: {  	[sflag:s6] =	ssyncadd.s32 $0xFFFFC000  }
0xca: {  	_ =	swait.ge [sflag:s6], $0x4000  }
0xcb: {  	[sflag:s6] =	ssyncset.done $0x0  }
0xcc: {  	[sflag:s6] =	ssyncadd.s32 $0xFFFFC000  }
0xcd: {  	_ =	swait.ge [sflag:s6], $0x4000  }
0xce: {  	[sflag:s6] =	ssyncset.done $0x0  }
0xcf: {  	[sflag:s6] =	ssyncadd.s32 $0xFFFFC000  }
0xd0: {  	[spmem:s2] =	stream.indirect.scatter.add.f32 [tilespmem:s7], [sflag:$0x1], $0x80, s10, s9, $0xb8;
	[tilespmem:$0x19400] =	vst v63  }
0xd1: {  	_ = 	snop  }
0xd2: {  	[spmem:s2] =	stream.indirect.scatter.add.f32 [tilespmem:s7], [sflag:$0x1], $0x80, s11, s9, $0xb8;
	[tilespmem:$0x19400] =	vst v63  }
0xd3: {  	_ = 	snop  }
0xd4: {  	[spmem:s2] =	stream.indirect.scatter.add.f32 [tilespmem:s7], [sflag:$0x1], $0x80, s12, s9, $0xb8;
	[tilespmem:$0x19400] =	vst v63  }
0xd5: {  	_ = 	snop  }
0xd6: {  	[spmem:s2] =	stream.indirect.scatter.add.f32 [tilespmem:s7], [sflag:$0x1], $0x80, s13, s9, $0xb8;
	[tilespmem:$0x19400] =	vst v63  }
0xd7: {  	_ = 	snop  }
0xd8: {  	[spmem:s2] =	stream.indirect.scatter.add.f32 [tilespmem:s7], [sflag:$0x1], $0x80, s14, s9, $0xb8;
	[tilespmem:$0x19400] =	vst v63  }
0xd9: {  	_ = 	snop  }
0xda: {  	[spmem:s2] =	stream.indirect.scatter.add.f32 [tilespmem:s7], [sflag:$0x1], $0x80, s15, s9, $0xb8;
	[tilespmem:$0x19400] =	vst v63  }
0xdb: {  	_ = 	snop  }
0xdc: {  	[spmem:s2] =	stream.indirect.scatter.add.f32 [tilespmem:s7], [sflag:$0x1], $0x80, s16, s9, $0xb8;
	[tilespmem:$0x19400] =	vst v63  }
0xdd: {  	_ = 	snop  }
0xde: {  	[spmem:s2] =	stream.indirect.scatter.add.f32 [tilespmem:s7], [sflag:$0x1], $0x80, s17, s9, $0xb8;
	[tilespmem:$0x19400] =	vst v63  }
0xdf: {  	_ =	swait.ge [sflag:s6], $0x4000  }
0xe0: {  	[sflag:s6] =	ssyncset.done $0x0  }
0xe1: {  	[sflag:s6] =	ssyncadd.s32 $0xFFFFC000  }
0xe2: {  	_ =	swait.ge [sflag:s6], $0x4000  }
0xe3: {  	[sflag:s6] =	ssyncset.done $0x0  }
0xe4: {  	[sflag:s6] =	ssyncadd.s32 $0xFFFFC000  }
0xe5: {  	_ =	swait.ge [sflag:s6], $0x4000  }
0xe6: {  	[sflag:s6] =	ssyncset.done $0x0  }
0xe7: {  	[sflag:s6] =	ssyncadd.s32 $0xFFFFC000  }
0xe8: {  	_ =	swait.ge [sflag:s6], $0x4000  }
0xe9: {  	[sflag:s6] =	ssyncset.done $0x0  }
0xea: {  	[sflag:s6] =	ssyncadd.s32 $0xFFFFC000  }
0xeb: {  	_ =	swait.ge [sflag:s6], $0x4000  }
0xec: {  	[sflag:s6] =	ssyncset.done $0x0  }
0xed: {  	[sflag:s6] =	ssyncadd.s32 $0xFFFFC000  }
0xee: {  	_ =	swait.ge [sflag:s6], $0x4000  }
0xef: {  	[sflag:s6] =	ssyncset.done $0x0  }
0xf0: {  	[sflag:s6] =	ssyncadd.s32 $0xFFFFC000  }
0xf1: {  	_ =	swait.ge [sflag:s6], $0x4000  }
0xf2: {  	[sflag:s6] =	ssyncset.done $0x0  }
0xf3: {  	[sflag:s6] =	ssyncadd.s32 $0xFFFFC000  }
0xf4: {  	_ =	swait.ge [sflag:s6], $0x4000  }
0xf5: {  	[sflag:s6] =	ssyncset.done $0x0  }
0xf6: {  	[sflag:s6] =	ssyncadd.s32 $0xFFFFC000  }
0xf7: {  	[bflag:$0x0] =	sbarrier.arrive $0xFFFF  }
0xf8: {  	[hbm:s8], [sflag:s4] =	dma.local [spmem:s5], $0x2800  }
0xf9: {  	s1 =	rddreg [dreg:$0x1a]  }
0xfa: {  	p1 =	sne.s32 s1, $0x1  }
.Ltmp1:
0xfb: {  	_ = 	snop;
	(pc) =	sbr.rel @!p1 .LBB2_3-.Ltmp1, $3  }
0xfc: {  	_ =	sdelay $0x1  }
0xfd: {  	p0 =	por $0x1, $0x1;
	_ =	swait.ge [sflag:s3], $0x2800  }
0xfe: {  	s0 =	sadd.s32 $0xFFFFFFFF, s1;
	s1 =	rddreg [dreg:$0x4];
	[sflag:s3] =	ssyncset.done $0x0  }
.LBB2_2:
0xff: {  	[sflag:s3] =	ssyncadd.s32 $0xFFFFD800  }
0x100: {  	[tilespmem:s7], [sflag:$0x2] =	stream.linear.gather [hbm4b:s1+s30], $0x4000, $0x38;
	[tilespmem:$0x19400] =	vst v63  }
0x101: {  	_ =	swait.ge [sflag:s3], $0x4000  }
0x102: {  	[sflag:s3] =	ssyncset.done $0x0  }
0x103: {  	s10 =	rddreg [dreg:$0x5];
	[sflag:s3] =	ssyncadd.s32 $0xFFFFC000  }
0x104: {  	[tilespmem:s31], [sflag:$0x2] =	stream.linear.gather [hbm4b:s10+s30], $0x1400, $0x38;
	[tilespmem:$0x19400] =	vst v63  }
0x105: {  	_ =	swait.ge [sflag:s3], $0x1400  }
0x106: {  	[sflag:s3] =	ssyncset.done $0x0  }
0x107: {  	s10 =	rddreg [dreg:$0x3];
	[sflag:s3] =	ssyncadd.s32 $0xFFFFEC00  }
0x108: {  	[spmem:s5], [sflag:s4] =	dma.local [hbm:s10], $0x2800  }
0x109: {  	_ =	swait.ge [sflag:s3], $0x2800  }
0x10a: {  	[sflag:s3] =	ssyncset.done $0x0  }
0x10b: {  	[sflag:s3] =	ssyncadd.s32 $0xFFFFD800  }
0x10c: {  	[bflag:$0x0] =	sbarrier.arrive $0xFFFF  }
0x10d: {  	[spmem:s2] =	stream.indirect.scatter.add.f32 [tilespmem:s7], [sflag:$0x1], $0x80, s31, s9, $0xb8;
	[tilespmem:$0x19400] =	vst v63  }
0x10e: {  	s1 =	rddreg [dreg:$0x6]  }
0x10f: {  	[spmem:s2] =	stream.indirect.scatter.add.f32 [tilespmem:s7], [sflag:$0x1], $0x80, s1, s9, $0xb8;
	[tilespmem:$0x19400] =	vst v63  }
0x110: {  	s10 =	rddreg [dreg:$0x7]  }
0x111: {  	[spmem:s2] =	stream.indirect.scatter.add.f32 [tilespmem:s7], [sflag:$0x1], $0x80, s10, s9, $0xb8;
	[tilespmem:$0x19400] =	vst v63  }
0x112: {  	s1 =	rddreg [dreg:$0x8]  }
0x113: {  	[spmem:s2] =	stream.indirect.scatter.add.f32 [tilespmem:s7], [sflag:$0x1], $0x80, s1, s9, $0xb8;
	[tilespmem:$0x19400] =	vst v63  }
0x114: {  	s10 =	rddreg [dreg:$0x9]  }
0x115: {  	[spmem:s2] =	stream.indirect.scatter.add.f32 [tilespmem:s7], [sflag:$0x1], $0x80, s10, s9, $0xb8;
	[tilespmem:$0x19400] =	vst v63  }
0x116: {  	s1 =	rddreg [dreg:$0xa]  }
0x117: {  	[spmem:s2] =	stream.indirect.scatter.add.f32 [tilespmem:s7], [sflag:$0x1], $0x80, s1, s9, $0xb8;
	[tilespmem:$0x19400] =	vst v63  }
0x118: {  	s10 =	rddreg [dreg:$0xb]  }
0x119: {  	[spmem:s2] =	stream.indirect.scatter.add.f32 [tilespmem:s7], [sflag:$0x1], $0x80, s10, s9, $0xb8;
	[tilespmem:$0x19400] =	vst v63  }
0x11a: {  	s1 =	rddreg [dreg:$0xc]  }
0x11b: {  	[spmem:s2] =	stream.indirect.scatter.add.f32 [tilespmem:s7], [sflag:$0x1], $0x80, s1, s9, $0xb8;
	[tilespmem:$0x19400] =	vst v63  }
0x11c: {  	_ =	swait.ge [sflag:s6], $0x4000  }
0x11d: {  	[sflag:s6] =	ssyncset.done $0x0  }
0x11e: {  	[sflag:s6] =	ssyncadd.s32 $0xFFFFC000  }
0x11f: {  	_ =	swait.ge [sflag:s6], $0x4000  }
0x120: {  	[sflag:s6] =	ssyncset.done $0x0  }
0x121: {  	[sflag:s6] =	ssyncadd.s32 $0xFFFFC000  }
0x122: {  	_ =	swait.ge [sflag:s6], $0x4000  }
0x123: {  	[sflag:s6] =	ssyncset.done $0x0  }
0x124: {  	[sflag:s6] =	ssyncadd.s32 $0xFFFFC000  }
0x125: {  	_ =	swait.ge [sflag:s6], $0x4000  }
0x126: {  	[sflag:s6] =	ssyncset.done $0x0  }
0x127: {  	[sflag:s6] =	ssyncadd.s32 $0xFFFFC000  }
0x128: {  	_ =	swait.ge [sflag:s6], $0x4000  }
0x129: {  	[sflag:s6] =	ssyncset.done $0x0  }
0x12a: {  	[sflag:s6] =	ssyncadd.s32 $0xFFFFC000  }
0x12b: {  	_ =	swait.ge [sflag:s6], $0x4000  }
0x12c: {  	[sflag:s6] =	ssyncset.done $0x0  }
0x12d: {  	[sflag:s6] =	ssyncadd.s32 $0xFFFFC000  }
0x12e: {  	_ =	swait.ge [sflag:s6], $0x4000  }
0x12f: {  	[sflag:s6] =	ssyncset.done $0x0  }
0x130: {  	[sflag:s6] =	ssyncadd.s32 $0xFFFFC000  }
0x131: {  	_ =	swait.ge [sflag:s6], $0x4000  }
0x132: {  	[sflag:s6] =	ssyncset.done $0x0  }
0x133: {  	s1 =	rddreg [dreg:$0xd];
	[sflag:s6] =	ssyncadd.s32 $0xFFFFC000  }
0x134: {  	[spmem:s2] =	stream.indirect.scatter.add.f32 [tilespmem:s7], [sflag:$0x1], $0x80, s1, s9, $0xb8;
	[tilespmem:$0x19400] =	vst v63  }
0x135: {  	s10 =	rddreg [dreg:$0xe]  }
0x136: {  	[spmem:s2] =	stream.indirect.scatter.add.f32 [tilespmem:s7], [sflag:$0x1], $0x80, s10, s9, $0xb8;
	[tilespmem:$0x19400] =	vst v63  }
0x137: {  	s1 =	rddreg [dreg:$0xf]  }
0x138: {  	[spmem:s2] =	stream.indirect.scatter.add.f32 [tilespmem:s7], [sflag:$0x1], $0x80, s1, s9, $0xb8;
	[tilespmem:$0x19400] =	vst v63  }
0x139: {  	s10 =	rddreg [dreg:$0x10]  }
0x13a: {  	[spmem:s2] =	stream.indirect.scatter.add.f32 [tilespmem:s7], [sflag:$0x1], $0x80, s10, s9, $0xb8;
	[tilespmem:$0x19400] =	vst v63  }
0x13b: {  	s1 =	rddreg [dreg:$0x11]  }
0x13c: {  	[spmem:s2] =	stream.indirect.scatter.add.f32 [tilespmem:s7], [sflag:$0x1], $0x80, s1, s9, $0xb8;
	[tilespmem:$0x19400] =	vst v63  }
0x13d: {  	s10 =	rddreg [dreg:$0x12]  }
0x13e: {  	[spmem:s2] =	stream.indirect.scatter.add.f32 [tilespmem:s7], [sflag:$0x1], $0x80, s10, s9, $0xb8;
	[tilespmem:$0x19400] =	vst v63  }
0x13f: {  	s1 =	rddreg [dreg:$0x13]  }
0x140: {  	[spmem:s2] =	stream.indirect.scatter.add.f32 [tilespmem:s7], [sflag:$0x1], $0x80, s1, s9, $0xb8;
	[tilespmem:$0x19400] =	vst v63  }
0x141: {  	s10 =	rddreg [dreg:$0x14]  }
0x142: {  	[spmem:s2] =	stream.indirect.scatter.add.f32 [tilespmem:s7], [sflag:$0x1], $0x80, s10, s9, $0xb8;
	[tilespmem:$0x19400] =	vst v63  }
0x143: {  	_ =	swait.ge [sflag:s6], $0x4000  }
0x144: {  	[sflag:s6] =	ssyncset.done $0x0  }
0x145: {  	[sflag:s6] =	ssyncadd.s32 $0xFFFFC000  }
0x146: {  	_ =	swait.ge [sflag:s6], $0x4000  }
0x147: {  	[sflag:s6] =	ssyncset.done $0x0  }
0x148: {  	[sflag:s6] =	ssyncadd.s32 $0xFFFFC000  }
0x149: {  	_ =	swait.ge [sflag:s6], $0x4000  }
0x14a: {  	[sflag:s6] =	ssyncset.done $0x0  }
0x14b: {  	[sflag:s6] =	ssyncadd.s32 $0xFFFFC000  }
0x14c: {  	_ =	swait.ge [sflag:s6], $0x4000  }
0x14d: {  	[sflag:s6] =	ssyncset.done $0x0  }
0x14e: {  	[sflag:s6] =	ssyncadd.s32 $0xFFFFC000  }
0x14f: {  	_ =	swait.ge [sflag:s6], $0x4000  }
0x150: {  	[sflag:s6] =	ssyncset.done $0x0  }
0x151: {  	[sflag:s6] =	ssyncadd.s32 $0xFFFFC000  }
0x152: {  	_ =	swait.ge [sflag:s6], $0x4000  }
0x153: {  	[sflag:s6] =	ssyncset.done $0x0  }
0x154: {  	[sflag:s6] =	ssyncadd.s32 $0xFFFFC000  }
0x155: {  	_ =	swait.ge [sflag:s6], $0x4000  }
0x156: {  	[sflag:s6] =	ssyncset.done $0x0  }
0x157: {  	[sflag:s6] =	ssyncadd.s32 $0xFFFFC000  }
0x158: {  	_ =	swait.ge [sflag:s6], $0x4000  }
0x159: {  	[sflag:s6] =	ssyncset.done $0x0  }
0x15a: {  	s1 =	rddreg [dreg:$0x15];
	[sflag:s6] =	ssyncadd.s32 $0xFFFFC000  }
0x15b: {  	[spmem:s2] =	stream.indirect.scatter.add.f32 [tilespmem:s7], [sflag:$0x1], $0x80, s1, s9, $0xb8;
	[tilespmem:$0x19400] =	vst v63  }
0x15c: {  	s10 =	rddreg [dreg:$0x16]  }
0x15d: {  	[spmem:s2] =	stream.indirect.scatter.add.f32 [tilespmem:s7], [sflag:$0x1], $0x80, s10, s9, $0xb8;
	[tilespmem:$0x19400] =	vst v63  }
0x15e: {  	s1 =	rddreg [dreg:$0x17]  }
0x15f: {  	[spmem:s2] =	stream.indirect.scatter.add.f32 [tilespmem:s7], [sflag:$0x1], $0x80, s1, s9, $0xb8;
	[tilespmem:$0x19400] =	vst v63  }
0x160: {  	s10 =	rddreg [dreg:$0x18]  }
0x161: {  	[spmem:s2] =	stream.indirect.scatter.add.f32 [tilespmem:s7], [sflag:$0x1], $0x80, s10, s9, $0xb8;
	[tilespmem:$0x19400] =	vst v63  }
0x162: {  	s1 =	rddreg [dreg:$0x19]  }
0x163: {  	[spmem:s2] =	stream.indirect.scatter.add.f32 [tilespmem:s7], [sflag:$0x1], $0x80, s1, s9, $0xb8;
	[tilespmem:$0x19400] =	vst v63  }
0x164: {  	_ = 	snop  }
0x165: {  	[spmem:s2] =	stream.indirect.scatter.add.f32 [tilespmem:s7], [sflag:$0x1], $0x80, s26, s9, $0xb8;
	[tilespmem:$0x19400] =	vst v63  }
0x166: {  	_ = 	snop  }
0x167: {  	[spmem:s2] =	stream.indirect.scatter.add.f32 [tilespmem:s7], [sflag:$0x1], $0x80, s28, s9, $0xb8;
	[tilespmem:$0x19400] =	vst v63  }
0x168: {  	_ = 	snop  }
0x169: {  	[spmem:s2] =	stream.indirect.scatter.add.f32 [tilespmem:s7], [sflag:$0x1], $0x80, s29, s9, $0xb8;
	[tilespmem:$0x19400] =	vst v63  }
0x16a: {  	_ =	swait.ge [sflag:s6], $0x4000  }
0x16b: {  	[sflag:s6] =	ssyncset.done $0x0  }
0x16c: {  	[sflag:s6] =	ssyncadd.s32 $0xFFFFC000  }
0x16d: {  	_ =	swait.ge [sflag:s6], $0x4000  }
0x16e: {  	[sflag:s6] =	ssyncset.done $0x0  }
0x16f: {  	[sflag:s6] =	ssyncadd.s32 $0xFFFFC000  }
0x170: {  	_ =	swait.ge [sflag:s6], $0x4000  }
0x171: {  	[sflag:s6] =	ssyncset.done $0x0  }
0x172: {  	[sflag:s6] =	ssyncadd.s32 $0xFFFFC000  }
0x173: {  	_ =	swait.ge [sflag:s6], $0x4000  }
0x174: {  	[sflag:s6] =	ssyncset.done $0x0  }
0x175: {  	[sflag:s6] =	ssyncadd.s32 $0xFFFFC000  }
0x176: {  	_ =	swait.ge [sflag:s6], $0x4000  }
0x177: {  	[sflag:s6] =	ssyncset.done $0x0  }
0x178: {  	[sflag:s6] =	ssyncadd.s32 $0xFFFFC000  }
0x179: {  	_ =	swait.ge [sflag:s6], $0x4000  }
0x17a: {  	[sflag:s6] =	ssyncset.done $0x0  }
0x17b: {  	[sflag:s6] =	ssyncadd.s32 $0xFFFFC000  }
0x17c: {  	_ =	swait.ge [sflag:s6], $0x4000  }
0x17d: {  	[sflag:s6] =	ssyncset.done $0x0  }
0x17e: {  	[sflag:s6] =	ssyncadd.s32 $0xFFFFC000  }
0x17f: {  	_ =	swait.ge [sflag:s6], $0x4000  }
0x180: {  	[sflag:s6] =	ssyncset.done $0x0  }
0x181: {  	[sflag:s6] =	ssyncadd.s32 $0xFFFFC000  }
0x182: {  	[spmem:s2] =	stream.indirect.scatter.add.f32 [tilespmem:s7], [sflag:$0x1], $0x80, s18, s9, $0xb8;
	[tilespmem:$0x19400] =	vst v63  }
0x183: {  	_ = 	snop  }
0x184: {  	[spmem:s2] =	stream.indirect.scatter.add.f32 [tilespmem:s7], [sflag:$0x1], $0x80, s19, s9, $0xb8;
	[tilespmem:$0x19400] =	vst v63  }
0x185: {  	_ = 	snop  }
0x186: {  	[spmem:s2] =	stream.indirect.scatter.add.f32 [tilespmem:s7], [sflag:$0x1], $0x80, s20, s9, $0xb8;
	[tilespmem:$0x19400] =	vst v63  }
0x187: {  	_ = 	snop  }
0x188: {  	[spmem:s2] =	stream.indirect.scatter.add.f32 [tilespmem:s7], [sflag:$0x1], $0x80, s21, s9, $0xb8;
	[tilespmem:$0x19400] =	vst v63  }
0x189: {  	_ = 	snop  }
0x18a: {  	[spmem:s2] =	stream.indirect.scatter.add.f32 [tilespmem:s7], [sflag:$0x1], $0x80, s22, s9, $0xb8;
	[tilespmem:$0x19400] =	vst v63  }
0x18b: {  	_ = 	snop  }
0x18c: {  	[spmem:s2] =	stream.indirect.scatter.add.f32 [tilespmem:s7], [sflag:$0x1], $0x80, s23, s9, $0xb8;
	[tilespmem:$0x19400] =	vst v63  }
0x18d: {  	_ = 	snop  }
0x18e: {  	[spmem:s2] =	stream.indirect.scatter.add.f32 [tilespmem:s7], [sflag:$0x1], $0x80, s24, s9, $0xb8;
	[tilespmem:$0x19400] =	vst v63  }
0x18f: {  	_ = 	snop  }
0x190: {  	[spmem:s2] =	stream.indirect.scatter.add.f32 [tilespmem:s7], [sflag:$0x1], $0x80, s25, s9, $0xb8;
	[tilespmem:$0x19400] =	vst v63  }
0x191: {  	_ =	swait.ge [sflag:s6], $0x4000  }
0x192: {  	[sflag:s6] =	ssyncset.done $0x0  }
0x193: {  	[sflag:s6] =	ssyncadd.s32 $0xFFFFC000  }
0x194: {  	_ =	swait.ge [sflag:s6], $0x4000  }
0x195: {  	[sflag:s6] =	ssyncset.done $0x0  }
0x196: {  	[sflag:s6] =	ssyncadd.s32 $0xFFFFC000  }
0x197: {  	_ =	swait.ge [sflag:s6], $0x4000  }
0x198: {  	[sflag:s6] =	ssyncset.done $0x0  }
0x199: {  	[sflag:s6] =	ssyncadd.s32 $0xFFFFC000  }
0x19a: {  	_ =	swait.ge [sflag:s6], $0x4000  }
0x19b: {  	[sflag:s6] =	ssyncset.done $0x0  }
0x19c: {  	[sflag:s6] =	ssyncadd.s32 $0xFFFFC000  }
0x19d: {  	_ =	swait.ge [sflag:s6], $0x4000  }
0x19e: {  	[sflag:s6] =	ssyncset.done $0x0  }
0x19f: {  	[sflag:s6] =	ssyncadd.s32 $0xFFFFC000  }
0x1a0: {  	_ =	swait.ge [sflag:s6], $0x4000  }
0x1a1: {  	[sflag:s6] =	ssyncset.done $0x0  }
0x1a2: {  	[sflag:s6] =	ssyncadd.s32 $0xFFFFC000  }
0x1a3: {  	_ =	swait.ge [sflag:s6], $0x4000  }
0x1a4: {  	[sflag:s6] =	ssyncset.done $0x0  }
0x1a5: {  	[sflag:s6] =	ssyncadd.s32 $0xFFFFC000  }
0x1a6: {  	_ =	swait.ge [sflag:s6], $0x4000  }
0x1a7: {  	[sflag:s6] =	ssyncset.done $0x0  }
0x1a8: {  	s10 =	simm.s32 $0x19000;
	[sflag:s6] =	ssyncadd.s32 $0xFFFFC000  }
0x1a9: {  	[spmem:s2] =	stream.indirect.scatter.add.f32 [tilespmem:s7], [sflag:$0x1], $0x80, s10, s9, $0xb8;
	[tilespmem:$0x19400] =	vst v63  }
0x1aa: {  	_ = 	snop  }
0x1ab: {  	[spmem:s2] =	stream.indirect.scatter.add.f32 [tilespmem:s7], [sflag:$0x1], $0x80, s11, s9, $0xb8;
	[tilespmem:$0x19400] =	vst v63  }
0x1ac: {  	_ = 	snop  }
0x1ad: {  	[spmem:s2] =	stream.indirect.scatter.add.f32 [tilespmem:s7], [sflag:$0x1], $0x80, s12, s9, $0xb8;
	[tilespmem:$0x19400] =	vst v63  }
0x1ae: {  	_ = 	snop  }
0x1af: {  	[spmem:s2] =	stream.indirect.scatter.add.f32 [tilespmem:s7], [sflag:$0x1], $0x80, s13, s9, $0xb8;
	[tilespmem:$0x19400] =	vst v63  }
0x1b0: {  	_ = 	snop  }
0x1b1: {  	[spmem:s2] =	stream.indirect.scatter.add.f32 [tilespmem:s7], [sflag:$0x1], $0x80, s14, s9, $0xb8;
	[tilespmem:$0x19400] =	vst v63  }
0x1b2: {  	_ = 	snop  }
0x1b3: {  	[spmem:s2] =	stream.indirect.scatter.add.f32 [tilespmem:s7], [sflag:$0x1], $0x80, s15, s9, $0xb8;
	[tilespmem:$0x19400] =	vst v63  }
0x1b4: {  	_ = 	snop  }
0x1b5: {  	[spmem:s2] =	stream.indirect.scatter.add.f32 [tilespmem:s7], [sflag:$0x1], $0x80, s16, s9, $0xb8;
	[tilespmem:$0x19400] =	vst v63  }
0x1b6: {  	_ = 	snop  }
0x1b7: {  	[spmem:s2] =	stream.indirect.scatter.add.f32 [tilespmem:s7], [sflag:$0x1], $0x80, s17, s9, $0xb8;
	[tilespmem:$0x19400] =	vst v63  }
0x1b8: {  	_ =	swait.ge [sflag:s6], $0x4000  }
0x1b9: {  	[sflag:s6] =	ssyncset.done $0x0  }
0x1ba: {  	[sflag:s6] =	ssyncadd.s32 $0xFFFFC000  }
0x1bb: {  	_ =	swait.ge [sflag:s6], $0x4000  }
0x1bc: {  	[sflag:s6] =	ssyncset.done $0x0  }
0x1bd: {  	[sflag:s6] =	ssyncadd.s32 $0xFFFFC000  }
0x1be: {  	_ =	swait.ge [sflag:s6], $0x4000  }
0x1bf: {  	[sflag:s6] =	ssyncset.done $0x0  }
0x1c0: {  	[sflag:s6] =	ssyncadd.s32 $0xFFFFC000  }
0x1c1: {  	_ =	swait.ge [sflag:s6], $0x4000  }
0x1c2: {  	[sflag:s6] =	ssyncset.done $0x0  }
0x1c3: {  	[sflag:s6] =	ssyncadd.s32 $0xFFFFC000  }
0x1c4: {  	_ =	swait.ge [sflag:s6], $0x4000  }
0x1c5: {  	[sflag:s6] =	ssyncset.done $0x0  }
0x1c6: {  	[sflag:s6] =	ssyncadd.s32 $0xFFFFC000  }
0x1c7: {  	_ =	swait.ge [sflag:s6], $0x4000  }
0x1c8: {  	[sflag:s6] =	ssyncset.done $0x0  }
0x1c9: {  	[sflag:s6] =	ssyncadd.s32 $0xFFFFC000  }
0x1ca: {  	_ =	swait.ge [sflag:s6], $0x4000  }
0x1cb: {  	[sflag:s6] =	ssyncset.done $0x0  }
0x1cc: {  	[sflag:s6] =	ssyncadd.s32 $0xFFFFC000  }
0x1cd: {  	_ =	swait.ge [sflag:s6], $0x4000  }
0x1ce: {  	p1 =	sne.s32 s0, $0x1;
	[sflag:s6] =	ssyncset.done $0x0  }
.Ltmp2:
0x1cf: {  	[sflag:s6] =	ssyncadd.s32 $0xFFFFC000;
	(pc) =	sbr.rel @p1 .LBB2_2-.Ltmp2, $4  }
0x1d0: {  	[bflag:$0x0] =	sbarrier.arrive $0xFFFF  }
0x1d1: {  	[hbm:s8], [sflag:s4] =	dma.local [spmem:s5], $0x2800  }
0x1d2: {  	_ =	swait.ge [sflag:s3], $0x2800  }
0x1d3: {  	s0 =	sadd.s32 $0xFFFFFFFF, s0;
	s1 =	rddreg [dreg:$0x4];
	[sflag:s3] =	ssyncset.done $0x0  }
.LBB2_3:
0x1d4: {  	[sflag:s3] =	ssyncadd.s32 @p0 $0xFFFFD800  }
0x1d5: {  	[tilespmem:s7], [sflag:$0x2] =	stream.linear.gather [hbm4b:s1+s30], $0x4000, $0x38;
	[tilespmem:$0x19400] =	vst v63  }
0x1d6: {  	_ =	swait.ge [sflag:s3], $0x4000  }
0x1d7: {  	[sflag:s3] =	ssyncset.done $0x0  }
0x1d8: {  	s0 =	rddreg [dreg:$0x5];
	[sflag:s3] =	ssyncadd.s32 $0xFFFFC000  }
0x1d9: {  	[tilespmem:s31], [sflag:$0x2] =	stream.linear.gather [hbm4b:s0+s30], $0x1400, $0x38;
	[tilespmem:$0x19400] =	vst v63  }
0x1da: {  	_ =	swait.ge [sflag:s3], $0x1400  }
0x1db: {  	[sflag:s3] =	ssyncset.done $0x0  }
0x1dc: {  	s30 =	rddreg [dreg:$0x3];
	[sflag:s3] =	ssyncadd.s32 $0xFFFFEC00  }
0x1dd: {  	[spmem:s5], [sflag:s4] =	dma.local [hbm:s30], $0x2800  }
0x1de: {  	_ =	swait.ge [sflag:s3], $0x2800  }
0x1df: {  	[sflag:s3] =	ssyncset.done $0x0  }
0x1e0: {  	[sflag:s3] =	ssyncadd.s32 $0xFFFFD800  }
0x1e1: {  	[bflag:$0x0] =	sbarrier.arrive $0xFFFF  }
0x1e2: {  	[spmem:s2] =	stream.indirect.scatter.add.f32 [tilespmem:s7], [sflag:$0x1], $0x80, s31, s9, $0xb8;
	[tilespmem:$0x19400] =	vst v63  }
0x1e3: {  	s1 =	rddreg [dreg:$0x6]  }
0x1e4: {  	[spmem:s2] =	stream.indirect.scatter.add.f32 [tilespmem:s7], [sflag:$0x1], $0x80, s1, s9, $0xb8;
	[tilespmem:$0x19400] =	vst v63  }
0x1e5: {  	s30 =	rddreg [dreg:$0x7]  }
0x1e6: {  	[spmem:s2] =	stream.indirect.scatter.add.f32 [tilespmem:s7], [sflag:$0x1], $0x80, s30, s9, $0xb8;
	[tilespmem:$0x19400] =	vst v63  }
0x1e7: {  	s31 =	rddreg [dreg:$0x8]  }
0x1e8: {  	[spmem:s2] =	stream.indirect.scatter.add.f32 [tilespmem:s7], [sflag:$0x1], $0x80, s31, s9, $0xb8;
	[tilespmem:$0x19400] =	vst v63  }
0x1e9: {  	s30 =	rddreg [dreg:$0x9]  }
0x1ea: {  	[spmem:s2] =	stream.indirect.scatter.add.f32 [tilespmem:s7], [sflag:$0x1], $0x80, s30, s9, $0xb8;
	[tilespmem:$0x19400] =	vst v63  }
0x1eb: {  	s31 =	rddreg [dreg:$0xa]  }
0x1ec: {  	[spmem:s2] =	stream.indirect.scatter.add.f32 [tilespmem:s7], [sflag:$0x1], $0x80, s31, s9, $0xb8;
	[tilespmem:$0x19400] =	vst v63  }
0x1ed: {  	s30 =	rddreg [dreg:$0xb]  }
0x1ee: {  	[spmem:s2] =	stream.indirect.scatter.add.f32 [tilespmem:s7], [sflag:$0x1], $0x80, s30, s9, $0xb8;
	[tilespmem:$0x19400] =	vst v63  }
0x1ef: {  	s31 =	rddreg [dreg:$0xc]  }
0x1f0: {  	[spmem:s2] =	stream.indirect.scatter.add.f32 [tilespmem:s7], [sflag:$0x1], $0x80, s31, s9, $0xb8;
	[tilespmem:$0x19400] =	vst v63  }
0x1f1: {  	_ =	swait.ge [sflag:s6], $0x4000  }
0x1f2: {  	[sflag:s6] =	ssyncset.done $0x0  }
0x1f3: {  	[sflag:s6] =	ssyncadd.s32 $0xFFFFC000  }
0x1f4: {  	_ =	swait.ge [sflag:s6], $0x4000  }
0x1f5: {  	[sflag:s6] =	ssyncset.done $0x0  }
0x1f6: {  	[sflag:s6] =	ssyncadd.s32 $0xFFFFC000  }
0x1f7: {  	_ =	swait.ge [sflag:s6], $0x4000  }
0x1f8: {  	[sflag:s6] =	ssyncset.done $0x0  }
0x1f9: {  	[sflag:s6] =	ssyncadd.s32 $0xFFFFC000  }
0x1fa: {  	_ =	swait.ge [sflag:s6], $0x4000  }
0x1fb: {  	[sflag:s6] =	ssyncset.done $0x0  }
0x1fc: {  	[sflag:s6] =	ssyncadd.s32 $0xFFFFC000  }
0x1fd: {  	_ =	swait.ge [sflag:s6], $0x4000  }
0x1fe: {  	[sflag:s6] =	ssyncset.done $0x0  }
0x1ff: {  	[sflag:s6] =	ssyncadd.s32 $0xFFFFC000  }
0x200: {  	_ =	swait.ge [sflag:s6], $0x4000  }
0x201: {  	[sflag:s6] =	ssyncset.done $0x0  }
0x202: {  	[sflag:s6] =	ssyncadd.s32 $0xFFFFC000  }
0x203: {  	_ =	swait.ge [sflag:s6], $0x4000  }
0x204: {  	[sflag:s6] =	ssyncset.done $0x0  }
0x205: {  	[sflag:s6] =	ssyncadd.s32 $0xFFFFC000  }
0x206: {  	_ =	swait.ge [sflag:s6], $0x4000  }
0x207: {  	[sflag:s6] =	ssyncset.done $0x0  }
0x208: {  	s30 =	rddreg [dreg:$0xd];
	[sflag:s6] =	ssyncadd.s32 $0xFFFFC000  }
0x209: {  	[spmem:s2] =	stream.indirect.scatter.add.f32 [tilespmem:s7], [sflag:$0x1], $0x80, s30, s9, $0xb8;
	[tilespmem:$0x19400] =	vst v63  }
0x20a: {  	s31 =	rddreg [dreg:$0xe]  }
0x20b: {  	[spmem:s2] =	stream.indirect.scatter.add.f32 [tilespmem:s7], [sflag:$0x1], $0x80, s31, s9, $0xb8;
	[tilespmem:$0x19400] =	vst v63  }
0x20c: {  	s30 =	rddreg [dreg:$0xf]  }
0x20d: {  	[spmem:s2] =	stream.indirect.scatter.add.f32 [tilespmem:s7], [sflag:$0x1], $0x80, s30, s9, $0xb8;
	[tilespmem:$0x19400] =	vst v63  }
0x20e: {  	s31 =	rddreg [dreg:$0x10]  }
0x20f: {  	[spmem:s2] =	stream.indirect.scatter.add.f32 [tilespmem:s7], [sflag:$0x1], $0x80, s31, s9, $0xb8;
	[tilespmem:$0x19400] =	vst v63  }
0x210: {  	s30 =	rddreg [dreg:$0x11]  }
0x211: {  	[spmem:s2] =	stream.indirect.scatter.add.f32 [tilespmem:s7], [sflag:$0x1], $0x80, s30, s9, $0xb8;
	[tilespmem:$0x19400] =	vst v63  }
0x212: {  	s31 =	rddreg [dreg:$0x12]  }
0x213: {  	[spmem:s2] =	stream.indirect.scatter.add.f32 [tilespmem:s7], [sflag:$0x1], $0x80, s31, s9, $0xb8;
	[tilespmem:$0x19400] =	vst v63  }
0x214: {  	s30 =	rddreg [dreg:$0x13]  }
0x215: {  	[spmem:s2] =	stream.indirect.scatter.add.f32 [tilespmem:s7], [sflag:$0x1], $0x80, s30, s9, $0xb8;
	[tilespmem:$0x19400] =	vst v63  }
0x216: {  	s31 =	rddreg [dreg:$0x14]  }
0x217: {  	[spmem:s2] =	stream.indirect.scatter.add.f32 [tilespmem:s7], [sflag:$0x1], $0x80, s31, s9, $0xb8;
	[tilespmem:$0x19400] =	vst v63  }
0x218: {  	_ =	swait.ge [sflag:s6], $0x4000  }
0x219: {  	[sflag:s6] =	ssyncset.done $0x0  }
0x21a: {  	[sflag:s6] =	ssyncadd.s32 $0xFFFFC000  }
0x21b: {  	_ =	swait.ge [sflag:s6], $0x4000  }
0x21c: {  	[sflag:s6] =	ssyncset.done $0x0  }
0x21d: {  	[sflag:s6] =	ssyncadd.s32 $0xFFFFC000  }
0x21e: {  	_ =	swait.ge [sflag:s6], $0x4000  }
0x21f: {  	[sflag:s6] =	ssyncset.done $0x0  }
0x220: {  	[sflag:s6] =	ssyncadd.s32 $0xFFFFC000  }
0x221: {  	_ =	swait.ge [sflag:s6], $0x4000  }
0x222: {  	[sflag:s6] =	ssyncset.done $0x0  }
0x223: {  	[sflag:s6] =	ssyncadd.s32 $0xFFFFC000  }
0x224: {  	_ =	swait.ge [sflag:s6], $0x4000  }
0x225: {  	[sflag:s6] =	ssyncset.done $0x0  }
0x226: {  	[sflag:s6] =	ssyncadd.s32 $0xFFFFC000  }
0x227: {  	_ =	swait.ge [sflag:s6], $0x4000  }
0x228: {  	[sflag:s6] =	ssyncset.done $0x0  }
0x229: {  	[sflag:s6] =	ssyncadd.s32 $0xFFFFC000  }
0x22a: {  	_ =	swait.ge [sflag:s6], $0x4000  }
0x22b: {  	[sflag:s6] =	ssyncset.done $0x0  }
0x22c: {  	[sflag:s6] =	ssyncadd.s32 $0xFFFFC000  }
0x22d: {  	_ =	swait.ge [sflag:s6], $0x4000  }
0x22e: {  	[sflag:s6] =	ssyncset.done $0x0  }
0x22f: {  	s30 =	rddreg [dreg:$0x15];
	[sflag:s6] =	ssyncadd.s32 $0xFFFFC000  }
0x230: {  	[spmem:s2] =	stream.indirect.scatter.add.f32 [tilespmem:s7], [sflag:$0x1], $0x80, s30, s9, $0xb8;
	[tilespmem:$0x19400] =	vst v63  }
0x231: {  	s31 =	rddreg [dreg:$0x16]  }
0x232: {  	[spmem:s2] =	stream.indirect.scatter.add.f32 [tilespmem:s7], [sflag:$0x1], $0x80, s31, s9, $0xb8;
	[tilespmem:$0x19400] =	vst v63  }
0x233: {  	s30 =	rddreg [dreg:$0x17]  }
0x234: {  	[spmem:s2] =	stream.indirect.scatter.add.f32 [tilespmem:s7], [sflag:$0x1], $0x80, s30, s9, $0xb8;
	[tilespmem:$0x19400] =	vst v63  }
0x235: {  	s31 =	rddreg [dreg:$0x18]  }
0x236: {  	[spmem:s2] =	stream.indirect.scatter.add.f32 [tilespmem:s7], [sflag:$0x1], $0x80, s31, s9, $0xb8;
	[tilespmem:$0x19400] =	vst v63  }
0x237: {  	s30 =	rddreg [dreg:$0x19]  }
0x238: {  	[spmem:s2] =	stream.indirect.scatter.add.f32 [tilespmem:s7], [sflag:$0x1], $0x80, s30, s9, $0xb8;
	[tilespmem:$0x19400] =	vst v63  }
0x239: {  	_ = 	snop  }
0x23a: {  	[spmem:s2] =	stream.indirect.scatter.add.f32 [tilespmem:s7], [sflag:$0x1], $0x80, s26, s9, $0xb8;
	[tilespmem:$0x19400] =	vst v63  }
0x23b: {  	_ = 	snop  }
0x23c: {  	[spmem:s2] =	stream.indirect.scatter.add.f32 [tilespmem:s7], [sflag:$0x1], $0x80, s28, s9, $0xb8;
	[tilespmem:$0x19400] =	vst v63  }
0x23d: {  	_ = 	snop  }
0x23e: {  	[spmem:s2] =	stream.indirect.scatter.add.f32 [tilespmem:s7], [sflag:$0x1], $0x80, s29, s9, $0xb8;
	[tilespmem:$0x19400] =	vst v63  }
0x23f: {  	_ =	swait.ge [sflag:s6], $0x4000  }
0x240: {  	[sflag:s6] =	ssyncset.done $0x0  }
0x241: {  	[sflag:s6] =	ssyncadd.s32 $0xFFFFC000  }
0x242: {  	_ =	swait.ge [sflag:s6], $0x4000  }
0x243: {  	[sflag:s6] =	ssyncset.done $0x0  }
0x244: {  	[sflag:s6] =	ssyncadd.s32 $0xFFFFC000  }
0x245: {  	_ =	swait.ge [sflag:s6], $0x4000  }
0x246: {  	[sflag:s6] =	ssyncset.done $0x0  }
0x247: {  	[sflag:s6] =	ssyncadd.s32 $0xFFFFC000  }
0x248: {  	_ =	swait.ge [sflag:s6], $0x4000  }
0x249: {  	[sflag:s6] =	ssyncset.done $0x0  }
0x24a: {  	[sflag:s6] =	ssyncadd.s32 $0xFFFFC000  }
0x24b: {  	_ =	swait.ge [sflag:s6], $0x4000  }
0x24c: {  	[sflag:s6] =	ssyncset.done $0x0  }
0x24d: {  	[sflag:s6] =	ssyncadd.s32 $0xFFFFC000  }
0x24e: {  	_ =	swait.ge [sflag:s6], $0x4000  }
0x24f: {  	[sflag:s6] =	ssyncset.done $0x0  }
0x250: {  	[sflag:s6] =	ssyncadd.s32 $0xFFFFC000  }
0x251: {  	_ =	swait.ge [sflag:s6], $0x4000  }
0x252: {  	[sflag:s6] =	ssyncset.done $0x0  }
0x253: {  	[sflag:s6] =	ssyncadd.s32 $0xFFFFC000  }
0x254: {  	_ =	swait.ge [sflag:s6], $0x4000  }
0x255: {  	[sflag:s6] =	ssyncset.done $0x0  }
0x256: {  	[sflag:s6] =	ssyncadd.s32 $0xFFFFC000  }
0x257: {  	[spmem:s2] =	stream.indirect.scatter.add.f32 [tilespmem:s7], [sflag:$0x1], $0x80, s18, s9, $0xb8;
	[tilespmem:$0x19400] =	vst v63  }
0x258: {  	_ = 	snop  }
0x259: {  	[spmem:s2] =	stream.indirect.scatter.add.f32 [tilespmem:s7], [sflag:$0x1], $0x80, s19, s9, $0xb8;
	[tilespmem:$0x19400] =	vst v63  }
0x25a: {  	_ = 	snop  }
0x25b: {  	[spmem:s2] =	stream.indirect.scatter.add.f32 [tilespmem:s7], [sflag:$0x1], $0x80, s20, s9, $0xb8;
	[tilespmem:$0x19400] =	vst v63  }
0x25c: {  	_ = 	snop  }
0x25d: {  	[spmem:s2] =	stream.indirect.scatter.add.f32 [tilespmem:s7], [sflag:$0x1], $0x80, s21, s9, $0xb8;
	[tilespmem:$0x19400] =	vst v63  }
0x25e: {  	_ = 	snop  }
0x25f: {  	[spmem:s2] =	stream.indirect.scatter.add.f32 [tilespmem:s7], [sflag:$0x1], $0x80, s22, s9, $0xb8;
	[tilespmem:$0x19400] =	vst v63  }
0x260: {  	_ = 	snop  }
0x261: {  	[spmem:s2] =	stream.indirect.scatter.add.f32 [tilespmem:s7], [sflag:$0x1], $0x80, s23, s9, $0xb8;
	[tilespmem:$0x19400] =	vst v63  }
0x262: {  	_ = 	snop  }
0x263: {  	[spmem:s2] =	stream.indirect.scatter.add.f32 [tilespmem:s7], [sflag:$0x1], $0x80, s24, s9, $0xb8;
	[tilespmem:$0x19400] =	vst v63  }
0x264: {  	_ = 	snop  }
0x265: {  	[spmem:s2] =	stream.indirect.scatter.add.f32 [tilespmem:s7], [sflag:$0x1], $0x80, s25, s9, $0xb8;
	[tilespmem:$0x19400] =	vst v63  }
0x266: {  	_ =	swait.ge [sflag:s6], $0x4000  }
0x267: {  	[sflag:s6] =	ssyncset.done $0x0  }
0x268: {  	[sflag:s6] =	ssyncadd.s32 $0xFFFFC000  }
0x269: {  	_ =	swait.ge [sflag:s6], $0x4000  }
0x26a: {  	[sflag:s6] =	ssyncset.done $0x0  }
0x26b: {  	[sflag:s6] =	ssyncadd.s32 $0xFFFFC000  }
0x26c: {  	_ =	swait.ge [sflag:s6], $0x4000  }
0x26d: {  	[sflag:s6] =	ssyncset.done $0x0  }
0x26e: {  	[sflag:s6] =	ssyncadd.s32 $0xFFFFC000  }
0x26f: {  	_ =	swait.ge [sflag:s6], $0x4000  }
0x270: {  	[sflag:s6] =	ssyncset.done $0x0  }
0x271: {  	[sflag:s6] =	ssyncadd.s32 $0xFFFFC000  }
0x272: {  	_ =	swait.ge [sflag:s6], $0x4000  }
0x273: {  	[sflag:s6] =	ssyncset.done $0x0  }
0x274: {  	[sflag:s6] =	ssyncadd.s32 $0xFFFFC000  }
0x275: {  	_ =	swait.ge [sflag:s6], $0x4000  }
0x276: {  	[sflag:s6] =	ssyncset.done $0x0  }
0x277: {  	[sflag:s6] =	ssyncadd.s32 $0xFFFFC000  }
0x278: {  	_ =	swait.ge [sflag:s6], $0x4000  }
0x279: {  	[sflag:s6] =	ssyncset.done $0x0  }
0x27a: {  	[sflag:s6] =	ssyncadd.s32 $0xFFFFC000  }
0x27b: {  	_ =	swait.ge [sflag:s6], $0x4000  }
0x27c: {  	[sflag:s6] =	ssyncset.done $0x0  }
0x27d: {  	[sflag:s6] =	ssyncadd.s32 $0xFFFFC000  }
0x27e: {  	[spmem:s2] =	stream.indirect.scatter.add.f32 [tilespmem:s7], [sflag:$0x1], $0x80, s10, s9, $0xb8;
	[tilespmem:$0x19400] =	vst v63  }
0x27f: {  	_ = 	snop  }
0x280: {  	[spmem:s2] =	stream.indirect.scatter.add.f32 [tilespmem:s7], [sflag:$0x1], $0x80, s11, s9, $0xb8;
	[tilespmem:$0x19400] =	vst v63  }
0x281: {  	_ = 	snop  }
0x282: {  	[spmem:s2] =	stream.indirect.scatter.add.f32 [tilespmem:s7], [sflag:$0x1], $0x80, s12, s9, $0xb8;
	[tilespmem:$0x19400] =	vst v63  }
0x283: {  	_ = 	snop  }
0x284: {  	[spmem:s2] =	stream.indirect.scatter.add.f32 [tilespmem:s7], [sflag:$0x1], $0x80, s13, s9, $0xb8;
	[tilespmem:$0x19400] =	vst v63  }
0x285: {  	_ = 	snop  }
0x286: {  	[spmem:s2] =	stream.indirect.scatter.add.f32 [tilespmem:s7], [sflag:$0x1], $0x80, s14, s9, $0xb8;
	[tilespmem:$0x19400] =	vst v63  }
0x287: {  	_ = 	snop  }
0x288: {  	[spmem:s2] =	stream.indirect.scatter.add.f32 [tilespmem:s7], [sflag:$0x1], $0x80, s15, s9, $0xb8;
	[tilespmem:$0x19400] =	vst v63  }
0x289: {  	_ = 	snop  }
0x28a: {  	[spmem:s2] =	stream.indirect.scatter.add.f32 [tilespmem:s7], [sflag:$0x1], $0x80, s16, s9, $0xb8;
	[tilespmem:$0x19400] =	vst v63  }
0x28b: {  	_ = 	snop  }
0x28c: {  	[spmem:s2] =	stream.indirect.scatter.add.f32 [tilespmem:s7], [sflag:$0x1], $0x80, s17, s9, $0xb8;
	[tilespmem:$0x19400] =	vst v63  }
0x28d: {  	_ =	swait.ge [sflag:s6], $0x4000  }
0x28e: {  	[sflag:s6] =	ssyncset.done $0x0  }
0x28f: {  	[sflag:s6] =	ssyncadd.s32 $0xFFFFC000  }
0x290: {  	_ =	swait.ge [sflag:s6], $0x4000  }
0x291: {  	[sflag:s6] =	ssyncset.done $0x0  }
0x292: {  	[sflag:s6] =	ssyncadd.s32 $0xFFFFC000  }
0x293: {  	_ =	swait.ge [sflag:s6], $0x4000  }
0x294: {  	[sflag:s6] =	ssyncset.done $0x0  }
0x295: {  	[sflag:s6] =	ssyncadd.s32 $0xFFFFC000  }
0x296: {  	_ =	swait.ge [sflag:s6], $0x4000  }
0x297: {  	[sflag:s6] =	ssyncset.done $0x0  }
0x298: {  	[sflag:s6] =	ssyncadd.s32 $0xFFFFC000  }
0x299: {  	_ =	swait.ge [sflag:s6], $0x4000  }
0x29a: {  	[sflag:s6] =	ssyncset.done $0x0  }
0x29b: {  	[sflag:s6] =	ssyncadd.s32 $0xFFFFC000  }
0x29c: {  	_ =	swait.ge [sflag:s6], $0x4000  }
0x29d: {  	[sflag:s6] =	ssyncset.done $0x0  }
0x29e: {  	[sflag:s6] =	ssyncadd.s32 $0xFFFFC000  }
0x29f: {  	_ =	swait.ge [sflag:s6], $0x4000  }
0x2a0: {  	[sflag:s6] =	ssyncset.done $0x0  }
0x2a1: {  	[sflag:s6] =	ssyncadd.s32 $0xFFFFC000  }
0x2a2: {  	_ =	swait.ge [sflag:s6], $0x4000  }
0x2a3: {  	[sflag:s6] =	ssyncset.done $0x0  }
0x2a4: {  	[sflag:s6] =	ssyncadd.s32 $0xFFFFC000  }
0x2a5: {  	[bflag:$0x0] =	sbarrier.arrive $0xFFFF  }
0x2a6: {  	[hbm:s8], [sflag:s4] =	dma.local [spmem:s5], $0x2800  }
0x2a7: {  	_ =	swait.ge [sflag:s3], $0x2800  }
0x2a8: {  	[sflag:s3] =	ssyncset.done $0x0  }
0x2a9: {  	[sflag:s3] =	ssyncadd.s32 $0xFFFFD800  }
0x2aa: {  	_ =	sfence.sel $0x180000  }
0x2ab: {  	[bflag:$0x0] =	sbarrier.arrive $0xFFFF  }
0x2ac: {  	_ =	strace $0x90000047  }
0x2ad: {  	s31 =	stileid.u32;
	[bflag:$0x2] =	sbarrier.arrive $0xFFFF  }
0x2ae: {  	p0 =	sne.s32 s31, $0x0;
	s0 =	rddreg [dreg:$0x2]  }
0x2af: {  	s0 =	sadd.s32 @!p0 $0x100000, s0  }
0x2b0: {  	[sflag:s0] =	ssyncadd.tile.s32 @!p0 $0x1;
	_ =	shalt  }
.Lfunc_end2:
_tile_overlayer_lowered:
.L_overlay_start_2:
0x2b1: {  	(tag) =	ssettag $0x2  }
0x2b2: {  	s0 =	rddreg [dreg:$0x0];
	s2 =	stileid.u32  }
0x2b3: {  	s1 =	rddreg [dreg:$0x1];
	p0 =	sne.s32 s2, $0x0  }
0x2b4: {  	s3 =	rddreg [dreg:$0x2];
	[bflag:$0x3] =	sbarrier.arrive $0xFFFF;
	s2 =	simm.s32 @!p0 $0x1C02  }
0x2b5: {  	[timem:s3], [sflag:s2] =	dma.local @!p0 [hbm:s0], s1  }
0x2b6: {  	s0 =	simm.s32 @!p0 $0x2  }
0x2b7: {  	_ =	swait.ge @!p0 [sflag:s0], s1  }
0x2b8: {  	s1 =	ssub.s32 @!p0 $0x0, s1;
	[sflag:s0] =	ssyncset.done @!p0 $0x0  }
0x2b9: {  	[sflag:s0] =	ssyncadd.s32 @!p0 s1  }
0x2ba: {  	[bflag:$0x3] =	sbarrier.arrive $0xFFFF  }
0x2bb: {  	_ =	shalt  }

</sc_bundles>
